<compile_context>
chip_gen: v7x
topology: tpu7x:2x2x1
jax: 0.10.2.dev20260603
libtpu: 0.0.44.dev20260713+nightly
codegen_flags: <defaults>
</compile_context>

<pallas_src>
import functools

import jax
import jax.numpy as jnp
from jax import lax
from jax.experimental import pallas as pl
from jax.experimental.pallas import tpu as pltpu
from jax.experimental.pallas import tpu_sc as plsc

B = 16384
CTX = 10
NEG = 20
D = 64
NSCORE = NEG + 1
NC, NS, L = 2, 16, 16
NW = NC * NS
BPW = B // NW
NB = 16
NCHUNK = BPW // NB
NBUF = 2


def _sc_scores(ctx_flat, tgt, neg_flat, in_emb, out_emb):
  mesh = plsc.VectorSubcoreMesh(core_axis_name="c", subcore_axis_name="s")

  @functools.partial(
      pl.kernel,
      out_type=jax.ShapeDtypeStruct((B * NSCORE,), jnp.float32),
      mesh=mesh,
      scratch_types=[
          pltpu.VMEM((BPW * CTX,), jnp.int32),
          pltpu.VMEM((BPW,), jnp.int32),
          pltpu.VMEM((BPW * NEG,), jnp.int32),
          pltpu.VMEM((NBUF, CTX * NB, D), jnp.float32),
          pltpu.VMEM((NBUF, NB, D), jnp.float32),
          pltpu.VMEM((NBUF, NEG * NB, D), jnp.float32),
          pltpu.VMEM((BPW * NSCORE,), jnp.float32),
          pltpu.SemaphoreType.DMA,
          pltpu.SemaphoreType.DMA,
          pltpu.SemaphoreType.DMA,
      ],
      compiler_params=pltpu.CompilerParams(
          needs_layout_passes=False, use_tc_tiling_on_sc=False),
  )
  def k(ctx_hbm, tgt_hbm, neg_hbm, ine_hbm, oute_hbm, out_hbm,
        ctx_idx, tgt_idx, neg_idx, ctx_rows, tgt_rows, neg_rows,
        out_all, sem_i, sem_r0, sem_r1):
    wid = lax.axis_index("s") * NC + lax.axis_index("c")
    iota = lax.iota(jnp.int32, L)
    rows10 = iota * CTX
    rows20 = iota * NEG
    sems = (sem_r0, sem_r1)

    def fire(g, b):
      sem = sems[b]
      co = g * CTX * NB
      no = g * NEG * NB
      pltpu.async_copy(ine_hbm.at[ctx_idx.at[pl.ds(co, 128)]],
                       ctx_rows.at[b, pl.ds(0, 128), :], sem)
      pltpu.async_copy(ine_hbm.at[ctx_idx.at[pl.ds(co + 128, 32)]],
                       ctx_rows.at[b, pl.ds(128, 32), :], sem)
      pltpu.async_copy(oute_hbm.at[tgt_idx.at[pl.ds(g * NB, NB)]],
                       tgt_rows.at[b], sem)
      pltpu.async_copy(oute_hbm.at[neg_idx.at[pl.ds(no, 128)]],
                       neg_rows.at[b, pl.ds(0, 128), :], sem)
      pltpu.async_copy(oute_hbm.at[neg_idx.at[pl.ds(no + 128, 128)]],
                       neg_rows.at[b, pl.ds(128, 128), :], sem)
      pltpu.async_copy(oute_hbm.at[neg_idx.at[pl.ds(no + 256, 64)]],
                       neg_rows.at[b, pl.ds(256, 64), :], sem)

    def drain(b):
      sem = sems[b]
      pltpu.make_async_copy(ine_hbm.at[ctx_idx.at[pl.ds(0, 128)]],
                            ctx_rows.at[b, pl.ds(0, 128), :], sem).wait()
      pltpu.make_async_copy(ine_hbm.at[ctx_idx.at[pl.ds(0, 32)]],
                            ctx_rows.at[b, pl.ds(128, 32), :], sem).wait()
      pltpu.make_async_copy(oute_hbm.at[tgt_idx.at[pl.ds(0, NB)]],
                            tgt_rows.at[b], sem).wait()
      pltpu.make_async_copy(oute_hbm.at[neg_idx.at[pl.ds(0, 128)]],
                            neg_rows.at[b, pl.ds(0, 128), :], sem).wait()
      pltpu.make_async_copy(oute_hbm.at[neg_idx.at[pl.ds(0, 128)]],
                            neg_rows.at[b, pl.ds(128, 128), :], sem).wait()
      pltpu.make_async_copy(oute_hbm.at[neg_idx.at[pl.ds(0, 64)]],
                            neg_rows.at[b, pl.ds(256, 64), :], sem).wait()

    def compute(g, b):
      def dstep(d, acc):
        dv = (iota + d) & (D - 1)
        c = plsc.load_gather(ctx_rows.at[b], [rows10, dv])
        for j in range(1, CTX):
          c = c + plsc.load_gather(ctx_rows.at[b], [rows10 + j, dv])
        t = plsc.load_gather(tgt_rows.at[b], [iota, dv])
        pos = acc[0] + c * t
        negs = [
            acc[1 + n] + c * plsc.load_gather(neg_rows.at[b], [rows20 + n, dv])
            for n in range(NEG)
        ]
        return (pos, *negs)

      zero = jnp.zeros((L,), jnp.float32)
      acc = lax.fori_loop(0, D, dstep, (zero,) * NSCORE)
      scale = jnp.float32(1.0 / CTX)
      oidx = (g * NB + iota) * NSCORE
      plsc.store_scatter(out_all, [oidx], acc[0] * scale)
      for n in range(NEG):
        plsc.store_scatter(out_all, [oidx + (1 + n)], acc[1 + n] * (-scale))

    ci = pltpu.async_copy(
        ctx_hbm.at[pl.ds(wid * BPW * CTX, BPW * CTX)], ctx_idx, sem_i)
    ti = pltpu.async_copy(tgt_hbm.at[pl.ds(wid * BPW, BPW)], tgt_idx, sem_i)
    ni = pltpu.async_copy(
        neg_hbm.at[pl.ds(wid * BPW * NEG, BPW * NEG)], neg_idx, sem_i)
    ci.wait()
    ti.wait()
    ni.wait()

    for b in range(NBUF):
      fire(b, b)

    def pair(p, carry):
      g = p * NBUF
      for b in range(NBUF):
        drain(b)
        compute(g + b, b)
        @pl.when(g + b + NBUF < NCHUNK)
        def _():
          fire(g + b + NBUF, b)
      return carry

    lax.fori_loop(0, NCHUNK // NBUF, pair, 0)

    pltpu.sync_copy(
        out_all, out_hbm.at[pl.ds(wid * BPW * NSCORE, BPW * NSCORE)])

  return k(ctx_flat, tgt, neg_flat, in_emb, out_emb)


def _tc_loss(scores2d):
  def body(x_ref, o_ref):
    ls = jax.nn.log_sigmoid(x_ref[...])
    o_ref[0, 0] = -jnp.sum(ls) / jnp.float32(B)

  return pl.pallas_call(
      body,
      out_shape=jax.ShapeDtypeStruct((1, 1), jnp.float32),
      out_specs=pl.BlockSpec(memory_space=pltpu.SMEM),
  )(scores2d)


def kernel(context_words, target_words, negative_words, input_embeddings,
           output_embeddings):
  ctx_flat = context_words.reshape(-1).astype(jnp.int32)
  neg_flat = negative_words.reshape(-1).astype(jnp.int32)
  tgt = target_words.astype(jnp.int32)
  scores = _sc_scores(ctx_flat, tgt, neg_flat, input_embeddings,
                      output_embeddings)
  loss = _tc_loss(scores.reshape(B * NSCORE // 128, 128))
  return loss[0, 0]

# --- scband reference (transcript-rebuilt; emitter-appended) ---
"""Pipeline reference for scband-cbowmodel-89489938580305 (READ-ONLY COPY).

The authoritative reference and input builder live on the scoring server;
editing this copy changes nothing except your own understanding.
"""

import jax, jax.numpy as jnp
import numpy as np

VOCAB = 1000000
DIM = 64
BATCH = 16384
CTX = 10
NEG = 20

def setup_inputs(seed: int = 0) -> dict:
    key = jax.random.key(seed)
    k1, k2, k3, k4, k5 = jax.random.split(key, 5)
    context_words = jax.random.randint(k1, (BATCH, CTX), 0, VOCAB, dtype=jnp.int64 if jax.config.jax_enable_x64 else jnp.int32)
    target_words = jax.random.randint(k2, (BATCH,), 0, VOCAB, dtype=jnp.int64 if jax.config.jax_enable_x64 else jnp.int32)
    negative_words = jax.random.randint(k3, (BATCH, NEG), 0, VOCAB, dtype=jnp.int64 if jax.config.jax_enable_x64 else jnp.int32)
    # xavier_uniform: bound = sqrt(6/(fan_in+fan_out)) for [vocab, dim]
    bound = float(np.sqrt(6.0 / (VOCAB + DIM)))
    input_embeddings = jax.random.uniform(k4, (VOCAB, DIM), dtype=jnp.float32, minval=-bound, maxval=bound)
    output_embeddings = jax.random.uniform(k5, (VOCAB, DIM), dtype=jnp.float32, minval=-bound, maxval=bound)
    return {
        "context_words": context_words,
        "target_words": target_words,
        "negative_words": negative_words,
        "input_embeddings": input_embeddings,
        "output_embeddings": output_embeddings,
    }

def reference(context_words, target_words, negative_words, input_embeddings, output_embeddings):
    # context embedding lookup + mean over window
    context_embeds = jnp.take(input_embeddings, context_words, axis=0)  # [B, CTX, D]
    context_embeds = jnp.mean(context_embeds, axis=1)  # [B, D]
    # positive score
    target_embeds = jnp.take(output_embeddings, target_words, axis=0)  # [B, D]
    pos_score = jnp.sum(context_embeds * target_embeds, axis=1)  # [B]
    pos_loss = jax.nn.log_sigmoid(pos_score)
    # negative scores via batched matmul
    neg_embeds = jnp.take(output_embeddings, negative_words, axis=0)  # [B, NEG, D]
    neg_score = jnp.einsum('bnd,bd->bn', neg_embeds, context_embeds)  # [B, NEG]
    neg_loss = jnp.sum(jax.nn.log_sigmoid(-neg_score), axis=1)  # [B]
    return -jnp.mean(pos_loss + neg_loss)

if False:  # reference __main__ guard neutralized (emitter)
    out = reference(**setup_inputs())
    print(out)

if __name__ == "__main__":
    import jax
    _d = setup_inputs()
    print(jax.jit(kernel)(*tuple(_d.values())))

</pallas_src>

<mosaic_0001>
#map = affine_map<(d0, d1) -> (0)>
#map1 = affine_map<(d0, d1) -> (0, 0)>
module attributes {stable_mosaic.version = 14 : i64} {
  func.func @k(%arg0: i32, %arg1: i32, %arg2: memref<163840xi32, #tpu.memory_space<hbm>>, %arg3: memref<16384xi32, #tpu.memory_space<hbm>>, %arg4: memref<327680xi32, #tpu.memory_space<hbm>>, %arg5: memref<1000000x64xf32, #tpu.memory_space<hbm>>, %arg6: memref<1000000x64xf32, #tpu.memory_space<hbm>>, %arg7: memref<344064xf32, #tpu.memory_space<hbm>>, %arg8: memref<5120xi32, #tpu.memory_space<vmem>>, %arg9: memref<512xi32, #tpu.memory_space<vmem>>, %arg10: memref<10240xi32, #tpu.memory_space<vmem>>, %arg11: memref<2x160x64xf32, #tpu.memory_space<vmem>>, %arg12: memref<2x16x64xf32, #tpu.memory_space<vmem>>, %arg13: memref<2x320x64xf32, #tpu.memory_space<vmem>>, %arg14: memref<10752xf32, #tpu.memory_space<vmem>>, %arg15: memref<!tpu.dma_semaphore, #tpu.memory_space<semaphore_mem>>, %arg16: memref<!tpu.dma_semaphore, #tpu.memory_space<semaphore_mem>>, %arg17: memref<!tpu.dma_semaphore, #tpu.memory_space<semaphore_mem>>) attributes {dimension_semantics = [#tpu.dimension_semantics<core_parallel>, #tpu.dimension_semantics<subcore_parallel>], iteration_bounds = array<i64: 2, 16>, scalar_prefetch = 0 : i64, scratch_operands = 10 : i64, tpu.core_type = #tpu.core_type<sc_vector_subcore>, window_params = [{transform_indices = #map}, {transform_indices = #map}, {transform_indices = #map}, {transform_indices = #map1}, {transform_indices = #map1}, {transform_indices = #map}]} {
    %mul3A = arith.constant 2 : i32
    %mul3A_0 = arith.muli %arg1, %mul3A : i32
    %add3A = arith.addi %mul3A_0, %arg0 : i32
    %iota3A = tpu.iota {dimensions = array<i32: 0>} : vector<16xi32>
    %mul3A_1 = arith.constant 10 : i32
    %mul3A_2 = vector.broadcast %mul3A_1 : i32 to vector<16xi32>
    %mul3A_3 = arith.muli %iota3A, %mul3A_2 : vector<16xi32>
    %mul3A_4 = arith.constant 20 : i32
    %mul3A_5 = vector.broadcast %mul3A_4 : i32 to vector<16xi32>
    %mul3A_6 = arith.muli %iota3A, %mul3A_5 : vector<16xi32>
    %mul3A_7 = arith.constant 512 : i32
    %mul3A_8 = arith.muli %add3A, %mul3A_7 : i32
    %mul3A_9 = arith.constant 10 : i32
    %mul3A_10 = arith.muli %mul3A_8, %mul3A_9 : i32
    %dma_start3A = tpu.memref_slice %arg2[%mul3A_10] : memref<163840xi32, #tpu.memory_space<hbm>> -> memref<5120xi32, #tpu.memory_space<hbm>>
    %dma_start3A_11 = tpu.memref_slice %arg2[%mul3A_10] : memref<163840xi32, #tpu.memory_space<hbm>> -> memref<5120xi32, #tpu.memory_space<hbm>>
    tpu.enqueue_dma source(%dma_start3A_11 : memref<5120xi32, #tpu.memory_space<hbm>>) target(%arg8 : memref<5120xi32, #tpu.memory_space<vmem>>) target_semaphore(%arg15 : memref<!tpu.dma_semaphore, #tpu.memory_space<semaphore_mem>>)
    %mul3A_12 = arith.constant 512 : i32
    %mul3A_13 = arith.muli %add3A, %mul3A_12 : i32
    %dma_start3A_14 = tpu.memref_slice %arg3[%mul3A_13] : memref<16384xi32, #tpu.memory_space<hbm>> -> memref<512xi32, #tpu.memory_space<hbm>>
    %dma_start3A_15 = tpu.memref_slice %arg3[%mul3A_13] : memref<16384xi32, #tpu.memory_space<hbm>> -> memref<512xi32, #tpu.memory_space<hbm>>
    tpu.enqueue_dma source(%dma_start3A_15 : memref<512xi32, #tpu.memory_space<hbm>>) target(%arg9 : memref<512xi32, #tpu.memory_space<vmem>>) target_semaphore(%arg15 : memref<!tpu.dma_semaphore, #tpu.memory_space<semaphore_mem>>)
    %mul3A_16 = arith.constant 512 : i32
    %mul3A_17 = arith.muli %add3A, %mul3A_16 : i32
    %mul3A_18 = arith.constant 20 : i32
    %mul3A_19 = arith.muli %mul3A_17, %mul3A_18 : i32
    %dma_start3A_20 = tpu.memref_slice %arg4[%mul3A_19] : memref<327680xi32, #tpu.memory_space<hbm>> -> memref<10240xi32, #tpu.memory_space<hbm>>
    %dma_start3A_21 = tpu.memref_slice %arg4[%mul3A_19] : memref<327680xi32, #tpu.memory_space<hbm>> -> memref<10240xi32, #tpu.memory_space<hbm>>
    tpu.enqueue_dma source(%dma_start3A_21 : memref<10240xi32, #tpu.memory_space<hbm>>) target(%arg10 : memref<10240xi32, #tpu.memory_space<vmem>>) target_semaphore(%arg15 : memref<!tpu.dma_semaphore, #tpu.memory_space<semaphore_mem>>)
    %dma_wait3A = tpu.memref_slice %arg2[%mul3A_10] : memref<163840xi32, #tpu.memory_space<hbm>> -> memref<5120xi32, #tpu.memory_space<hbm>>
    %dma_wait3A_22 = tpu.memref_slice %arg2[%mul3A_10] : memref<163840xi32, #tpu.memory_space<hbm>> -> memref<5120xi32, #tpu.memory_space<hbm>>
    tpu.wait_dma2 semaphore(%arg15 : memref<!tpu.dma_semaphore, #tpu.memory_space<semaphore_mem>>) src(%dma_wait3A_22 : memref<5120xi32, #tpu.memory_space<hbm>>) dst(%arg8 : memref<5120xi32, #tpu.memory_space<vmem>>)
    %dma_wait3A_23 = tpu.memref_slice %arg3[%mul3A_13] : memref<16384xi32, #tpu.memory_space<hbm>> -> memref<512xi32, #tpu.memory_space<hbm>>
    %dma_wait3A_24 = tpu.memref_slice %arg3[%mul3A_13] : memref<16384xi32, #tpu.memory_space<hbm>> -> memref<512xi32, #tpu.memory_space<hbm>>
    tpu.wait_dma2 semaphore(%arg15 : memref<!tpu.dma_semaphore, #tpu.memory_space<semaphore_mem>>) src(%dma_wait3A_24 : memref<512xi32, #tpu.memory_space<hbm>>) dst(%arg9 : memref<512xi32, #tpu.memory_space<vmem>>)
    %dma_wait3A_25 = tpu.memref_slice %arg4[%mul3A_19] : memref<327680xi32, #tpu.memory_space<hbm>> -> memref<10240xi32, #tpu.memory_space<hbm>>
    %dma_wait3A_26 = tpu.memref_slice %arg4[%mul3A_19] : memref<327680xi32, #tpu.memory_space<hbm>> -> memref<10240xi32, #tpu.memory_space<hbm>>
    tpu.wait_dma2 semaphore(%arg15 : memref<!tpu.dma_semaphore, #tpu.memory_space<semaphore_mem>>) src(%dma_wait3A_26 : memref<10240xi32, #tpu.memory_space<hbm>>) dst(%arg10 : memref<10240xi32, #tpu.memory_space<vmem>>)
    %dma_start3A_27 = arith.constant 0 : i32
    %dma_start3A_28 = arith.constant 0 : i32
    %dma_start3A_29 = arith.constant 0 : i32
    %dma_start3A_30 = tpu.memref_slice %arg11[%dma_start3A_27, %dma_start3A_28, %dma_start3A_29] : memref<2x160x64xf32, #tpu.memory_space<vmem>> -> memref<1x128x64xf32, #tpu.memory_space<vmem>>
    %dma_start3A_31 = tpu.memref_squeeze %dma_start3A_30 : memref<1x128x64xf32, #tpu.memory_space<vmem>> -> memref<128x64xf32, #tpu.memory_space<vmem>>
    %dma_start3A_32 = arith.constant 0 : i32
    %dma_start3A_33 = tpu.memref_slice %arg8[%dma_start3A_32] : memref<5120xi32, #tpu.memory_space<vmem>> -> memref<128xi32, #tpu.memory_space<vmem>>
    %dma_start3A_34 = arith.constant 0 : i32
    %dma_start3A_35 = arith.constant 0 : i32
    %dma_start3A_36 = tpu.memref_slice %arg5[%dma_start3A_34, %dma_start3A_35] : memref<1000000x64xf32, #tpu.memory_space<hbm>> -> memref<1000000x64xf32, #tpu.memory_space<hbm>>
    tpu.enqueue_indirect_dma source(%dma_start3A_36 : memref<1000000x64xf32, #tpu.memory_space<hbm>>) target(%dma_start3A_31 : memref<128x64xf32, #tpu.memory_space<vmem>>) offsets(%dma_start3A_33 : memref<128xi32, #tpu.memory_space<vmem>>) semaphore(%arg16 : memref<!tpu.dma_semaphore, #tpu.memory_space<semaphore_mem>>)
    %dma_start3A_37 = arith.constant 0 : i32
    %dma_start3A_38 = arith.constant 128 : i32
    %dma_start3A_39 = arith.constant 0 : i32
    %dma_start3A_40 = tpu.memref_slice %arg11[%dma_start3A_37, %dma_start3A_38, %dma_start3A_39] : memref<2x160x64xf32, #tpu.memory_space<vmem>> -> memref<1x32x64xf32, #tpu.memory_space<vmem>>
    %dma_start3A_41 = tpu.memref_squeeze %dma_start3A_40 : memref<1x32x64xf32, #tpu.memory_space<vmem>> -> memref<32x64xf32, #tpu.memory_space<vmem>>
    %dma_start3A_42 = arith.constant 128 : i32
    %dma_start3A_43 = tpu.memref_slice %arg8[%dma_start3A_42] : memref<5120xi32, #tpu.memory_space<vmem>> -> memref<32xi32, #tpu.memory_space<vmem>>
    %dma_start3A_44 = arith.constant 0 : i32
    %dma_start3A_45 = arith.constant 0 : i32
    %dma_start3A_46 = tpu.memref_slice %arg5[%dma_start3A_44, %dma_start3A_45] : memref<1000000x64xf32, #tpu.memory_space<hbm>> -> memref<1000000x64xf32, #tpu.memory_space<hbm>>
    tpu.enqueue_indirect_dma source(%dma_start3A_46 : memref<1000000x64xf32, #tpu.memory_space<hbm>>) target(%dma_start3A_41 : memref<32x64xf32, #tpu.memory_space<vmem>>) offsets(%dma_start3A_43 : memref<32xi32, #tpu.memory_space<vmem>>) semaphore(%arg16 : memref<!tpu.dma_semaphore, #tpu.memory_space<semaphore_mem>>)
    %dma_start3A_47 = arith.constant 0 : i32
    %dma_start3A_48 = arith.constant 0 : i32
    %dma_start3A_49 = arith.constant 0 : i32
    %dma_start3A_50 = tpu.memref_slice %arg12[%dma_start3A_47, %dma_start3A_48, %dma_start3A_49] : memref<2x16x64xf32, #tpu.memory_space<vmem>> -> memref<1x16x64xf32, #tpu.memory_space<vmem>>
    %dma_start3A_51 = tpu.memref_squeeze %dma_start3A_50 : memref<1x16x64xf32, #tpu.memory_space<vmem>> -> memref<16x64xf32, #tpu.memory_space<vmem>>
    %dma_start3A_52 = arith.constant 0 : i32
    %dma_start3A_53 = tpu.memref_slice %arg9[%dma_start3A_52] : memref<512xi32, #tpu.memory_space<vmem>> -> memref<16xi32, #tpu.memory_space<vmem>>
    %dma_start3A_54 = arith.constant 0 : i32
    %dma_start3A_55 = arith.constant 0 : i32
    %dma_start3A_56 = tpu.memref_slice %arg6[%dma_start3A_54, %dma_start3A_55] : memref<1000000x64xf32, #tpu.memory_space<hbm>> -> memref<1000000x64xf32, #tpu.memory_space<hbm>>
    tpu.enqueue_indirect_dma source(%dma_start3A_56 : memref<1000000x64xf32, #tpu.memory_space<hbm>>) target(%dma_start3A_51 : memref<16x64xf32, #tpu.memory_space<vmem>>) offsets(%dma_start3A_53 : memref<16xi32, #tpu.memory_space<vmem>>) semaphore(%arg16 : memref<!tpu.dma_semaphore, #tpu.memory_space<semaphore_mem>>)
    %dma_start3A_57 = arith.constant 0 : i32
    %dma_start3A_58 = arith.constant 0 : i32
    %dma_start3A_59 = arith.constant 0 : i32
    %dma_start3A_60 = tpu.memref_slice %arg13[%dma_start3A_57, %dma_start3A_58, %dma_start3A_59] : memref<2x320x64xf32, #tpu.memory_space<vmem>> -> memref<1x128x64xf32, #tpu.memory_space<vmem>>
    %dma_start3A_61 = tpu.memref_squeeze %dma_start3A_60 : memref<1x128x64xf32, #tpu.memory_space<vmem>> -> memref<128x64xf32, #tpu.memory_space<vmem>>
    %dma_start3A_62 = arith.constant 0 : i32
    %dma_start3A_63 = tpu.memref_slice %arg10[%dma_start3A_62] : memref<10240xi32, #tpu.memory_space<vmem>> -> memref<128xi32, #tpu.memory_space<vmem>>
    %dma_start3A_64 = arith.constant 0 : i32
    %dma_start3A_65 = arith.constant 0 : i32
    %dma_start3A_66 = tpu.memref_slice %arg6[%dma_start3A_64, %dma_start3A_65] : memref<1000000x64xf32, #tpu.memory_space<hbm>> -> memref<1000000x64xf32, #tpu.memory_space<hbm>>
    tpu.enqueue_indirect_dma source(%dma_start3A_66 : memref<1000000x64xf32, #tpu.memory_space<hbm>>) target(%dma_start3A_61 : memref<128x64xf32, #tpu.memory_space<vmem>>) offsets(%dma_start3A_63 : memref<128xi32, #tpu.memory_space<vmem>>) semaphore(%arg16 : memref<!tpu.dma_semaphore, #tpu.memory_space<semaphore_mem>>)
    %dma_start3A_67 = arith.constant 0 : i32
    %dma_start3A_68 = arith.constant 128 : i32
    %dma_start3A_69 = arith.constant 0 : i32
    %dma_start3A_70 = tpu.memref_slice %arg13[%dma_start3A_67, %dma_start3A_68, %dma_start3A_69] : memref<2x320x64xf32, #tpu.memory_space<vmem>> -> memref<1x128x64xf32, #tpu.memory_space<vmem>>
    %dma_start3A_71 = tpu.memref_squeeze %dma_start3A_70 : memref<1x128x64xf32, #tpu.memory_space<vmem>> -> memref<128x64xf32, #tpu.memory_space<vmem>>
    %dma_start3A_72 = arith.constant 128 : i32
    %dma_start3A_73 = tpu.memref_slice %arg10[%dma_start3A_72] : memref<10240xi32, #tpu.memory_space<vmem>> -> memref<128xi32, #tpu.memory_space<vmem>>
    %dma_start3A_74 = arith.constant 0 : i32
    %dma_start3A_75 = arith.constant 0 : i32
    %dma_start3A_76 = tpu.memref_slice %arg6[%dma_start3A_74, %dma_start3A_75] : memref<1000000x64xf32, #tpu.memory_space<hbm>> -> memref<1000000x64xf32, #tpu.memory_space<hbm>>
    tpu.enqueue_indirect_dma source(%dma_start3A_76 : memref<1000000x64xf32, #tpu.memory_space<hbm>>) target(%dma_start3A_71 : memref<128x64xf32, #tpu.memory_space<vmem>>) offsets(%dma_start3A_73 : memref<128xi32, #tpu.memory_space<vmem>>) semaphore(%arg16 : memref<!tpu.dma_semaphore, #tpu.memory_space<semaphore_mem>>)
    %dma_start3A_77 = arith.constant 0 : i32
    %dma_start3A_78 = arith.constant 256 : i32
    %dma_start3A_79 = arith.constant 0 : i32
    %dma_start3A_80 = tpu.memref_slice %arg13[%dma_start3A_77, %dma_start3A_78, %dma_start3A_79] : memref<2x320x64xf32, #tpu.memory_space<vmem>> -> memref<1x64x64xf32, #tpu.memory_space<vmem>>
    %dma_start3A_81 = tpu.memref_squeeze %dma_start3A_80 : memref<1x64x64xf32, #tpu.memory_space<vmem>> -> memref<64x64xf32, #tpu.memory_space<vmem>>
    %dma_start3A_82 = arith.constant 256 : i32
    %dma_start3A_83 = tpu.memref_slice %arg10[%dma_start3A_82] : memref<10240xi32, #tpu.memory_space<vmem>> -> memref<64xi32, #tpu.memory_space<vmem>>
    %dma_start3A_84 = arith.constant 0 : i32
    %dma_start3A_85 = arith.constant 0 : i32
    %dma_start3A_86 = tpu.memref_slice %arg6[%dma_start3A_84, %dma_start3A_85] : memref<1000000x64xf32, #tpu.memory_space<hbm>> -> memref<1000000x64xf32, #tpu.memory_space<hbm>>
    tpu.enqueue_indirect_dma source(%dma_start3A_86 : memref<1000000x64xf32, #tpu.memory_space<hbm>>) target(%dma_start3A_81 : memref<64x64xf32, #tpu.memory_space<vmem>>) offsets(%dma_start3A_83 : memref<64xi32, #tpu.memory_space<vmem>>) semaphore(%arg16 : memref<!tpu.dma_semaphore, #tpu.memory_space<semaphore_mem>>)
    %dma_start3A_87 = arith.constant 1 : i32
    %dma_start3A_88 = arith.constant 0 : i32
    %dma_start3A_89 = arith.constant 0 : i32
    %dma_start3A_90 = tpu.memref_slice %arg11[%dma_start3A_87, %dma_start3A_88, %dma_start3A_89] : memref<2x160x64xf32, #tpu.memory_space<vmem>> -> memref<1x128x64xf32, #tpu.memory_space<vmem>>
    %dma_start3A_91 = tpu.memref_squeeze %dma_start3A_90 : memref<1x128x64xf32, #tpu.memory_space<vmem>> -> memref<128x64xf32, #tpu.memory_space<vmem>>
    %dma_start3A_92 = arith.constant 160 : i32
    %dma_start3A_93 = tpu.memref_slice %arg8[%dma_start3A_92] : memref<5120xi32, #tpu.memory_space<vmem>> -> memref<128xi32, #tpu.memory_space<vmem>>
    %dma_start3A_94 = arith.constant 0 : i32
    %dma_start3A_95 = arith.constant 0 : i32
    %dma_start3A_96 = tpu.memref_slice %arg5[%dma_start3A_94, %dma_start3A_95] : memref<1000000x64xf32, #tpu.memory_space<hbm>> -> memref<1000000x64xf32, #tpu.memory_space<hbm>>
    tpu.enqueue_indirect_dma source(%dma_start3A_96 : memref<1000000x64xf32, #tpu.memory_space<hbm>>) target(%dma_start3A_91 : memref<128x64xf32, #tpu.memory_space<vmem>>) offsets(%dma_start3A_93 : memref<128xi32, #tpu.memory_space<vmem>>) semaphore(%arg17 : memref<!tpu.dma_semaphore, #tpu.memory_space<semaphore_mem>>)
    %dma_start3A_97 = arith.constant 1 : i32
    %dma_start3A_98 = arith.constant 128 : i32
    %dma_start3A_99 = arith.constant 0 : i32
    %dma_start3A_100 = tpu.memref_slice %arg11[%dma_start3A_97, %dma_start3A_98, %dma_start3A_99] : memref<2x160x64xf32, #tpu.memory_space<vmem>> -> memref<1x32x64xf32, #tpu.memory_space<vmem>>
    %dma_start3A_101 = tpu.memref_squeeze %dma_start3A_100 : memref<1x32x64xf32, #tpu.memory_space<vmem>> -> memref<32x64xf32, #tpu.memory_space<vmem>>
    %dma_start3A_102 = arith.constant 288 : i32
    %dma_start3A_103 = tpu.memref_slice %arg8[%dma_start3A_102] : memref<5120xi32, #tpu.memory_space<vmem>> -> memref<32xi32, #tpu.memory_space<vmem>>
    %dma_start3A_104 = arith.constant 0 : i32
    %dma_start3A_105 = arith.constant 0 : i32
    %dma_start3A_106 = tpu.memref_slice %arg5[%dma_start3A_104, %dma_start3A_105] : memref<1000000x64xf32, #tpu.memory_space<hbm>> -> memref<1000000x64xf32, #tpu.memory_space<hbm>>
    tpu.enqueue_indirect_dma source(%dma_start3A_106 : memref<1000000x64xf32, #tpu.memory_space<hbm>>) target(%dma_start3A_101 : memref<32x64xf32, #tpu.memory_space<vmem>>) offsets(%dma_start3A_103 : memref<32xi32, #tpu.memory_space<vmem>>) semaphore(%arg17 : memref<!tpu.dma_semaphore, #tpu.memory_space<semaphore_mem>>)
    %dma_start3A_107 = arith.constant 1 : i32
    %dma_start3A_108 = arith.constant 0 : i32
    %dma_start3A_109 = arith.constant 0 : i32
    %dma_start3A_110 = tpu.memref_slice %arg12[%dma_start3A_107, %dma_start3A_108, %dma_start3A_109] : memref<2x16x64xf32, #tpu.memory_space<vmem>> -> memref<1x16x64xf32, #tpu.memory_space<vmem>>
    %dma_start3A_111 = tpu.memref_squeeze %dma_start3A_110 : memref<1x16x64xf32, #tpu.memory_space<vmem>> -> memref<16x64xf32, #tpu.memory_space<vmem>>
    %dma_start3A_112 = arith.constant 16 : i32
    %dma_start3A_113 = tpu.memref_slice %arg9[%dma_start3A_112] : memref<512xi32, #tpu.memory_space<vmem>> -> memref<16xi32, #tpu.memory_space<vmem>>
    %dma_start3A_114 = arith.constant 0 : i32
    %dma_start3A_115 = arith.constant 0 : i32
    %dma_start3A_116 = tpu.memref_slice %arg6[%dma_start3A_114, %dma_start3A_115] : memref<1000000x64xf32, #tpu.memory_space<hbm>> -> memref<1000000x64xf32, #tpu.memory_space<hbm>>
    tpu.enqueue_indirect_dma source(%dma_start3A_116 : memref<1000000x64xf32, #tpu.memory_space<hbm>>) target(%dma_start3A_111 : memref<16x64xf32, #tpu.memory_space<vmem>>) offsets(%dma_start3A_113 : memref<16xi32, #tpu.memory_space<vmem>>) semaphore(%arg17 : memref<!tpu.dma_semaphore, #tpu.memory_space<semaphore_mem>>)
    %dma_start3A_117 = arith.constant 1 : i32
    %dma_start3A_118 = arith.constant 0 : i32
    %dma_start3A_119 = arith.constant 0 : i32
    %dma_start3A_120 = tpu.memref_slice %arg13[%dma_start3A_117, %dma_start3A_118, %dma_start3A_119] : memref<2x320x64xf32, #tpu.memory_space<vmem>> -> memref<1x128x64xf32, #tpu.memory_space<vmem>>
    %dma_start3A_121 = tpu.memref_squeeze %dma_start3A_120 : memref<1x128x64xf32, #tpu.memory_space<vmem>> -> memref<128x64xf32, #tpu.memory_space<vmem>>
    %dma_start3A_122 = arith.constant 320 : i32
    %dma_start3A_123 = tpu.memref_slice %arg10[%dma_start3A_122] : memref<10240xi32, #tpu.memory_space<vmem>> -> memref<128xi32, #tpu.memory_space<vmem>>
    %dma_start3A_124 = arith.constant 0 : i32
    %dma_start3A_125 = arith.constant 0 : i32
    %dma_start3A_126 = tpu.memref_slice %arg6[%dma_start3A_124, %dma_start3A_125] : memref<1000000x64xf32, #tpu.memory_space<hbm>> -> memref<1000000x64xf32, #tpu.memory_space<hbm>>
    tpu.enqueue_indirect_dma source(%dma_start3A_126 : memref<1000000x64xf32, #tpu.memory_space<hbm>>) target(%dma_start3A_121 : memref<128x64xf32, #tpu.memory_space<vmem>>) offsets(%dma_start3A_123 : memref<128xi32, #tpu.memory_space<vmem>>) semaphore(%arg17 : memref<!tpu.dma_semaphore, #tpu.memory_space<semaphore_mem>>)
    %dma_start3A_127 = arith.constant 1 : i32
    %dma_start3A_128 = arith.constant 128 : i32
    %dma_start3A_129 = arith.constant 0 : i32
    %dma_start3A_130 = tpu.memref_slice %arg13[%dma_start3A_127, %dma_start3A_128, %dma_start3A_129] : memref<2x320x64xf32, #tpu.memory_space<vmem>> -> memref<1x128x64xf32, #tpu.memory_space<vmem>>
    %dma_start3A_131 = tpu.memref_squeeze %dma_start3A_130 : memref<1x128x64xf32, #tpu.memory_space<vmem>> -> memref<128x64xf32, #tpu.memory_space<vmem>>
    %dma_start3A_132 = arith.constant 448 : i32
    %dma_start3A_133 = tpu.memref_slice %arg10[%dma_start3A_132] : memref<10240xi32, #tpu.memory_space<vmem>> -> memref<128xi32, #tpu.memory_space<vmem>>
    %dma_start3A_134 = arith.constant 0 : i32
    %dma_start3A_135 = arith.constant 0 : i32
    %dma_start3A_136 = tpu.memref_slice %arg6[%dma_start3A_134, %dma_start3A_135] : memref<1000000x64xf32, #tpu.memory_space<hbm>> -> memref<1000000x64xf32, #tpu.memory_space<hbm>>
    tpu.enqueue_indirect_dma source(%dma_start3A_136 : memref<1000000x64xf32, #tpu.memory_space<hbm>>) target(%dma_start3A_131 : memref<128x64xf32, #tpu.memory_space<vmem>>) offsets(%dma_start3A_133 : memref<128xi32, #tpu.memory_space<vmem>>) semaphore(%arg17 : memref<!tpu.dma_semaphore, #tpu.memory_space<semaphore_mem>>)
    %dma_start3A_137 = arith.constant 1 : i32
    %dma_start3A_138 = arith.constant 256 : i32
    %dma_start3A_139 = arith.constant 0 : i32
    %dma_start3A_140 = tpu.memref_slice %arg13[%dma_start3A_137, %dma_start3A_138, %dma_start3A_139] : memref<2x320x64xf32, #tpu.memory_space<vmem>> -> memref<1x64x64xf32, #tpu.memory_space<vmem>>
    %dma_start3A_141 = tpu.memref_squeeze %dma_start3A_140 : memref<1x64x64xf32, #tpu.memory_space<vmem>> -> memref<64x64xf32, #tpu.memory_space<vmem>>
    %dma_start3A_142 = arith.constant 576 : i32
    %dma_start3A_143 = tpu.memref_slice %arg10[%dma_start3A_142] : memref<10240xi32, #tpu.memory_space<vmem>> -> memref<64xi32, #tpu.memory_space<vmem>>
    %dma_start3A_144 = arith.constant 0 : i32
    %dma_start3A_145 = arith.constant 0 : i32
    %dma_start3A_146 = tpu.memref_slice %arg6[%dma_start3A_144, %dma_start3A_145] : memref<1000000x64xf32, #tpu.memory_space<hbm>> -> memref<1000000x64xf32, #tpu.memory_space<hbm>>
    tpu.enqueue_indirect_dma source(%dma_start3A_146 : memref<1000000x64xf32, #tpu.memory_space<hbm>>) target(%dma_start3A_141 : memref<64x64xf32, #tpu.memory_space<vmem>>) offsets(%dma_start3A_143 : memref<64xi32, #tpu.memory_space<vmem>>) semaphore(%arg17 : memref<!tpu.dma_semaphore, #tpu.memory_space<semaphore_mem>>)
    %scan3A = arith.constant 0 : i32
    %scan3A_147 = arith.constant 0 : i32
    %scan3A_148 = arith.constant 16 : i32
    %scan3A_149 = arith.addi %scan3A_147, %scan3A_148 : i32
    %scan3A_150 = arith.constant 1 : i32
    scf.for %scan3A_156 = %scan3A_147 to %scan3A_149 step %scan3A_150  : i32 {
      %mul3A_157 = arith.constant 2 : i32
      %mul3A_158 = arith.muli %scan3A_156, %mul3A_157 : i32
      %dma_wait3A_159 = arith.constant 0 : i32
      %dma_wait3A_160 = arith.constant 0 : i32
      %dma_wait3A_161 = arith.constant 0 : i32
      %dma_wait3A_162 = tpu.memref_slice %arg11[%dma_wait3A_159, %dma_wait3A_160, %dma_wait3A_161] : memref<2x160x64xf32, #tpu.memory_space<vmem>> -> memref<1x128x64xf32, #tpu.memory_space<vmem>>
      %dma_wait3A_163 = tpu.memref_squeeze %dma_wait3A_162 : memref<1x128x64xf32, #tpu.memory_space<vmem>> -> memref<128x64xf32, #tpu.memory_space<vmem>>
      %dma_wait3A_164 = arith.constant 0 : i32
      %dma_wait3A_165 = tpu.memref_slice %arg8[%dma_wait3A_164] : memref<5120xi32, #tpu.memory_space<vmem>> -> memref<128xi32, #tpu.memory_space<vmem>>
      %dma_wait3A_166 = arith.constant 0 : i32
      %dma_wait3A_167 = arith.constant 0 : i32
      %dma_wait3A_168 = tpu.memref_slice %arg5[%dma_wait3A_166, %dma_wait3A_167] : memref<1000000x64xf32, #tpu.memory_space<hbm>> -> memref<1000000x64xf32, #tpu.memory_space<hbm>>
      tpu.wait_indirect_dma semaphore(%arg16 : memref<!tpu.dma_semaphore, #tpu.memory_space<semaphore_mem>>) src(%dma_wait3A_168 : memref<1000000x64xf32, #tpu.memory_space<hbm>>) dst(%dma_wait3A_163 : memref<128x64xf32, #tpu.memory_space<vmem>>)
      %dma_wait3A_169 = arith.constant 0 : i32
      %dma_wait3A_170 = arith.constant 128 : i32
      %dma_wait3A_171 = arith.constant 0 : i32
      %dma_wait3A_172 = tpu.memref_slice %arg11[%dma_wait3A_169, %dma_wait3A_170, %dma_wait3A_171] : memref<2x160x64xf32, #tpu.memory_space<vmem>> -> memref<1x32x64xf32, #tpu.memory_space<vmem>>
      %dma_wait3A_173 = tpu.memref_squeeze %dma_wait3A_172 : memref<1x32x64xf32, #tpu.memory_space<vmem>> -> memref<32x64xf32, #tpu.memory_space<vmem>>
      %dma_wait3A_174 = arith.constant 0 : i32
      %dma_wait3A_175 = tpu.memref_slice %arg8[%dma_wait3A_174] : memref<5120xi32, #tpu.memory_space<vmem>> -> memref<32xi32, #tpu.memory_space<vmem>>
      %dma_wait3A_176 = arith.constant 0 : i32
      %dma_wait3A_177 = arith.constant 0 : i32
      %dma_wait3A_178 = tpu.memref_slice %arg5[%dma_wait3A_176, %dma_wait3A_177] : memref<1000000x64xf32, #tpu.memory_space<hbm>> -> memref<1000000x64xf32, #tpu.memory_space<hbm>>
      tpu.wait_indirect_dma semaphore(%arg16 : memref<!tpu.dma_semaphore, #tpu.memory_space<semaphore_mem>>) src(%dma_wait3A_178 : memref<1000000x64xf32, #tpu.memory_space<hbm>>) dst(%dma_wait3A_173 : memref<32x64xf32, #tpu.memory_space<vmem>>)
      %dma_wait3A_179 = arith.constant 0 : i32
      %dma_wait3A_180 = arith.constant 0 : i32
      %dma_wait3A_181 = arith.constant 0 : i32
      %dma_wait3A_182 = tpu.memref_slice %arg12[%dma_wait3A_179, %dma_wait3A_180, %dma_wait3A_181] : memref<2x16x64xf32, #tpu.memory_space<vmem>> -> memref<1x16x64xf32, #tpu.memory_space<vmem>>
      %dma_wait3A_183 = tpu.memref_squeeze %dma_wait3A_182 : memref<1x16x64xf32, #tpu.memory_space<vmem>> -> memref<16x64xf32, #tpu.memory_space<vmem>>
      %dma_wait3A_184 = arith.constant 0 : i32
      %dma_wait3A_185 = tpu.memref_slice %arg9[%dma_wait3A_184] : memref<512xi32, #tpu.memory_space<vmem>> -> memref<16xi32, #tpu.memory_space<vmem>>
      %dma_wait3A_186 = arith.constant 0 : i32
      %dma_wait3A_187 = arith.constant 0 : i32
      %dma_wait3A_188 = tpu.memref_slice %arg6[%dma_wait3A_186, %dma_wait3A_187] : memref<1000000x64xf32, #tpu.memory_space<hbm>> -> memref<1000000x64xf32, #tpu.memory_space<hbm>>
      tpu.wait_indirect_dma semaphore(%arg16 : memref<!tpu.dma_semaphore, #tpu.memory_space<semaphore_mem>>) src(%dma_wait3A_188 : memref<1000000x64xf32, #tpu.memory_space<hbm>>) dst(%dma_wait3A_183 : memref<16x64xf32, #tpu.memory_space<vmem>>)
      %dma_wait3A_189 = arith.constant 0 : i32
      %dma_wait3A_190 = arith.constant 0 : i32
      %dma_wait3A_191 = arith.constant 0 : i32
      %dma_wait3A_192 = tpu.memref_slice %arg13[%dma_wait3A_189, %dma_wait3A_190, %dma_wait3A_191] : memref<2x320x64xf32, #tpu.memory_space<vmem>> -> memref<1x128x64xf32, #tpu.memory_space<vmem>>
      %dma_wait3A_193 = tpu.memref_squeeze %dma_wait3A_192 : memref<1x128x64xf32, #tpu.memory_space<vmem>> -> memref<128x64xf32, #tpu.memory_space<vmem>>
      %dma_wait3A_194 = arith.constant 0 : i32
      %dma_wait3A_195 = tpu.memref_slice %arg10[%dma_wait3A_194] : memref<10240xi32, #tpu.memory_space<vmem>> -> memref<128xi32, #tpu.memory_space<vmem>>
      %dma_wait3A_196 = arith.constant 0 : i32
      %dma_wait3A_197 = arith.constant 0 : i32
      %dma_wait3A_198 = tpu.memref_slice %arg6[%dma_wait3A_196, %dma_wait3A_197] : memref<1000000x64xf32, #tpu.memory_space<hbm>> -> memref<1000000x64xf32, #tpu.memory_space<hbm>>
      tpu.wait_indirect_dma semaphore(%arg16 : memref<!tpu.dma_semaphore, #tpu.memory_space<semaphore_mem>>) src(%dma_wait3A_198 : memref<1000000x64xf32, #tpu.memory_space<hbm>>) dst(%dma_wait3A_193 : memref<128x64xf32, #tpu.memory_space<vmem>>)
      %dma_wait3A_199 = arith.constant 0 : i32
      %dma_wait3A_200 = arith.constant 128 : i32
      %dma_wait3A_201 = arith.constant 0 : i32
      %dma_wait3A_202 = tpu.memref_slice %arg13[%dma_wait3A_199, %dma_wait3A_200, %dma_wait3A_201] : memref<2x320x64xf32, #tpu.memory_space<vmem>> -> memref<1x128x64xf32, #tpu.memory_space<vmem>>
      %dma_wait3A_203 = tpu.memref_squeeze %dma_wait3A_202 : memref<1x128x64xf32, #tpu.memory_space<vmem>> -> memref<128x64xf32, #tpu.memory_space<vmem>>
      %dma_wait3A_204 = arith.constant 0 : i32
      %dma_wait3A_205 = tpu.memref_slice %arg10[%dma_wait3A_204] : memref<10240xi32, #tpu.memory_space<vmem>> -> memref<128xi32, #tpu.memory_space<vmem>>
      %dma_wait3A_206 = arith.constant 0 : i32
      %dma_wait3A_207 = arith.constant 0 : i32
      %dma_wait3A_208 = tpu.memref_slice %arg6[%dma_wait3A_206, %dma_wait3A_207] : memref<1000000x64xf32, #tpu.memory_space<hbm>> -> memref<1000000x64xf32, #tpu.memory_space<hbm>>
      tpu.wait_indirect_dma semaphore(%arg16 : memref<!tpu.dma_semaphore, #tpu.memory_space<semaphore_mem>>) src(%dma_wait3A_208 : memref<1000000x64xf32, #tpu.memory_space<hbm>>) dst(%dma_wait3A_203 : memref<128x64xf32, #tpu.memory_space<vmem>>)
      %dma_wait3A_209 = arith.constant 0 : i32
      %dma_wait3A_210 = arith.constant 256 : i32
      %dma_wait3A_211 = arith.constant 0 : i32
      %dma_wait3A_212 = tpu.memref_slice %arg13[%dma_wait3A_209, %dma_wait3A_210, %dma_wait3A_211] : memref<2x320x64xf32, #tpu.memory_space<vmem>> -> memref<1x64x64xf32, #tpu.memory_space<vmem>>
      %dma_wait3A_213 = tpu.memref_squeeze %dma_wait3A_212 : memref<1x64x64xf32, #tpu.memory_space<vmem>> -> memref<64x64xf32, #tpu.memory_space<vmem>>
      %dma_wait3A_214 = arith.constant 0 : i32
      %dma_wait3A_215 = tpu.memref_slice %arg10[%dma_wait3A_214] : memref<10240xi32, #tpu.memory_space<vmem>> -> memref<64xi32, #tpu.memory_space<vmem>>
      %dma_wait3A_216 = arith.constant 0 : i32
      %dma_wait3A_217 = arith.constant 0 : i32
      %dma_wait3A_218 = tpu.memref_slice %arg6[%dma_wait3A_216, %dma_wait3A_217] : memref<1000000x64xf32, #tpu.memory_space<hbm>> -> memref<1000000x64xf32, #tpu.memory_space<hbm>>
      tpu.wait_indirect_dma semaphore(%arg16 : memref<!tpu.dma_semaphore, #tpu.memory_space<semaphore_mem>>) src(%dma_wait3A_218 : memref<1000000x64xf32, #tpu.memory_space<hbm>>) dst(%dma_wait3A_213 : memref<64x64xf32, #tpu.memory_space<vmem>>)
      %add3A_219 = arith.constant 0 : i32
      %add3A_220 = arith.addi %mul3A_158, %add3A_219 : i32
      %broadcast_in_dim3A = arith.constant 0.000000e+00 : f32
      %broadcast_in_dim3A_221 = vector.broadcast %broadcast_in_dim3A : f32 to vector<16xf32>
      %scan3A_222 = arith.constant 0 : i32
      %scan3A_223 = arith.constant 64 : i32
      %scan3A_224 = arith.addi %scan3A_222, %scan3A_223 : i32
      %scan3A_225 = arith.constant 1 : i32
      %scan3A_226:21 = scf.for %scan3A_652 = %scan3A_222 to %scan3A_224 step %scan3A_225 iter_args(%scan3A_653 = %broadcast_in_dim3A_221, %scan3A_654 = %broadcast_in_dim3A_221, %scan3A_655 = %broadcast_in_dim3A_221, %scan3A_656 = %broadcast_in_dim3A_221, %scan3A_657 = %broadcast_in_dim3A_221, %scan3A_658 = %broadcast_in_dim3A_221, %scan3A_659 = %broadcast_in_dim3A_221, %scan3A_660 = %broadcast_in_dim3A_221, %scan3A_661 = %broadcast_in_dim3A_221, %scan3A_662 = %broadcast_in_dim3A_221, %scan3A_663 = %broadcast_in_dim3A_221, %scan3A_664 = %broadcast_in_dim3A_221, %scan3A_665 = %broadcast_in_dim3A_221, %scan3A_666 = %broadcast_in_dim3A_221, %scan3A_667 = %broadcast_in_dim3A_221, %scan3A_668 = %broadcast_in_dim3A_221, %scan3A_669 = %broadcast_in_dim3A_221, %scan3A_670 = %broadcast_in_dim3A_221, %scan3A_671 = %broadcast_in_dim3A_221, %scan3A_672 = %broadcast_in_dim3A_221, %scan3A_673 = %broadcast_in_dim3A_221) -> (vector<16xf32>, vector<16xf32>, vector<16xf32>, vector<16xf32>, vector<16xf32>, vector<16xf32>, vector<16xf32>, vector<16xf32>, vector<16xf32>, vector<16xf32>, vector<16xf32>, vector<16xf32>, vector<16xf32>, vector<16xf32>, vector<16xf32>, vector<16xf32>, vector<16xf32>, vector<16xf32>, vector<16xf32>, vector<16xf32>, vector<16xf32>)  : i32 {
        %add3A_674 = vector.broadcast %scan3A_652 : i32 to vector<16xi32>
        %add3A_675 = arith.addi %iota3A, %add3A_674 : vector<16xi32>
        %and3A = arith.constant 63 : i32
        %and3A_676 = vector.broadcast %and3A : i32 to vector<16xi32>
        %and3A_677 = arith.andi %add3A_675, %and3A_676 : vector<16xi32>
        %gather3A = arith.constant 0 : i32
        %gather3A_678 = arith.constant 0 : i32
        %gather3A_679 = arith.constant 0 : i32
        %gather3A_680 = tpu.memref_slice %arg11[%gather3A, %gather3A_678, %gather3A_679] : memref<2x160x64xf32, #tpu.memory_space<vmem>> -> memref<1x160x64xf32, #tpu.memory_space<vmem>>
        %gather3A_681 = tpu.memref_squeeze %gather3A_680 : memref<1x160x64xf32, #tpu.memory_space<vmem>> -> memref<160x64xf32, #tpu.memory_space<vmem>>
        %gather3A_682 = tpu.vector_load_idx %gather3A_681[%mul3A_3, %and3A_677] : memref<160x64xf32, #tpu.memory_space<vmem>>[vector<16xi32>, vector<16xi32>], vector<16xf32>,
        %add3A_683 = arith.constant 1 : i32
        %add3A_684 = vector.broadcast %add3A_683 : i32 to vector<16xi32>
        %add3A_685 = arith.addi %mul3A_3, %add3A_684 : vector<16xi32>
        %gather3A_686 = arith.constant 0 : i32
        %gather3A_687 = arith.constant 0 : i32
        %gather3A_688 = arith.constant 0 : i32
        %gather3A_689 = tpu.memref_slice %arg11[%gather3A_686, %gather3A_687, %gather3A_688] : memref<2x160x64xf32, #tpu.memory_space<vmem>> -> memref<1x160x64xf32, #tpu.memory_space<vmem>>
        %gather3A_690 = tpu.memref_squeeze %gather3A_689 : memref<1x160x64xf32, #tpu.memory_space<vmem>> -> memref<160x64xf32, #tpu.memory_space<vmem>>
        %gather3A_691 = tpu.vector_load_idx %gather3A_690[%add3A_685, %and3A_677] : memref<160x64xf32, #tpu.memory_space<vmem>>[vector<16xi32>, vector<16xi32>], vector<16xf32>,
        %add3A_692 = arith.addf %gather3A_682, %gather3A_691 : vector<16xf32>
        %add3A_693 = arith.constant 2 : i32
        %add3A_694 = vector.broadcast %add3A_693 : i32 to vector<16xi32>
        %add3A_695 = arith.addi %mul3A_3, %add3A_694 : vector<16xi32>
        %gather3A_696 = arith.constant 0 : i32
        %gather3A_697 = arith.constant 0 : i32
        %gather3A_698 = arith.constant 0 : i32
        %gather3A_699 = tpu.memref_slice %arg11[%gather3A_696, %gather3A_697, %gather3A_698] : memref<2x160x64xf32, #tpu.memory_space<vmem>> -> memref<1x160x64xf32, #tpu.memory_space<vmem>>
        %gather3A_700 = tpu.memref_squeeze %gather3A_699 : memref<1x160x64xf32, #tpu.memory_space<vmem>> -> memref<160x64xf32, #tpu.memory_space<vmem>>
        %gather3A_701 = tpu.vector_load_idx %gather3A_700[%add3A_695, %and3A_677] : memref<160x64xf32, #tpu.memory_space<vmem>>[vector<16xi32>, vector<16xi32>], vector<16xf32>,
        %add3A_702 = arith.addf %add3A_692, %gather3A_701 : vector<16xf32>
        %add3A_703 = arith.constant 3 : i32
        %add3A_704 = vector.broadcast %add3A_703 : i32 to vector<16xi32>
        %add3A_705 = arith.addi %mul3A_3, %add3A_704 : vector<16xi32>
        %gather3A_706 = arith.constant 0 : i32
        %gather3A_707 = arith.constant 0 : i32
        %gather3A_708 = arith.constant 0 : i32
        %gather3A_709 = tpu.memref_slice %arg11[%gather3A_706, %gather3A_707, %gather3A_708] : memref<2x160x64xf32, #tpu.memory_space<vmem>> -> memref<1x160x64xf32, #tpu.memory_space<vmem>>
        %gather3A_710 = tpu.memref_squeeze %gather3A_709 : memref<1x160x64xf32, #tpu.memory_space<vmem>> -> memref<160x64xf32, #tpu.memory_space<vmem>>
        %gather3A_711 = tpu.vector_load_idx %gather3A_710[%add3A_705, %and3A_677] : memref<160x64xf32, #tpu.memory_space<vmem>>[vector<16xi32>, vector<16xi32>], vector<16xf32>,
        %add3A_712 = arith.addf %add3A_702, %gather3A_711 : vector<16xf32>
        %add3A_713 = arith.constant 4 : i32
        %add3A_714 = vector.broadcast %add3A_713 : i32 to vector<16xi32>
        %add3A_715 = arith.addi %mul3A_3, %add3A_714 : vector<16xi32>
        %gather3A_716 = arith.constant 0 : i32
        %gather3A_717 = arith.constant 0 : i32
        %gather3A_718 = arith.constant 0 : i32
        %gather3A_719 = tpu.memref_slice %arg11[%gather3A_716, %gather3A_717, %gather3A_718] : memref<2x160x64xf32, #tpu.memory_space<vmem>> -> memref<1x160x64xf32, #tpu.memory_space<vmem>>
        %gather3A_720 = tpu.memref_squeeze %gather3A_719 : memref<1x160x64xf32, #tpu.memory_space<vmem>> -> memref<160x64xf32, #tpu.memory_space<vmem>>
        %gather3A_721 = tpu.vector_load_idx %gather3A_720[%add3A_715, %and3A_677] : memref<160x64xf32, #tpu.memory_space<vmem>>[vector<16xi32>, vector<16xi32>], vector<16xf32>,
        %add3A_722 = arith.addf %add3A_712, %gather3A_721 : vector<16xf32>
        %add3A_723 = arith.constant 5 : i32
        %add3A_724 = vector.broadcast %add3A_723 : i32 to vector<16xi32>
        %add3A_725 = arith.addi %mul3A_3, %add3A_724 : vector<16xi32>
        %gather3A_726 = arith.constant 0 : i32
        %gather3A_727 = arith.constant 0 : i32
        %gather3A_728 = arith.constant 0 : i32
        %gather3A_729 = tpu.memref_slice %arg11[%gather3A_726, %gather3A_727, %gather3A_728] : memref<2x160x64xf32, #tpu.memory_space<vmem>> -> memref<1x160x64xf32, #tpu.memory_space<vmem>>
        %gather3A_730 = tpu.memref_squeeze %gather3A_729 : memref<1x160x64xf32, #tpu.memory_space<vmem>> -> memref<160x64xf32, #tpu.memory_space<vmem>>
        %gather3A_731 = tpu.vector_load_idx %gather3A_730[%add3A_725, %and3A_677] : memref<160x64xf32, #tpu.memory_space<vmem>>[vector<16xi32>, vector<16xi32>], vector<16xf32>,
        %add3A_732 = arith.addf %add3A_722, %gather3A_731 : vector<16xf32>
        %add3A_733 = arith.constant 6 : i32
        %add3A_734 = vector.broadcast %add3A_733 : i32 to vector<16xi32>
        %add3A_735 = arith.addi %mul3A_3, %add3A_734 : vector<16xi32>
        %gather3A_736 = arith.constant 0 : i32
        %gather3A_737 = arith.constant 0 : i32
        %gather3A_738 = arith.constant 0 : i32
        %gather3A_739 = tpu.memref_slice %arg11[%gather3A_736, %gather3A_737, %gather3A_738] : memref<2x160x64xf32, #tpu.memory_space<vmem>> -> memref<1x160x64xf32, #tpu.memory_space<vmem>>
        %gather3A_740 = tpu.memref_squeeze %gather3A_739 : memref<1x160x64xf32, #tpu.memory_space<vmem>> -> memref<160x64xf32, #tpu.memory_space<vmem>>
        %gather3A_741 = tpu.vector_load_idx %gather3A_740[%add3A_735, %and3A_677] : memref<160x64xf32, #tpu.memory_space<vmem>>[vector<16xi32>, vector<16xi32>], vector<16xf32>,
        %add3A_742 = arith.addf %add3A_732, %gather3A_741 : vector<16xf32>
        %add3A_743 = arith.constant 7 : i32
        %add3A_744 = vector.broadcast %add3A_743 : i32 to vector<16xi32>
        %add3A_745 = arith.addi %mul3A_3, %add3A_744 : vector<16xi32>
        %gather3A_746 = arith.constant 0 : i32
        %gather3A_747 = arith.constant 0 : i32
        %gather3A_748 = arith.constant 0 : i32
        %gather3A_749 = tpu.memref_slice %arg11[%gather3A_746, %gather3A_747, %gather3A_748] : memref<2x160x64xf32, #tpu.memory_space<vmem>> -> memref<1x160x64xf32, #tpu.memory_space<vmem>>
        %gather3A_750 = tpu.memref_squeeze %gather3A_749 : memref<1x160x64xf32, #tpu.memory_space<vmem>> -> memref<160x64xf32, #tpu.memory_space<vmem>>
        %gather3A_751 = tpu.vector_load_idx %gather3A_750[%add3A_745, %and3A_677] : memref<160x64xf32, #tpu.memory_space<vmem>>[vector<16xi32>, vector<16xi32>], vector<16xf32>,
        %add3A_752 = arith.addf %add3A_742, %gather3A_751 : vector<16xf32>
        %add3A_753 = arith.constant 8 : i32
        %add3A_754 = vector.broadcast %add3A_753 : i32 to vector<16xi32>
        %add3A_755 = arith.addi %mul3A_3, %add3A_754 : vector<16xi32>
        %gather3A_756 = arith.constant 0 : i32
        %gather3A_757 = arith.constant 0 : i32
        %gather3A_758 = arith.constant 0 : i32
        %gather3A_759 = tpu.memref_slice %arg11[%gather3A_756, %gather3A_757, %gather3A_758] : memref<2x160x64xf32, #tpu.memory_space<vmem>> -> memref<1x160x64xf32, #tpu.memory_space<vmem>>
        %gather3A_760 = tpu.memref_squeeze %gather3A_759 : memref<1x160x64xf32, #tpu.memory_space<vmem>> -> memref<160x64xf32, #tpu.memory_space<vmem>>
        %gather3A_761 = tpu.vector_load_idx %gather3A_760[%add3A_755, %and3A_677] : memref<160x64xf32, #tpu.memory_space<vmem>>[vector<16xi32>, vector<16xi32>], vector<16xf32>,
        %add3A_762 = arith.addf %add3A_752, %gather3A_761 : vector<16xf32>
        %add3A_763 = arith.constant 9 : i32
        %add3A_764 = vector.broadcast %add3A_763 : i32 to vector<16xi32>
        %add3A_765 = arith.addi %mul3A_3, %add3A_764 : vector<16xi32>
        %gather3A_766 = arith.constant 0 : i32
        %gather3A_767 = arith.constant 0 : i32
        %gather3A_768 = arith.constant 0 : i32
        %gather3A_769 = tpu.memref_slice %arg11[%gather3A_766, %gather3A_767, %gather3A_768] : memref<2x160x64xf32, #tpu.memory_space<vmem>> -> memref<1x160x64xf32, #tpu.memory_space<vmem>>
        %gather3A_770 = tpu.memref_squeeze %gather3A_769 : memref<1x160x64xf32, #tpu.memory_space<vmem>> -> memref<160x64xf32, #tpu.memory_space<vmem>>
        %gather3A_771 = tpu.vector_load_idx %gather3A_770[%add3A_765, %and3A_677] : memref<160x64xf32, #tpu.memory_space<vmem>>[vector<16xi32>, vector<16xi32>], vector<16xf32>,
        %add3A_772 = arith.addf %add3A_762, %gather3A_771 : vector<16xf32>
        %gather3A_773 = arith.constant 0 : i32
        %gather3A_774 = arith.constant 0 : i32
        %gather3A_775 = arith.constant 0 : i32
        %gather3A_776 = tpu.memref_slice %arg12[%gather3A_773, %gather3A_774, %gather3A_775] : memref<2x16x64xf32, #tpu.memory_space<vmem>> -> memref<1x16x64xf32, #tpu.memory_space<vmem>>
        %gather3A_777 = tpu.memref_squeeze %gather3A_776 : memref<1x16x64xf32, #tpu.memory_space<vmem>> -> memref<16x64xf32, #tpu.memory_space<vmem>>
        %gather3A_778 = tpu.vector_load_idx %gather3A_777[%iota3A, %and3A_677] : memref<16x64xf32, #tpu.memory_space<vmem>>[vector<16xi32>, vector<16xi32>], vector<16xf32>,
        %mul3A_779 = arith.mulf %add3A_772, %gather3A_778 : vector<16xf32>
        %add3A_780 = arith.addf %scan3A_653, %mul3A_779 : vector<16xf32>
        %add3A_781 = arith.constant 0 : i32
        %add3A_782 = vector.broadcast %add3A_781 : i32 to vector<16xi32>
        %add3A_783 = arith.addi %mul3A_6, %add3A_782 : vector<16xi32>
        %gather3A_784 = arith.constant 0 : i32
        %gather3A_785 = arith.constant 0 : i32
        %gather3A_786 = arith.constant 0 : i32
        %gather3A_787 = tpu.memref_slice %arg13[%gather3A_784, %gather3A_785, %gather3A_786] : memref<2x320x64xf32, #tpu.memory_space<vmem>> -> memref<1x320x64xf32, #tpu.memory_space<vmem>>
        %gather3A_788 = tpu.memref_squeeze %gather3A_787 : memref<1x320x64xf32, #tpu.memory_space<vmem>> -> memref<320x64xf32, #tpu.memory_space<vmem>>
        %gather3A_789 = tpu.vector_load_idx %gather3A_788[%add3A_783, %and3A_677] : memref<320x64xf32, #tpu.memory_space<vmem>>[vector<16xi32>, vector<16xi32>], vector<16xf32>,
        %mul3A_790 = arith.mulf %add3A_772, %gather3A_789 : vector<16xf32>
        %add3A_791 = arith.addf %scan3A_654, %mul3A_790 : vector<16xf32>
        %add3A_792 = arith.constant 1 : i32
        %add3A_793 = vector.broadcast %add3A_792 : i32 to vector<16xi32>
        %add3A_794 = arith.addi %mul3A_6, %add3A_793 : vector<16xi32>
        %gather3A_795 = arith.constant 0 : i32
        %gather3A_796 = arith.constant 0 : i32
        %gather3A_797 = arith.constant 0 : i32
        %gather3A_798 = tpu.memref_slice %arg13[%gather3A_795, %gather3A_796, %gather3A_797] : memref<2x320x64xf32, #tpu.memory_space<vmem>> -> memref<1x320x64xf32, #tpu.memory_space<vmem>>
        %gather3A_799 = tpu.memref_squeeze %gather3A_798 : memref<1x320x64xf32, #tpu.memory_space<vmem>> -> memref<320x64xf32, #tpu.memory_space<vmem>>
        %gather3A_800 = tpu.vector_load_idx %gather3A_799[%add3A_794, %and3A_677] : memref<320x64xf32, #tpu.memory_space<vmem>>[vector<16xi32>, vector<16xi32>], vector<16xf32>,
        %mul3A_801 = arith.mulf %add3A_772, %gather3A_800 : vector<16xf32>
        %add3A_802 = arith.addf %scan3A_655, %mul3A_801 : vector<16xf32>
        %add3A_803 = arith.constant 2 : i32
        %add3A_804 = vector.broadcast %add3A_803 : i32 to vector<16xi32>
        %add3A_805 = arith.addi %mul3A_6, %add3A_804 : vector<16xi32>
        %gather3A_806 = arith.constant 0 : i32
        %gather3A_807 = arith.constant 0 : i32
        %gather3A_808 = arith.constant 0 : i32
        %gather3A_809 = tpu.memref_slice %arg13[%gather3A_806, %gather3A_807, %gather3A_808] : memref<2x320x64xf32, #tpu.memory_space<vmem>> -> memref<1x320x64xf32, #tpu.memory_space<vmem>>
        %gather3A_810 = tpu.memref_squeeze %gather3A_809 : memref<1x320x64xf32, #tpu.memory_space<vmem>> -> memref<320x64xf32, #tpu.memory_space<vmem>>
        %gather3A_811 = tpu.vector_load_idx %gather3A_810[%add3A_805, %and3A_677] : memref<320x64xf32, #tpu.memory_space<vmem>>[vector<16xi32>, vector<16xi32>], vector<16xf32>,
        %mul3A_812 = arith.mulf %add3A_772, %gather3A_811 : vector<16xf32>
        %add3A_813 = arith.addf %scan3A_656, %mul3A_812 : vector<16xf32>
        %add3A_814 = arith.constant 3 : i32
        %add3A_815 = vector.broadcast %add3A_814 : i32 to vector<16xi32>
        %add3A_816 = arith.addi %mul3A_6, %add3A_815 : vector<16xi32>
        %gather3A_817 = arith.constant 0 : i32
        %gather3A_818 = arith.constant 0 : i32
        %gather3A_819 = arith.constant 0 : i32
        %gather3A_820 = tpu.memref_slice %arg13[%gather3A_817, %gather3A_818, %gather3A_819] : memref<2x320x64xf32, #tpu.memory_space<vmem>> -> memref<1x320x64xf32, #tpu.memory_space<vmem>>
        %gather3A_821 = tpu.memref_squeeze %gather3A_820 : memref<1x320x64xf32, #tpu.memory_space<vmem>> -> memref<320x64xf32, #tpu.memory_space<vmem>>
        %gather3A_822 = tpu.vector_load_idx %gather3A_821[%add3A_816, %and3A_677] : memref<320x64xf32, #tpu.memory_space<vmem>>[vector<16xi32>, vector<16xi32>], vector<16xf32>,
        %mul3A_823 = arith.mulf %add3A_772, %gather3A_822 : vector<16xf32>
        %add3A_824 = arith.addf %scan3A_657, %mul3A_823 : vector<16xf32>
        %add3A_825 = arith.constant 4 : i32
        %add3A_826 = vector.broadcast %add3A_825 : i32 to vector<16xi32>
        %add3A_827 = arith.addi %mul3A_6, %add3A_826 : vector<16xi32>
        %gather3A_828 = arith.constant 0 : i32
        %gather3A_829 = arith.constant 0 : i32
        %gather3A_830 = arith.constant 0 : i32
        %gather3A_831 = tpu.memref_slice %arg13[%gather3A_828, %gather3A_829, %gather3A_830] : memref<2x320x64xf32, #tpu.memory_space<vmem>> -> memref<1x320x64xf32, #tpu.memory_space<vmem>>
        %gather3A_832 = tpu.memref_squeeze %gather3A_831 : memref<1x320x64xf32, #tpu.memory_space<vmem>> -> memref<320x64xf32, #tpu.memory_space<vmem>>
        %gather3A_833 = tpu.vector_load_idx %gather3A_832[%add3A_827, %and3A_677] : memref<320x64xf32, #tpu.memory_space<vmem>>[vector<16xi32>, vector<16xi32>], vector<16xf32>,
        %mul3A_834 = arith.mulf %add3A_772, %gather3A_833 : vector<16xf32>
        %add3A_835 = arith.addf %scan3A_658, %mul3A_834 : vector<16xf32>
        %add3A_836 = arith.constant 5 : i32
        %add3A_837 = vector.broadcast %add3A_836 : i32 to vector<16xi32>
        %add3A_838 = arith.addi %mul3A_6, %add3A_837 : vector<16xi32>
        %gather3A_839 = arith.constant 0 : i32
        %gather3A_840 = arith.constant 0 : i32
        %gather3A_841 = arith.constant 0 : i32
        %gather3A_842 = tpu.memref_slice %arg13[%gather3A_839, %gather3A_840, %gather3A_841] : memref<2x320x64xf32, #tpu.memory_space<vmem>> -> memref<1x320x64xf32, #tpu.memory_space<vmem>>
        %gather3A_843 = tpu.memref_squeeze %gather3A_842 : memref<1x320x64xf32, #tpu.memory_space<vmem>> -> memref<320x64xf32, #tpu.memory_space<vmem>>
        %gather3A_844 = tpu.vector_load_idx %gather3A_843[%add3A_838, %and3A_677] : memref<320x64xf32, #tpu.memory_space<vmem>>[vector<16xi32>, vector<16xi32>], vector<16xf32>,
        %mul3A_845 = arith.mulf %add3A_772, %gather3A_844 : vector<16xf32>
        %add3A_846 = arith.addf %scan3A_659, %mul3A_845 : vector<16xf32>
        %add3A_847 = arith.constant 6 : i32
        %add3A_848 = vector.broadcast %add3A_847 : i32 to vector<16xi32>
        %add3A_849 = arith.addi %mul3A_6, %add3A_848 : vector<16xi32>
        %gather3A_850 = arith.constant 0 : i32
        %gather3A_851 = arith.constant 0 : i32
        %gather3A_852 = arith.constant 0 : i32
        %gather3A_853 = tpu.memref_slice %arg13[%gather3A_850, %gather3A_851, %gather3A_852] : memref<2x320x64xf32, #tpu.memory_space<vmem>> -> memref<1x320x64xf32, #tpu.memory_space<vmem>>
        %gather3A_854 = tpu.memref_squeeze %gather3A_853 : memref<1x320x64xf32, #tpu.memory_space<vmem>> -> memref<320x64xf32, #tpu.memory_space<vmem>>
        %gather3A_855 = tpu.vector_load_idx %gather3A_854[%add3A_849, %and3A_677] : memref<320x64xf32, #tpu.memory_space<vmem>>[vector<16xi32>, vector<16xi32>], vector<16xf32>,
        %mul3A_856 = arith.mulf %add3A_772, %gather3A_855 : vector<16xf32>
        %add3A_857 = arith.addf %scan3A_660, %mul3A_856 : vector<16xf32>
        %add3A_858 = arith.constant 7 : i32
        %add3A_859 = vector.broadcast %add3A_858 : i32 to vector<16xi32>
        %add3A_860 = arith.addi %mul3A_6, %add3A_859 : vector<16xi32>
        %gather3A_861 = arith.constant 0 : i32
        %gather3A_862 = arith.constant 0 : i32
        %gather3A_863 = arith.constant 0 : i32
        %gather3A_864 = tpu.memref_slice %arg13[%gather3A_861, %gather3A_862, %gather3A_863] : memref<2x320x64xf32, #tpu.memory_space<vmem>> -> memref<1x320x64xf32, #tpu.memory_space<vmem>>
        %gather3A_865 = tpu.memref_squeeze %gather3A_864 : memref<1x320x64xf32, #tpu.memory_space<vmem>> -> memref<320x64xf32, #tpu.memory_space<vmem>>
        %gather3A_866 = tpu.vector_load_idx %gather3A_865[%add3A_860, %and3A_677] : memref<320x64xf32, #tpu.memory_space<vmem>>[vector<16xi32>, vector<16xi32>], vector<16xf32>,
        %mul3A_867 = arith.mulf %add3A_772, %gather3A_866 : vector<16xf32>
        %add3A_868 = arith.addf %scan3A_661, %mul3A_867 : vector<16xf32>
        %add3A_869 = arith.constant 8 : i32
        %add3A_870 = vector.broadcast %add3A_869 : i32 to vector<16xi32>
        %add3A_871 = arith.addi %mul3A_6, %add3A_870 : vector<16xi32>
        %gather3A_872 = arith.constant 0 : i32
        %gather3A_873 = arith.constant 0 : i32
        %gather3A_874 = arith.constant 0 : i32
        %gather3A_875 = tpu.memref_slice %arg13[%gather3A_872, %gather3A_873, %gather3A_874] : memref<2x320x64xf32, #tpu.memory_space<vmem>> -> memref<1x320x64xf32, #tpu.memory_space<vmem>>
        %gather3A_876 = tpu.memref_squeeze %gather3A_875 : memref<1x320x64xf32, #tpu.memory_space<vmem>> -> memref<320x64xf32, #tpu.memory_space<vmem>>
        %gather3A_877 = tpu.vector_load_idx %gather3A_876[%add3A_871, %and3A_677] : memref<320x64xf32, #tpu.memory_space<vmem>>[vector<16xi32>, vector<16xi32>], vector<16xf32>,
        %mul3A_878 = arith.mulf %add3A_772, %gather3A_877 : vector<16xf32>
        %add3A_879 = arith.addf %scan3A_662, %mul3A_878 : vector<16xf32>
        %add3A_880 = arith.constant 9 : i32
        %add3A_881 = vector.broadcast %add3A_880 : i32 to vector<16xi32>
        %add3A_882 = arith.addi %mul3A_6, %add3A_881 : vector<16xi32>
        %gather3A_883 = arith.constant 0 : i32
        %gather3A_884 = arith.constant 0 : i32
        %gather3A_885 = arith.constant 0 : i32
        %gather3A_886 = tpu.memref_slice %arg13[%gather3A_883, %gather3A_884, %gather3A_885] : memref<2x320x64xf32, #tpu.memory_space<vmem>> -> memref<1x320x64xf32, #tpu.memory_space<vmem>>
        %gather3A_887 = tpu.memref_squeeze %gather3A_886 : memref<1x320x64xf32, #tpu.memory_space<vmem>> -> memref<320x64xf32, #tpu.memory_space<vmem>>
        %gather3A_888 = tpu.vector_load_idx %gather3A_887[%add3A_882, %and3A_677] : memref<320x64xf32, #tpu.memory_space<vmem>>[vector<16xi32>, vector<16xi32>], vector<16xf32>,
        %mul3A_889 = arith.mulf %add3A_772, %gather3A_888 : vector<16xf32>
        %add3A_890 = arith.addf %scan3A_663, %mul3A_889 : vector<16xf32>
        %add3A_891 = arith.constant 10 : i32
        %add3A_892 = vector.broadcast %add3A_891 : i32 to vector<16xi32>
        %add3A_893 = arith.addi %mul3A_6, %add3A_892 : vector<16xi32>
        %gather3A_894 = arith.constant 0 : i32
        %gather3A_895 = arith.constant 0 : i32
        %gather3A_896 = arith.constant 0 : i32
        %gather3A_897 = tpu.memref_slice %arg13[%gather3A_894, %gather3A_895, %gather3A_896] : memref<2x320x64xf32, #tpu.memory_space<vmem>> -> memref<1x320x64xf32, #tpu.memory_space<vmem>>
        %gather3A_898 = tpu.memref_squeeze %gather3A_897 : memref<1x320x64xf32, #tpu.memory_space<vmem>> -> memref<320x64xf32, #tpu.memory_space<vmem>>
        %gather3A_899 = tpu.vector_load_idx %gather3A_898[%add3A_893, %and3A_677] : memref<320x64xf32, #tpu.memory_space<vmem>>[vector<16xi32>, vector<16xi32>], vector<16xf32>,
        %mul3A_900 = arith.mulf %add3A_772, %gather3A_899 : vector<16xf32>
        %add3A_901 = arith.addf %scan3A_664, %mul3A_900 : vector<16xf32>
        %add3A_902 = arith.constant 11 : i32
        %add3A_903 = vector.broadcast %add3A_902 : i32 to vector<16xi32>
        %add3A_904 = arith.addi %mul3A_6, %add3A_903 : vector<16xi32>
        %gather3A_905 = arith.constant 0 : i32
        %gather3A_906 = arith.constant 0 : i32
        %gather3A_907 = arith.constant 0 : i32
        %gather3A_908 = tpu.memref_slice %arg13[%gather3A_905, %gather3A_906, %gather3A_907] : memref<2x320x64xf32, #tpu.memory_space<vmem>> -> memref<1x320x64xf32, #tpu.memory_space<vmem>>
        %gather3A_909 = tpu.memref_squeeze %gather3A_908 : memref<1x320x64xf32, #tpu.memory_space<vmem>> -> memref<320x64xf32, #tpu.memory_space<vmem>>
        %gather3A_910 = tpu.vector_load_idx %gather3A_909[%add3A_904, %and3A_677] : memref<320x64xf32, #tpu.memory_space<vmem>>[vector<16xi32>, vector<16xi32>], vector<16xf32>,
        %mul3A_911 = arith.mulf %add3A_772, %gather3A_910 : vector<16xf32>
        %add3A_912 = arith.addf %scan3A_665, %mul3A_911 : vector<16xf32>
        %add3A_913 = arith.constant 12 : i32
        %add3A_914 = vector.broadcast %add3A_913 : i32 to vector<16xi32>
        %add3A_915 = arith.addi %mul3A_6, %add3A_914 : vector<16xi32>
        %gather3A_916 = arith.constant 0 : i32
        %gather3A_917 = arith.constant 0 : i32
        %gather3A_918 = arith.constant 0 : i32
        %gather3A_919 = tpu.memref_slice %arg13[%gather3A_916, %gather3A_917, %gather3A_918] : memref<2x320x64xf32, #tpu.memory_space<vmem>> -> memref<1x320x64xf32, #tpu.memory_space<vmem>>
        %gather3A_920 = tpu.memref_squeeze %gather3A_919 : memref<1x320x64xf32, #tpu.memory_space<vmem>> -> memref<320x64xf32, #tpu.memory_space<vmem>>
        %gather3A_921 = tpu.vector_load_idx %gather3A_920[%add3A_915, %and3A_677] : memref<320x64xf32, #tpu.memory_space<vmem>>[vector<16xi32>, vector<16xi32>], vector<16xf32>,
        %mul3A_922 = arith.mulf %add3A_772, %gather3A_921 : vector<16xf32>
        %add3A_923 = arith.addf %scan3A_666, %mul3A_922 : vector<16xf32>
        %add3A_924 = arith.constant 13 : i32
        %add3A_925 = vector.broadcast %add3A_924 : i32 to vector<16xi32>
        %add3A_926 = arith.addi %mul3A_6, %add3A_925 : vector<16xi32>
        %gather3A_927 = arith.constant 0 : i32
        %gather3A_928 = arith.constant 0 : i32
        %gather3A_929 = arith.constant 0 : i32
        %gather3A_930 = tpu.memref_slice %arg13[%gather3A_927, %gather3A_928, %gather3A_929] : memref<2x320x64xf32, #tpu.memory_space<vmem>> -> memref<1x320x64xf32, #tpu.memory_space<vmem>>
        %gather3A_931 = tpu.memref_squeeze %gather3A_930 : memref<1x320x64xf32, #tpu.memory_space<vmem>> -> memref<320x64xf32, #tpu.memory_space<vmem>>
        %gather3A_932 = tpu.vector_load_idx %gather3A_931[%add3A_926, %and3A_677] : memref<320x64xf32, #tpu.memory_space<vmem>>[vector<16xi32>, vector<16xi32>], vector<16xf32>,
        %mul3A_933 = arith.mulf %add3A_772, %gather3A_932 : vector<16xf32>
        %add3A_934 = arith.addf %scan3A_667, %mul3A_933 : vector<16xf32>
        %add3A_935 = arith.constant 14 : i32
        %add3A_936 = vector.broadcast %add3A_935 : i32 to vector<16xi32>
        %add3A_937 = arith.addi %mul3A_6, %add3A_936 : vector<16xi32>
        %gather3A_938 = arith.constant 0 : i32
        %gather3A_939 = arith.constant 0 : i32
        %gather3A_940 = arith.constant 0 : i32
        %gather3A_941 = tpu.memref_slice %arg13[%gather3A_938, %gather3A_939, %gather3A_940] : memref<2x320x64xf32, #tpu.memory_space<vmem>> -> memref<1x320x64xf32, #tpu.memory_space<vmem>>
        %gather3A_942 = tpu.memref_squeeze %gather3A_941 : memref<1x320x64xf32, #tpu.memory_space<vmem>> -> memref<320x64xf32, #tpu.memory_space<vmem>>
        %gather3A_943 = tpu.vector_load_idx %gather3A_942[%add3A_937, %and3A_677] : memref<320x64xf32, #tpu.memory_space<vmem>>[vector<16xi32>, vector<16xi32>], vector<16xf32>,
        %mul3A_944 = arith.mulf %add3A_772, %gather3A_943 : vector<16xf32>
        %add3A_945 = arith.addf %scan3A_668, %mul3A_944 : vector<16xf32>
        %add3A_946 = arith.constant 15 : i32
        %add3A_947 = vector.broadcast %add3A_946 : i32 to vector<16xi32>
        %add3A_948 = arith.addi %mul3A_6, %add3A_947 : vector<16xi32>
        %gather3A_949 = arith.constant 0 : i32
        %gather3A_950 = arith.constant 0 : i32
        %gather3A_951 = arith.constant 0 : i32
        %gather3A_952 = tpu.memref_slice %arg13[%gather3A_949, %gather3A_950, %gather3A_951] : memref<2x320x64xf32, #tpu.memory_space<vmem>> -> memref<1x320x64xf32, #tpu.memory_space<vmem>>
        %gather3A_953 = tpu.memref_squeeze %gather3A_952 : memref<1x320x64xf32, #tpu.memory_space<vmem>> -> memref<320x64xf32, #tpu.memory_space<vmem>>
        %gather3A_954 = tpu.vector_load_idx %gather3A_953[%add3A_948, %and3A_677] : memref<320x64xf32, #tpu.memory_space<vmem>>[vector<16xi32>, vector<16xi32>], vector<16xf32>,
        %mul3A_955 = arith.mulf %add3A_772, %gather3A_954 : vector<16xf32>
        %add3A_956 = arith.addf %scan3A_669, %mul3A_955 : vector<16xf32>
        %add3A_957 = arith.constant 16 : i32
        %add3A_958 = vector.broadcast %add3A_957 : i32 to vector<16xi32>
        %add3A_959 = arith.addi %mul3A_6, %add3A_958 : vector<16xi32>
        %gather3A_960 = arith.constant 0 : i32
        %gather3A_961 = arith.constant 0 : i32
        %gather3A_962 = arith.constant 0 : i32
        %gather3A_963 = tpu.memref_slice %arg13[%gather3A_960, %gather3A_961, %gather3A_962] : memref<2x320x64xf32, #tpu.memory_space<vmem>> -> memref<1x320x64xf32, #tpu.memory_space<vmem>>
        %gather3A_964 = tpu.memref_squeeze %gather3A_963 : memref<1x320x64xf32, #tpu.memory_space<vmem>> -> memref<320x64xf32, #tpu.memory_space<vmem>>
        %gather3A_965 = tpu.vector_load_idx %gather3A_964[%add3A_959, %and3A_677] : memref<320x64xf32, #tpu.memory_space<vmem>>[vector<16xi32>, vector<16xi32>], vector<16xf32>,
        %mul3A_966 = arith.mulf %add3A_772, %gather3A_965 : vector<16xf32>
        %add3A_967 = arith.addf %scan3A_670, %mul3A_966 : vector<16xf32>
        %add3A_968 = arith.constant 17 : i32
        %add3A_969 = vector.broadcast %add3A_968 : i32 to vector<16xi32>
        %add3A_970 = arith.addi %mul3A_6, %add3A_969 : vector<16xi32>
        %gather3A_971 = arith.constant 0 : i32
        %gather3A_972 = arith.constant 0 : i32
        %gather3A_973 = arith.constant 0 : i32
        %gather3A_974 = tpu.memref_slice %arg13[%gather3A_971, %gather3A_972, %gather3A_973] : memref<2x320x64xf32, #tpu.memory_space<vmem>> -> memref<1x320x64xf32, #tpu.memory_space<vmem>>
        %gather3A_975 = tpu.memref_squeeze %gather3A_974 : memref<1x320x64xf32, #tpu.memory_space<vmem>> -> memref<320x64xf32, #tpu.memory_space<vmem>>
        %gather3A_976 = tpu.vector_load_idx %gather3A_975[%add3A_970, %and3A_677] : memref<320x64xf32, #tpu.memory_space<vmem>>[vector<16xi32>, vector<16xi32>], vector<16xf32>,
        %mul3A_977 = arith.mulf %add3A_772, %gather3A_976 : vector<16xf32>
        %add3A_978 = arith.addf %scan3A_671, %mul3A_977 : vector<16xf32>
        %add3A_979 = arith.constant 18 : i32
        %add3A_980 = vector.broadcast %add3A_979 : i32 to vector<16xi32>
        %add3A_981 = arith.addi %mul3A_6, %add3A_980 : vector<16xi32>
        %gather3A_982 = arith.constant 0 : i32
        %gather3A_983 = arith.constant 0 : i32
        %gather3A_984 = arith.constant 0 : i32
        %gather3A_985 = tpu.memref_slice %arg13[%gather3A_982, %gather3A_983, %gather3A_984] : memref<2x320x64xf32, #tpu.memory_space<vmem>> -> memref<1x320x64xf32, #tpu.memory_space<vmem>>
        %gather3A_986 = tpu.memref_squeeze %gather3A_985 : memref<1x320x64xf32, #tpu.memory_space<vmem>> -> memref<320x64xf32, #tpu.memory_space<vmem>>
        %gather3A_987 = tpu.vector_load_idx %gather3A_986[%add3A_981, %and3A_677] : memref<320x64xf32, #tpu.memory_space<vmem>>[vector<16xi32>, vector<16xi32>], vector<16xf32>,
        %mul3A_988 = arith.mulf %add3A_772, %gather3A_987 : vector<16xf32>
        %add3A_989 = arith.addf %scan3A_672, %mul3A_988 : vector<16xf32>
        %add3A_990 = arith.constant 19 : i32
        %add3A_991 = vector.broadcast %add3A_990 : i32 to vector<16xi32>
        %add3A_992 = arith.addi %mul3A_6, %add3A_991 : vector<16xi32>
        %gather3A_993 = arith.constant 0 : i32
        %gather3A_994 = arith.constant 0 : i32
        %gather3A_995 = arith.constant 0 : i32
        %gather3A_996 = tpu.memref_slice %arg13[%gather3A_993, %gather3A_994, %gather3A_995] : memref<2x320x64xf32, #tpu.memory_space<vmem>> -> memref<1x320x64xf32, #tpu.memory_space<vmem>>
        %gather3A_997 = tpu.memref_squeeze %gather3A_996 : memref<1x320x64xf32, #tpu.memory_space<vmem>> -> memref<320x64xf32, #tpu.memory_space<vmem>>
        %gather3A_998 = tpu.vector_load_idx %gather3A_997[%add3A_992, %and3A_677] : memref<320x64xf32, #tpu.memory_space<vmem>>[vector<16xi32>, vector<16xi32>], vector<16xf32>,
        %mul3A_999 = arith.mulf %add3A_772, %gather3A_998 : vector<16xf32>
        %add3A_1000 = arith.addf %scan3A_673, %mul3A_999 : vector<16xf32>
        scf.yield %add3A_780, %add3A_791, %add3A_802, %add3A_813, %add3A_824, %add3A_835, %add3A_846, %add3A_857, %add3A_868, %add3A_879, %add3A_890, %add3A_901, %add3A_912, %add3A_923, %add3A_934, %add3A_945, %add3A_956, %add3A_967, %add3A_978, %add3A_989, %add3A_1000 : vector<16xf32>, vector<16xf32>, vector<16xf32>, vector<16xf32>, vector<16xf32>, vector<16xf32>, vector<16xf32>, vector<16xf32>, vector<16xf32>, vector<16xf32>, vector<16xf32>, vector<16xf32>, vector<16xf32>, vector<16xf32>, vector<16xf32>, vector<16xf32>, vector<16xf32>, vector<16xf32>, vector<16xf32>, vector<16xf32>, vector<16xf32>
      }
      %scan3A_227 = arith.constant 64 : i32
      %mul3A_228 = arith.constant 16 : i32
      %mul3A_229 = arith.muli %add3A_220, %mul3A_228 : i32
      %add3A_230 = vector.broadcast %mul3A_229 : i32 to vector<16xi32>
      %add3A_231 = arith.addi %add3A_230, %iota3A : vector<16xi32>
      %mul3A_232 = arith.constant 21 : i32
      %mul3A_233 = vector.broadcast %mul3A_232 : i32 to vector<16xi32>
      %mul3A_234 = arith.muli %add3A_231, %mul3A_233 : vector<16xi32>
      %mul3A_235 = arith.constant 1.000000e-01 : f32
      %mul3A_236 = vector.broadcast %mul3A_235 : f32 to vector<16xf32>
      %mul3A_237 = arith.mulf %scan3A_226#0, %mul3A_236 : vector<16xf32>
      tpu.vector_store_idx %arg14[%mul3A_234], %mul3A_237 : memref<10752xf32, #tpu.memory_space<vmem>>[vector<16xi32>], vector<16xf32>,
      %add3A_238 = arith.constant 1 : i32
      %add3A_239 = vector.broadcast %add3A_238 : i32 to vector<16xi32>
      %add3A_240 = arith.addi %mul3A_234, %add3A_239 : vector<16xi32>
      %neg3A = arith.constant 0.000000e+00 : f32
      %neg3A_241 = arith.constant 1.000000e-01 : f32
      %neg3A_242 = arith.subf %neg3A, %neg3A_241 : f32
      %mul3A_243 = vector.broadcast %neg3A_242 : f32 to vector<16xf32>
      %mul3A_244 = arith.mulf %scan3A_226#1, %mul3A_243 : vector<16xf32>
      tpu.vector_store_idx %arg14[%add3A_240], %mul3A_244 : memref<10752xf32, #tpu.memory_space<vmem>>[vector<16xi32>], vector<16xf32>,
      %add3A_245 = arith.constant 2 : i32
      %add3A_246 = vector.broadcast %add3A_245 : i32 to vector<16xi32>
      %add3A_247 = arith.addi %mul3A_234, %add3A_246 : vector<16xi32>
      %neg3A_248 = arith.constant 0.000000e+00 : f32
      %neg3A_249 = arith.constant 1.000000e-01 : f32
      %neg3A_250 = arith.subf %neg3A_248, %neg3A_249 : f32
      %mul3A_251 = vector.broadcast %neg3A_250 : f32 to vector<16xf32>
      %mul3A_252 = arith.mulf %scan3A_226#2, %mul3A_251 : vector<16xf32>
      tpu.vector_store_idx %arg14[%add3A_247], %mul3A_252 : memref<10752xf32, #tpu.memory_space<vmem>>[vector<16xi32>], vector<16xf32>,
      %add3A_253 = arith.constant 3 : i32
      %add3A_254 = vector.broadcast %add3A_253 : i32 to vector<16xi32>
      %add3A_255 = arith.addi %mul3A_234, %add3A_254 : vector<16xi32>
      %neg3A_256 = arith.constant 0.000000e+00 : f32
      %neg3A_257 = arith.constant 1.000000e-01 : f32
      %neg3A_258 = arith.subf %neg3A_256, %neg3A_257 : f32
      %mul3A_259 = vector.broadcast %neg3A_258 : f32 to vector<16xf32>
      %mul3A_260 = arith.mulf %scan3A_226#3, %mul3A_259 : vector<16xf32>
      tpu.vector_store_idx %arg14[%add3A_255], %mul3A_260 : memref<10752xf32, #tpu.memory_space<vmem>>[vector<16xi32>], vector<16xf32>,
      %add3A_261 = arith.constant 4 : i32
      %add3A_262 = vector.broadcast %add3A_261 : i32 to vector<16xi32>
      %add3A_263 = arith.addi %mul3A_234, %add3A_262 : vector<16xi32>
      %neg3A_264 = arith.constant 0.000000e+00 : f32
      %neg3A_265 = arith.constant 1.000000e-01 : f32
      %neg3A_266 = arith.subf %neg3A_264, %neg3A_265 : f32
      %mul3A_267 = vector.broadcast %neg3A_266 : f32 to vector<16xf32>
      %mul3A_268 = arith.mulf %scan3A_226#4, %mul3A_267 : vector<16xf32>
      tpu.vector_store_idx %arg14[%add3A_263], %mul3A_268 : memref<10752xf32, #tpu.memory_space<vmem>>[vector<16xi32>], vector<16xf32>,
      %add3A_269 = arith.constant 5 : i32
      %add3A_270 = vector.broadcast %add3A_269 : i32 to vector<16xi32>
      %add3A_271 = arith.addi %mul3A_234, %add3A_270 : vector<16xi32>
      %neg3A_272 = arith.constant 0.000000e+00 : f32
      %neg3A_273 = arith.constant 1.000000e-01 : f32
      %neg3A_274 = arith.subf %neg3A_272, %neg3A_273 : f32
      %mul3A_275 = vector.broadcast %neg3A_274 : f32 to vector<16xf32>
      %mul3A_276 = arith.mulf %scan3A_226#5, %mul3A_275 : vector<16xf32>
      tpu.vector_store_idx %arg14[%add3A_271], %mul3A_276 : memref<10752xf32, #tpu.memory_space<vmem>>[vector<16xi32>], vector<16xf32>,
      %add3A_277 = arith.constant 6 : i32
      %add3A_278 = vector.broadcast %add3A_277 : i32 to vector<16xi32>
      %add3A_279 = arith.addi %mul3A_234, %add3A_278 : vector<16xi32>
      %neg3A_280 = arith.constant 0.000000e+00 : f32
      %neg3A_281 = arith.constant 1.000000e-01 : f32
      %neg3A_282 = arith.subf %neg3A_280, %neg3A_281 : f32
      %mul3A_283 = vector.broadcast %neg3A_282 : f32 to vector<16xf32>
      %mul3A_284 = arith.mulf %scan3A_226#6, %mul3A_283 : vector<16xf32>
      tpu.vector_store_idx %arg14[%add3A_279], %mul3A_284 : memref<10752xf32, #tpu.memory_space<vmem>>[vector<16xi32>], vector<16xf32>,
      %add3A_285 = arith.constant 7 : i32
      %add3A_286 = vector.broadcast %add3A_285 : i32 to vector<16xi32>
      %add3A_287 = arith.addi %mul3A_234, %add3A_286 : vector<16xi32>
      %neg3A_288 = arith.constant 0.000000e+00 : f32
      %neg3A_289 = arith.constant 1.000000e-01 : f32
      %neg3A_290 = arith.subf %neg3A_288, %neg3A_289 : f32
      %mul3A_291 = vector.broadcast %neg3A_290 : f32 to vector<16xf32>
      %mul3A_292 = arith.mulf %scan3A_226#7, %mul3A_291 : vector<16xf32>
      tpu.vector_store_idx %arg14[%add3A_287], %mul3A_292 : memref<10752xf32, #tpu.memory_space<vmem>>[vector<16xi32>], vector<16xf32>,
      %add3A_293 = arith.constant 8 : i32
      %add3A_294 = vector.broadcast %add3A_293 : i32 to vector<16xi32>
      %add3A_295 = arith.addi %mul3A_234, %add3A_294 : vector<16xi32>
      %neg3A_296 = arith.constant 0.000000e+00 : f32
      %neg3A_297 = arith.constant 1.000000e-01 : f32
      %neg3A_298 = arith.subf %neg3A_296, %neg3A_297 : f32
      %mul3A_299 = vector.broadcast %neg3A_298 : f32 to vector<16xf32>
      %mul3A_300 = arith.mulf %scan3A_226#8, %mul3A_299 : vector<16xf32>
      tpu.vector_store_idx %arg14[%add3A_295], %mul3A_300 : memref<10752xf32, #tpu.memory_space<vmem>>[vector<16xi32>], vector<16xf32>,
      %add3A_301 = arith.constant 9 : i32
      %add3A_302 = vector.broadcast %add3A_301 : i32 to vector<16xi32>
      %add3A_303 = arith.addi %mul3A_234, %add3A_302 : vector<16xi32>
      %neg3A_304 = arith.constant 0.000000e+00 : f32
      %neg3A_305 = arith.constant 1.000000e-01 : f32
      %neg3A_306 = arith.subf %neg3A_304, %neg3A_305 : f32
      %mul3A_307 = vector.broadcast %neg3A_306 : f32 to vector<16xf32>
      %mul3A_308 = arith.mulf %scan3A_226#9, %mul3A_307 : vector<16xf32>
      tpu.vector_store_idx %arg14[%add3A_303], %mul3A_308 : memref<10752xf32, #tpu.memory_space<vmem>>[vector<16xi32>], vector<16xf32>,
      %add3A_309 = arith.constant 10 : i32
      %add3A_310 = vector.broadcast %add3A_309 : i32 to vector<16xi32>
      %add3A_311 = arith.addi %mul3A_234, %add3A_310 : vector<16xi32>
      %neg3A_312 = arith.constant 0.000000e+00 : f32
      %neg3A_313 = arith.constant 1.000000e-01 : f32
      %neg3A_314 = arith.subf %neg3A_312, %neg3A_313 : f32
      %mul3A_315 = vector.broadcast %neg3A_314 : f32 to vector<16xf32>
      %mul3A_316 = arith.mulf %scan3A_226#10, %mul3A_315 : vector<16xf32>
      tpu.vector_store_idx %arg14[%add3A_311], %mul3A_316 : memref<10752xf32, #tpu.memory_space<vmem>>[vector<16xi32>], vector<16xf32>,
      %add3A_317 = arith.constant 11 : i32
      %add3A_318 = vector.broadcast %add3A_317 : i32 to vector<16xi32>
      %add3A_319 = arith.addi %mul3A_234, %add3A_318 : vector<16xi32>
      %neg3A_320 = arith.constant 0.000000e+00 : f32
      %neg3A_321 = arith.constant 1.000000e-01 : f32
      %neg3A_322 = arith.subf %neg3A_320, %neg3A_321 : f32
      %mul3A_323 = vector.broadcast %neg3A_322 : f32 to vector<16xf32>
      %mul3A_324 = arith.mulf %scan3A_226#11, %mul3A_323 : vector<16xf32>
      tpu.vector_store_idx %arg14[%add3A_319], %mul3A_324 : memref<10752xf32, #tpu.memory_space<vmem>>[vector<16xi32>], vector<16xf32>,
      %add3A_325 = arith.constant 12 : i32
      %add3A_326 = vector.broadcast %add3A_325 : i32 to vector<16xi32>
      %add3A_327 = arith.addi %mul3A_234, %add3A_326 : vector<16xi32>
      %neg3A_328 = arith.constant 0.000000e+00 : f32
      %neg3A_329 = arith.constant 1.000000e-01 : f32
      %neg3A_330 = arith.subf %neg3A_328, %neg3A_329 : f32
      %mul3A_331 = vector.broadcast %neg3A_330 : f32 to vector<16xf32>
      %mul3A_332 = arith.mulf %scan3A_226#12, %mul3A_331 : vector<16xf32>
      tpu.vector_store_idx %arg14[%add3A_327], %mul3A_332 : memref<10752xf32, #tpu.memory_space<vmem>>[vector<16xi32>], vector<16xf32>,
      %add3A_333 = arith.constant 13 : i32
      %add3A_334 = vector.broadcast %add3A_333 : i32 to vector<16xi32>
      %add3A_335 = arith.addi %mul3A_234, %add3A_334 : vector<16xi32>
      %neg3A_336 = arith.constant 0.000000e+00 : f32
      %neg3A_337 = arith.constant 1.000000e-01 : f32
      %neg3A_338 = arith.subf %neg3A_336, %neg3A_337 : f32
      %mul3A_339 = vector.broadcast %neg3A_338 : f32 to vector<16xf32>
      %mul3A_340 = arith.mulf %scan3A_226#13, %mul3A_339 : vector<16xf32>
      tpu.vector_store_idx %arg14[%add3A_335], %mul3A_340 : memref<10752xf32, #tpu.memory_space<vmem>>[vector<16xi32>], vector<16xf32>,
      %add3A_341 = arith.constant 14 : i32
      %add3A_342 = vector.broadcast %add3A_341 : i32 to vector<16xi32>
      %add3A_343 = arith.addi %mul3A_234, %add3A_342 : vector<16xi32>
      %neg3A_344 = arith.constant 0.000000e+00 : f32
      %neg3A_345 = arith.constant 1.000000e-01 : f32
      %neg3A_346 = arith.subf %neg3A_344, %neg3A_345 : f32
      %mul3A_347 = vector.broadcast %neg3A_346 : f32 to vector<16xf32>
      %mul3A_348 = arith.mulf %scan3A_226#14, %mul3A_347 : vector<16xf32>
      tpu.vector_store_idx %arg14[%add3A_343], %mul3A_348 : memref<10752xf32, #tpu.memory_space<vmem>>[vector<16xi32>], vector<16xf32>,
      %add3A_349 = arith.constant 15 : i32
      %add3A_350 = vector.broadcast %add3A_349 : i32 to vector<16xi32>
      %add3A_351 = arith.addi %mul3A_234, %add3A_350 : vector<16xi32>
      %neg3A_352 = arith.constant 0.000000e+00 : f32
      %neg3A_353 = arith.constant 1.000000e-01 : f32
      %neg3A_354 = arith.subf %neg3A_352, %neg3A_353 : f32
      %mul3A_355 = vector.broadcast %neg3A_354 : f32 to vector<16xf32>
      %mul3A_356 = arith.mulf %scan3A_226#15, %mul3A_355 : vector<16xf32>
      tpu.vector_store_idx %arg14[%add3A_351], %mul3A_356 : memref<10752xf32, #tpu.memory_space<vmem>>[vector<16xi32>], vector<16xf32>,
      %add3A_357 = arith.constant 16 : i32
      %add3A_358 = vector.broadcast %add3A_357 : i32 to vector<16xi32>
      %add3A_359 = arith.addi %mul3A_234, %add3A_358 : vector<16xi32>
      %neg3A_360 = arith.constant 0.000000e+00 : f32
      %neg3A_361 = arith.constant 1.000000e-01 : f32
      %neg3A_362 = arith.subf %neg3A_360, %neg3A_361 : f32
      %mul3A_363 = vector.broadcast %neg3A_362 : f32 to vector<16xf32>
      %mul3A_364 = arith.mulf %scan3A_226#16, %mul3A_363 : vector<16xf32>
      tpu.vector_store_idx %arg14[%add3A_359], %mul3A_364 : memref<10752xf32, #tpu.memory_space<vmem>>[vector<16xi32>], vector<16xf32>,
      %add3A_365 = arith.constant 17 : i32
      %add3A_366 = vector.broadcast %add3A_365 : i32 to vector<16xi32>
      %add3A_367 = arith.addi %mul3A_234, %add3A_366 : vector<16xi32>
      %neg3A_368 = arith.constant 0.000000e+00 : f32
      %neg3A_369 = arith.constant 1.000000e-01 : f32
      %neg3A_370 = arith.subf %neg3A_368, %neg3A_369 : f32
      %mul3A_371 = vector.broadcast %neg3A_370 : f32 to vector<16xf32>
      %mul3A_372 = arith.mulf %scan3A_226#17, %mul3A_371 : vector<16xf32>
      tpu.vector_store_idx %arg14[%add3A_367], %mul3A_372 : memref<10752xf32, #tpu.memory_space<vmem>>[vector<16xi32>], vector<16xf32>,
      %add3A_373 = arith.constant 18 : i32
      %add3A_374 = vector.broadcast %add3A_373 : i32 to vector<16xi32>
      %add3A_375 = arith.addi %mul3A_234, %add3A_374 : vector<16xi32>
      %neg3A_376 = arith.constant 0.000000e+00 : f32
      %neg3A_377 = arith.constant 1.000000e-01 : f32
      %neg3A_378 = arith.subf %neg3A_376, %neg3A_377 : f32
      %mul3A_379 = vector.broadcast %neg3A_378 : f32 to vector<16xf32>
      %mul3A_380 = arith.mulf %scan3A_226#18, %mul3A_379 : vector<16xf32>
      tpu.vector_store_idx %arg14[%add3A_375], %mul3A_380 : memref<10752xf32, #tpu.memory_space<vmem>>[vector<16xi32>], vector<16xf32>,
      %add3A_381 = arith.constant 19 : i32
      %add3A_382 = vector.broadcast %add3A_381 : i32 to vector<16xi32>
      %add3A_383 = arith.addi %mul3A_234, %add3A_382 : vector<16xi32>
      %neg3A_384 = arith.constant 0.000000e+00 : f32
      %neg3A_385 = arith.constant 1.000000e-01 : f32
      %neg3A_386 = arith.subf %neg3A_384, %neg3A_385 : f32
      %mul3A_387 = vector.broadcast %neg3A_386 : f32 to vector<16xf32>
      %mul3A_388 = arith.mulf %scan3A_226#19, %mul3A_387 : vector<16xf32>
      tpu.vector_store_idx %arg14[%add3A_383], %mul3A_388 : memref<10752xf32, #tpu.memory_space<vmem>>[vector<16xi32>], vector<16xf32>,
      %add3A_389 = arith.constant 20 : i32
      %add3A_390 = vector.broadcast %add3A_389 : i32 to vector<16xi32>
      %add3A_391 = arith.addi %mul3A_234, %add3A_390 : vector<16xi32>
      %neg3A_392 = arith.constant 0.000000e+00 : f32
      %neg3A_393 = arith.constant 1.000000e-01 : f32
      %neg3A_394 = arith.subf %neg3A_392, %neg3A_393 : f32
      %mul3A_395 = vector.broadcast %neg3A_394 : f32 to vector<16xf32>
      %mul3A_396 = arith.mulf %scan3A_226#20, %mul3A_395 : vector<16xf32>
      tpu.vector_store_idx %arg14[%add3A_391], %mul3A_396 : memref<10752xf32, #tpu.memory_space<vmem>>[vector<16xi32>], vector<16xf32>,
      %add3A_397 = arith.constant 0 : i32
      %add3A_398 = arith.addi %mul3A_158, %add3A_397 : i32
      %add3A_399 = arith.constant 2 : i32
      %add3A_400 = arith.addi %add3A_398, %add3A_399 : i32
      %lt3A = arith.constant 32 : i32
      %lt3A_401 = arith.cmpi slt, %add3A_400, %lt3A : i32
      %convert_element_type3A = arith.extui %lt3A_401 : i1 to i32
      %cond3A = arith.constant 0 : i32
      %cond3A_402 = arith.cmpi ne, %convert_element_type3A, %cond3A : i32
      scf.if %cond3A_402 {
        %add3A_652 = arith.constant 0 : i32
        %add3A_653 = arith.addi %mul3A_158, %add3A_652 : i32
        %add3A_654 = arith.constant 2 : i32
        %add3A_655 = arith.addi %add3A_653, %add3A_654 : i32
        %mul3A_656 = arith.constant 10 : i32
        %mul3A_657 = arith.muli %add3A_655, %mul3A_656 : i32
        %mul3A_658 = arith.constant 16 : i32
        %mul3A_659 = arith.muli %mul3A_657, %mul3A_658 : i32
        %mul3A_660 = arith.constant 20 : i32
        %mul3A_661 = arith.muli %add3A_655, %mul3A_660 : i32
        %mul3A_662 = arith.constant 16 : i32
        %mul3A_663 = arith.muli %mul3A_661, %mul3A_662 : i32
        %dma_start3A_664 = arith.constant 0 : i32
        %dma_start3A_665 = arith.constant 0 : i32
        %dma_start3A_666 = arith.constant 0 : i32
        %dma_start3A_667 = tpu.memref_slice %arg11[%dma_start3A_664, %dma_start3A_665, %dma_start3A_666] : memref<2x160x64xf32, #tpu.memory_space<vmem>> -> memref<1x128x64xf32, #tpu.memory_space<vmem>>
        %dma_start3A_668 = tpu.memref_squeeze %dma_start3A_667 : memref<1x128x64xf32, #tpu.memory_space<vmem>> -> memref<128x64xf32, #tpu.memory_space<vmem>>
        %dma_start3A_669 = tpu.memref_slice %arg8[%mul3A_659] : memref<5120xi32, #tpu.memory_space<vmem>> -> memref<128xi32, #tpu.memory_space<vmem>>
        %dma_start3A_670 = arith.constant 0 : i32
        %dma_start3A_671 = arith.constant 0 : i32
        %dma_start3A_672 = tpu.memref_slice %arg5[%dma_start3A_670, %dma_start3A_671] : memref<1000000x64xf32, #tpu.memory_space<hbm>> -> memref<1000000x64xf32, #tpu.memory_space<hbm>>
        tpu.enqueue_indirect_dma source(%dma_start3A_672 : memref<1000000x64xf32, #tpu.memory_space<hbm>>) target(%dma_start3A_668 : memref<128x64xf32, #tpu.memory_space<vmem>>) offsets(%dma_start3A_669 : memref<128xi32, #tpu.memory_space<vmem>>) semaphore(%arg16 : memref<!tpu.dma_semaphore, #tpu.memory_space<semaphore_mem>>)
        %add3A_673 = arith.constant 128 : i32
        %add3A_674 = arith.addi %mul3A_659, %add3A_673 : i32
        %dma_start3A_675 = arith.constant 0 : i32
        %dma_start3A_676 = arith.constant 128 : i32
        %dma_start3A_677 = arith.constant 0 : i32
        %dma_start3A_678 = tpu.memref_slice %arg11[%dma_start3A_675, %dma_start3A_676, %dma_start3A_677] : memref<2x160x64xf32, #tpu.memory_space<vmem>> -> memref<1x32x64xf32, #tpu.memory_space<vmem>>
        %dma_start3A_679 = tpu.memref_squeeze %dma_start3A_678 : memref<1x32x64xf32, #tpu.memory_space<vmem>> -> memref<32x64xf32, #tpu.memory_space<vmem>>
        %dma_start3A_680 = tpu.memref_slice %arg8[%add3A_674] : memref<5120xi32, #tpu.memory_space<vmem>> -> memref<32xi32, #tpu.memory_space<vmem>>
        %dma_start3A_681 = arith.constant 0 : i32
        %dma_start3A_682 = arith.constant 0 : i32
        %dma_start3A_683 = tpu.memref_slice %arg5[%dma_start3A_681, %dma_start3A_682] : memref<1000000x64xf32, #tpu.memory_space<hbm>> -> memref<1000000x64xf32, #tpu.memory_space<hbm>>
        tpu.enqueue_indirect_dma source(%dma_start3A_683 : memref<1000000x64xf32, #tpu.memory_space<hbm>>) target(%dma_start3A_679 : memref<32x64xf32, #tpu.memory_space<vmem>>) offsets(%dma_start3A_680 : memref<32xi32, #tpu.memory_space<vmem>>) semaphore(%arg16 : memref<!tpu.dma_semaphore, #tpu.memory_space<semaphore_mem>>)
        %mul3A_684 = arith.constant 16 : i32
        %mul3A_685 = arith.muli %add3A_655, %mul3A_684 : i32
        %dma_start3A_686 = arith.constant 0 : i32
        %dma_start3A_687 = arith.constant 0 : i32
        %dma_start3A_688 = arith.constant 0 : i32
        %dma_start3A_689 = tpu.memref_slice %arg12[%dma_start3A_686, %dma_start3A_687, %dma_start3A_688] : memref<2x16x64xf32, #tpu.memory_space<vmem>> -> memref<1x16x64xf32, #tpu.memory_space<vmem>>
        %dma_start3A_690 = tpu.memref_squeeze %dma_start3A_689 : memref<1x16x64xf32, #tpu.memory_space<vmem>> -> memref<16x64xf32, #tpu.memory_space<vmem>>
        %dma_start3A_691 = tpu.memref_slice %arg9[%mul3A_685] : memref<512xi32, #tpu.memory_space<vmem>> -> memref<16xi32, #tpu.memory_space<vmem>>
        %dma_start3A_692 = arith.constant 0 : i32
        %dma_start3A_693 = arith.constant 0 : i32
        %dma_start3A_694 = tpu.memref_slice %arg6[%dma_start3A_692, %dma_start3A_693] : memref<1000000x64xf32, #tpu.memory_space<hbm>> -> memref<1000000x64xf32, #tpu.memory_space<hbm>>
        tpu.enqueue_indirect_dma source(%dma_start3A_694 : memref<1000000x64xf32, #tpu.memory_space<hbm>>) target(%dma_start3A_690 : memref<16x64xf32, #tpu.memory_space<vmem>>) offsets(%dma_start3A_691 : memref<16xi32, #tpu.memory_space<vmem>>) semaphore(%arg16 : memref<!tpu.dma_semaphore, #tpu.memory_space<semaphore_mem>>)
        %dma_start3A_695 = arith.constant 0 : i32
        %dma_start3A_696 = arith.constant 0 : i32
        %dma_start3A_697 = arith.constant 0 : i32
        %dma_start3A_698 = tpu.memref_slice %arg13[%dma_start3A_695, %dma_start3A_696, %dma_start3A_697] : memref<2x320x64xf32, #tpu.memory_space<vmem>> -> memref<1x128x64xf32, #tpu.memory_space<vmem>>
        %dma_start3A_699 = tpu.memref_squeeze %dma_start3A_698 : memref<1x128x64xf32, #tpu.memory_space<vmem>> -> memref<128x64xf32, #tpu.memory_space<vmem>>
        %dma_start3A_700 = tpu.memref_slice %arg10[%mul3A_663] : memref<10240xi32, #tpu.memory_space<vmem>> -> memref<128xi32, #tpu.memory_space<vmem>>
        %dma_start3A_701 = arith.constant 0 : i32
        %dma_start3A_702 = arith.constant 0 : i32
        %dma_start3A_703 = tpu.memref_slice %arg6[%dma_start3A_701, %dma_start3A_702] : memref<1000000x64xf32, #tpu.memory_space<hbm>> -> memref<1000000x64xf32, #tpu.memory_space<hbm>>
        tpu.enqueue_indirect_dma source(%dma_start3A_703 : memref<1000000x64xf32, #tpu.memory_space<hbm>>) target(%dma_start3A_699 : memref<128x64xf32, #tpu.memory_space<vmem>>) offsets(%dma_start3A_700 : memref<128xi32, #tpu.memory_space<vmem>>) semaphore(%arg16 : memref<!tpu.dma_semaphore, #tpu.memory_space<semaphore_mem>>)
        %add3A_704 = arith.constant 128 : i32
        %add3A_705 = arith.addi %mul3A_663, %add3A_704 : i32
        %dma_start3A_706 = arith.constant 0 : i32
        %dma_start3A_707 = arith.constant 128 : i32
        %dma_start3A_708 = arith.constant 0 : i32
        %dma_start3A_709 = tpu.memref_slice %arg13[%dma_start3A_706, %dma_start3A_707, %dma_start3A_708] : memref<2x320x64xf32, #tpu.memory_space<vmem>> -> memref<1x128x64xf32, #tpu.memory_space<vmem>>
        %dma_start3A_710 = tpu.memref_squeeze %dma_start3A_709 : memref<1x128x64xf32, #tpu.memory_space<vmem>> -> memref<128x64xf32, #tpu.memory_space<vmem>>
        %dma_start3A_711 = tpu.memref_slice %arg10[%add3A_705] : memref<10240xi32, #tpu.memory_space<vmem>> -> memref<128xi32, #tpu.memory_space<vmem>>
        %dma_start3A_712 = arith.constant 0 : i32
        %dma_start3A_713 = arith.constant 0 : i32
        %dma_start3A_714 = tpu.memref_slice %arg6[%dma_start3A_712, %dma_start3A_713] : memref<1000000x64xf32, #tpu.memory_space<hbm>> -> memref<1000000x64xf32, #tpu.memory_space<hbm>>
        tpu.enqueue_indirect_dma source(%dma_start3A_714 : memref<1000000x64xf32, #tpu.memory_space<hbm>>) target(%dma_start3A_710 : memref<128x64xf32, #tpu.memory_space<vmem>>) offsets(%dma_start3A_711 : memref<128xi32, #tpu.memory_space<vmem>>) semaphore(%arg16 : memref<!tpu.dma_semaphore, #tpu.memory_space<semaphore_mem>>)
        %add3A_715 = arith.constant 256 : i32
        %add3A_716 = arith.addi %mul3A_663, %add3A_715 : i32
        %dma_start3A_717 = arith.constant 0 : i32
        %dma_start3A_718 = arith.constant 256 : i32
        %dma_start3A_719 = arith.constant 0 : i32
        %dma_start3A_720 = tpu.memref_slice %arg13[%dma_start3A_717, %dma_start3A_718, %dma_start3A_719] : memref<2x320x64xf32, #tpu.memory_space<vmem>> -> memref<1x64x64xf32, #tpu.memory_space<vmem>>
        %dma_start3A_721 = tpu.memref_squeeze %dma_start3A_720 : memref<1x64x64xf32, #tpu.memory_space<vmem>> -> memref<64x64xf32, #tpu.memory_space<vmem>>
        %dma_start3A_722 = tpu.memref_slice %arg10[%add3A_716] : memref<10240xi32, #tpu.memory_space<vmem>> -> memref<64xi32, #tpu.memory_space<vmem>>
        %dma_start3A_723 = arith.constant 0 : i32
        %dma_start3A_724 = arith.constant 0 : i32
        %dma_start3A_725 = tpu.memref_slice %arg6[%dma_start3A_723, %dma_start3A_724] : memref<1000000x64xf32, #tpu.memory_space<hbm>> -> memref<1000000x64xf32, #tpu.memory_space<hbm>>
        tpu.enqueue_indirect_dma source(%dma_start3A_725 : memref<1000000x64xf32, #tpu.memory_space<hbm>>) target(%dma_start3A_721 : memref<64x64xf32, #tpu.memory_space<vmem>>) offsets(%dma_start3A_722 : memref<64xi32, #tpu.memory_space<vmem>>) semaphore(%arg16 : memref<!tpu.dma_semaphore, #tpu.memory_space<semaphore_mem>>)
      } else {
      }
      %dma_wait3A_403 = arith.constant 1 : i32
      %dma_wait3A_404 = arith.constant 0 : i32
      %dma_wait3A_405 = arith.constant 0 : i32
      %dma_wait3A_406 = tpu.memref_slice %arg11[%dma_wait3A_403, %dma_wait3A_404, %dma_wait3A_405] : memref<2x160x64xf32, #tpu.memory_space<vmem>> -> memref<1x128x64xf32, #tpu.memory_space<vmem>>
      %dma_wait3A_407 = tpu.memref_squeeze %dma_wait3A_406 : memref<1x128x64xf32, #tpu.memory_space<vmem>> -> memref<128x64xf32, #tpu.memory_space<vmem>>
      %dma_wait3A_408 = arith.constant 0 : i32
      %dma_wait3A_409 = tpu.memref_slice %arg8[%dma_wait3A_408] : memref<5120xi32, #tpu.memory_space<vmem>> -> memref<128xi32, #tpu.memory_space<vmem>>
      %dma_wait3A_410 = arith.constant 0 : i32
      %dma_wait3A_411 = arith.constant 0 : i32
      %dma_wait3A_412 = tpu.memref_slice %arg5[%dma_wait3A_410, %dma_wait3A_411] : memref<1000000x64xf32, #tpu.memory_space<hbm>> -> memref<1000000x64xf32, #tpu.memory_space<hbm>>
      tpu.wait_indirect_dma semaphore(%arg17 : memref<!tpu.dma_semaphore, #tpu.memory_space<semaphore_mem>>) src(%dma_wait3A_412 : memref<1000000x64xf32, #tpu.memory_space<hbm>>) dst(%dma_wait3A_407 : memref<128x64xf32, #tpu.memory_space<vmem>>)
      %dma_wait3A_413 = arith.constant 1 : i32
      %dma_wait3A_414 = arith.constant 128 : i32
      %dma_wait3A_415 = arith.constant 0 : i32
      %dma_wait3A_416 = tpu.memref_slice %arg11[%dma_wait3A_413, %dma_wait3A_414, %dma_wait3A_415] : memref<2x160x64xf32, #tpu.memory_space<vmem>> -> memref<1x32x64xf32, #tpu.memory_space<vmem>>
      %dma_wait3A_417 = tpu.memref_squeeze %dma_wait3A_416 : memref<1x32x64xf32, #tpu.memory_space<vmem>> -> memref<32x64xf32, #tpu.memory_space<vmem>>
      %dma_wait3A_418 = arith.constant 0 : i32
      %dma_wait3A_419 = tpu.memref_slice %arg8[%dma_wait3A_418] : memref<5120xi32, #tpu.memory_space<vmem>> -> memref<32xi32, #tpu.memory_space<vmem>>
      %dma_wait3A_420 = arith.constant 0 : i32
      %dma_wait3A_421 = arith.constant 0 : i32
      %dma_wait3A_422 = tpu.memref_slice %arg5[%dma_wait3A_420, %dma_wait3A_421] : memref<1000000x64xf32, #tpu.memory_space<hbm>> -> memref<1000000x64xf32, #tpu.memory_space<hbm>>
      tpu.wait_indirect_dma semaphore(%arg17 : memref<!tpu.dma_semaphore, #tpu.memory_space<semaphore_mem>>) src(%dma_wait3A_422 : memref<1000000x64xf32, #tpu.memory_space<hbm>>) dst(%dma_wait3A_417 : memref<32x64xf32, #tpu.memory_space<vmem>>)
      %dma_wait3A_423 = arith.constant 1 : i32
      %dma_wait3A_424 = arith.constant 0 : i32
      %dma_wait3A_425 = arith.constant 0 : i32
      %dma_wait3A_426 = tpu.memref_slice %arg12[%dma_wait3A_423, %dma_wait3A_424, %dma_wait3A_425] : memref<2x16x64xf32, #tpu.memory_space<vmem>> -> memref<1x16x64xf32, #tpu.memory_space<vmem>>
      %dma_wait3A_427 = tpu.memref_squeeze %dma_wait3A_426 : memref<1x16x64xf32, #tpu.memory_space<vmem>> -> memref<16x64xf32, #tpu.memory_space<vmem>>
      %dma_wait3A_428 = arith.constant 0 : i32
      %dma_wait3A_429 = tpu.memref_slice %arg9[%dma_wait3A_428] : memref<512xi32, #tpu.memory_space<vmem>> -> memref<16xi32, #tpu.memory_space<vmem>>
      %dma_wait3A_430 = arith.constant 0 : i32
      %dma_wait3A_431 = arith.constant 0 : i32
      %dma_wait3A_432 = tpu.memref_slice %arg6[%dma_wait3A_430, %dma_wait3A_431] : memref<1000000x64xf32, #tpu.memory_space<hbm>> -> memref<1000000x64xf32, #tpu.memory_space<hbm>>
      tpu.wait_indirect_dma semaphore(%arg17 : memref<!tpu.dma_semaphore, #tpu.memory_space<semaphore_mem>>) src(%dma_wait3A_432 : memref<1000000x64xf32, #tpu.memory_space<hbm>>) dst(%dma_wait3A_427 : memref<16x64xf32, #tpu.memory_space<vmem>>)
      %dma_wait3A_433 = arith.constant 1 : i32
      %dma_wait3A_434 = arith.constant 0 : i32
      %dma_wait3A_435 = arith.constant 0 : i32
      %dma_wait3A_436 = tpu.memref_slice %arg13[%dma_wait3A_433, %dma_wait3A_434, %dma_wait3A_435] : memref<2x320x64xf32, #tpu.memory_space<vmem>> -> memref<1x128x64xf32, #tpu.memory_space<vmem>>
      %dma_wait3A_437 = tpu.memref_squeeze %dma_wait3A_436 : memref<1x128x64xf32, #tpu.memory_space<vmem>> -> memref<128x64xf32, #tpu.memory_space<vmem>>
      %dma_wait3A_438 = arith.constant 0 : i32
      %dma_wait3A_439 = tpu.memref_slice %arg10[%dma_wait3A_438] : memref<10240xi32, #tpu.memory_space<vmem>> -> memref<128xi32, #tpu.memory_space<vmem>>
      %dma_wait3A_440 = arith.constant 0 : i32
      %dma_wait3A_441 = arith.constant 0 : i32
      %dma_wait3A_442 = tpu.memref_slice %arg6[%dma_wait3A_440, %dma_wait3A_441] : memref<1000000x64xf32, #tpu.memory_space<hbm>> -> memref<1000000x64xf32, #tpu.memory_space<hbm>>
      tpu.wait_indirect_dma semaphore(%arg17 : memref<!tpu.dma_semaphore, #tpu.memory_space<semaphore_mem>>) src(%dma_wait3A_442 : memref<1000000x64xf32, #tpu.memory_space<hbm>>) dst(%dma_wait3A_437 : memref<128x64xf32, #tpu.memory_space<vmem>>)
      %dma_wait3A_443 = arith.constant 1 : i32
      %dma_wait3A_444 = arith.constant 128 : i32
      %dma_wait3A_445 = arith.constant 0 : i32
      %dma_wait3A_446 = tpu.memref_slice %arg13[%dma_wait3A_443, %dma_wait3A_444, %dma_wait3A_445] : memref<2x320x64xf32, #tpu.memory_space<vmem>> -> memref<1x128x64xf32, #tpu.memory_space<vmem>>
      %dma_wait3A_447 = tpu.memref_squeeze %dma_wait3A_446 : memref<1x128x64xf32, #tpu.memory_space<vmem>> -> memref<128x64xf32, #tpu.memory_space<vmem>>
      %dma_wait3A_448 = arith.constant 0 : i32
      %dma_wait3A_449 = tpu.memref_slice %arg10[%dma_wait3A_448] : memref<10240xi32, #tpu.memory_space<vmem>> -> memref<128xi32, #tpu.memory_space<vmem>>
      %dma_wait3A_450 = arith.constant 0 : i32
      %dma_wait3A_451 = arith.constant 0 : i32
      %dma_wait3A_452 = tpu.memref_slice %arg6[%dma_wait3A_450, %dma_wait3A_451] : memref<1000000x64xf32, #tpu.memory_space<hbm>> -> memref<1000000x64xf32, #tpu.memory_space<hbm>>
      tpu.wait_indirect_dma semaphore(%arg17 : memref<!tpu.dma_semaphore, #tpu.memory_space<semaphore_mem>>) src(%dma_wait3A_452 : memref<1000000x64xf32, #tpu.memory_space<hbm>>) dst(%dma_wait3A_447 : memref<128x64xf32, #tpu.memory_space<vmem>>)
      %dma_wait3A_453 = arith.constant 1 : i32
      %dma_wait3A_454 = arith.constant 256 : i32
      %dma_wait3A_455 = arith.constant 0 : i32
      %dma_wait3A_456 = tpu.memref_slice %arg13[%dma_wait3A_453, %dma_wait3A_454, %dma_wait3A_455] : memref<2x320x64xf32, #tpu.memory_space<vmem>> -> memref<1x64x64xf32, #tpu.memory_space<vmem>>
      %dma_wait3A_457 = tpu.memref_squeeze %dma_wait3A_456 : memref<1x64x64xf32, #tpu.memory_space<vmem>> -> memref<64x64xf32, #tpu.memory_space<vmem>>
      %dma_wait3A_458 = arith.constant 0 : i32
      %dma_wait3A_459 = tpu.memref_slice %arg10[%dma_wait3A_458] : memref<10240xi32, #tpu.memory_space<vmem>> -> memref<64xi32, #tpu.memory_space<vmem>>
      %dma_wait3A_460 = arith.constant 0 : i32
      %dma_wait3A_461 = arith.constant 0 : i32
      %dma_wait3A_462 = tpu.memref_slice %arg6[%dma_wait3A_460, %dma_wait3A_461] : memref<1000000x64xf32, #tpu.memory_space<hbm>> -> memref<1000000x64xf32, #tpu.memory_space<hbm>>
      tpu.wait_indirect_dma semaphore(%arg17 : memref<!tpu.dma_semaphore, #tpu.memory_space<semaphore_mem>>) src(%dma_wait3A_462 : memref<1000000x64xf32, #tpu.memory_space<hbm>>) dst(%dma_wait3A_457 : memref<64x64xf32, #tpu.memory_space<vmem>>)
      %add3A_463 = arith.constant 1 : i32
      %add3A_464 = arith.addi %mul3A_158, %add3A_463 : i32
      %broadcast_in_dim3A_465 = arith.constant 0.000000e+00 : f32
      %broadcast_in_dim3A_466 = vector.broadcast %broadcast_in_dim3A_465 : f32 to vector<16xf32>
      %scan3A_467 = arith.constant 0 : i32
      %scan3A_468 = arith.constant 64 : i32
      %scan3A_469 = arith.addi %scan3A_467, %scan3A_468 : i32
      %scan3A_470 = arith.constant 1 : i32
      %scan3A_471:21 = scf.for %scan3A_652 = %scan3A_467 to %scan3A_469 step %scan3A_470 iter_args(%scan3A_653 = %broadcast_in_dim3A_466, %scan3A_654 = %broadcast_in_dim3A_466, %scan3A_655 = %broadcast_in_dim3A_466, %scan3A_656 = %broadcast_in_dim3A_466, %scan3A_657 = %broadcast_in_dim3A_466, %scan3A_658 = %broadcast_in_dim3A_466, %scan3A_659 = %broadcast_in_dim3A_466, %scan3A_660 = %broadcast_in_dim3A_466, %scan3A_661 = %broadcast_in_dim3A_466, %scan3A_662 = %broadcast_in_dim3A_466, %scan3A_663 = %broadcast_in_dim3A_466, %scan3A_664 = %broadcast_in_dim3A_466, %scan3A_665 = %broadcast_in_dim3A_466, %scan3A_666 = %broadcast_in_dim3A_466, %scan3A_667 = %broadcast_in_dim3A_466, %scan3A_668 = %broadcast_in_dim3A_466, %scan3A_669 = %broadcast_in_dim3A_466, %scan3A_670 = %broadcast_in_dim3A_466, %scan3A_671 = %broadcast_in_dim3A_466, %scan3A_672 = %broadcast_in_dim3A_466, %scan3A_673 = %broadcast_in_dim3A_466) -> (vector<16xf32>, vector<16xf32>, vector<16xf32>, vector<16xf32>, vector<16xf32>, vector<16xf32>, vector<16xf32>, vector<16xf32>, vector<16xf32>, vector<16xf32>, vector<16xf32>, vector<16xf32>, vector<16xf32>, vector<16xf32>, vector<16xf32>, vector<16xf32>, vector<16xf32>, vector<16xf32>, vector<16xf32>, vector<16xf32>, vector<16xf32>)  : i32 {
        %add3A_674 = vector.broadcast %scan3A_652 : i32 to vector<16xi32>
        %add3A_675 = arith.addi %iota3A, %add3A_674 : vector<16xi32>
        %and3A = arith.constant 63 : i32
        %and3A_676 = vector.broadcast %and3A : i32 to vector<16xi32>
        %and3A_677 = arith.andi %add3A_675, %and3A_676 : vector<16xi32>
        %gather3A = arith.constant 1 : i32
        %gather3A_678 = arith.constant 0 : i32
        %gather3A_679 = arith.constant 0 : i32
        %gather3A_680 = tpu.memref_slice %arg11[%gather3A, %gather3A_678, %gather3A_679] : memref<2x160x64xf32, #tpu.memory_space<vmem>> -> memref<1x160x64xf32, #tpu.memory_space<vmem>>
        %gather3A_681 = tpu.memref_squeeze %gather3A_680 : memref<1x160x64xf32, #tpu.memory_space<vmem>> -> memref<160x64xf32, #tpu.memory_space<vmem>>
        %gather3A_682 = tpu.vector_load_idx %gather3A_681[%mul3A_3, %and3A_677] : memref<160x64xf32, #tpu.memory_space<vmem>>[vector<16xi32>, vector<16xi32>], vector<16xf32>,
        %add3A_683 = arith.constant 1 : i32
        %add3A_684 = vector.broadcast %add3A_683 : i32 to vector<16xi32>
        %add3A_685 = arith.addi %mul3A_3, %add3A_684 : vector<16xi32>
        %gather3A_686 = arith.constant 1 : i32
        %gather3A_687 = arith.constant 0 : i32
        %gather3A_688 = arith.constant 0 : i32
        %gather3A_689 = tpu.memref_slice %arg11[%gather3A_686, %gather3A_687, %gather3A_688] : memref<2x160x64xf32, #tpu.memory_space<vmem>> -> memref<1x160x64xf32, #tpu.memory_space<vmem>>
        %gather3A_690 = tpu.memref_squeeze %gather3A_689 : memref<1x160x64xf32, #tpu.memory_space<vmem>> -> memref<160x64xf32, #tpu.memory_space<vmem>>
        %gather3A_691 = tpu.vector_load_idx %gather3A_690[%add3A_685, %and3A_677] : memref<160x64xf32, #tpu.memory_space<vmem>>[vector<16xi32>, vector<16xi32>], vector<16xf32>,
        %add3A_692 = arith.addf %gather3A_682, %gather3A_691 : vector<16xf32>
        %add3A_693 = arith.constant 2 : i32
        %add3A_694 = vector.broadcast %add3A_693 : i32 to vector<16xi32>
        %add3A_695 = arith.addi %mul3A_3, %add3A_694 : vector<16xi32>
        %gather3A_696 = arith.constant 1 : i32
        %gather3A_697 = arith.constant 0 : i32
        %gather3A_698 = arith.constant 0 : i32
        %gather3A_699 = tpu.memref_slice %arg11[%gather3A_696, %gather3A_697, %gather3A_698] : memref<2x160x64xf32, #tpu.memory_space<vmem>> -> memref<1x160x64xf32, #tpu.memory_space<vmem>>
        %gather3A_700 = tpu.memref_squeeze %gather3A_699 : memref<1x160x64xf32, #tpu.memory_space<vmem>> -> memref<160x64xf32, #tpu.memory_space<vmem>>
        %gather3A_701 = tpu.vector_load_idx %gather3A_700[%add3A_695, %and3A_677] : memref<160x64xf32, #tpu.memory_space<vmem>>[vector<16xi32>, vector<16xi32>], vector<16xf32>,
        %add3A_702 = arith.addf %add3A_692, %gather3A_701 : vector<16xf32>
        %add3A_703 = arith.constant 3 : i32
        %add3A_704 = vector.broadcast %add3A_703 : i32 to vector<16xi32>
        %add3A_705 = arith.addi %mul3A_3, %add3A_704 : vector<16xi32>
        %gather3A_706 = arith.constant 1 : i32
        %gather3A_707 = arith.constant 0 : i32
        %gather3A_708 = arith.constant 0 : i32
        %gather3A_709 = tpu.memref_slice %arg11[%gather3A_706, %gather3A_707, %gather3A_708] : memref<2x160x64xf32, #tpu.memory_space<vmem>> -> memref<1x160x64xf32, #tpu.memory_space<vmem>>
        %gather3A_710 = tpu.memref_squeeze %gather3A_709 : memref<1x160x64xf32, #tpu.memory_space<vmem>> -> memref<160x64xf32, #tpu.memory_space<vmem>>
        %gather3A_711 = tpu.vector_load_idx %gather3A_710[%add3A_705, %and3A_677] : memref<160x64xf32, #tpu.memory_space<vmem>>[vector<16xi32>, vector<16xi32>], vector<16xf32>,
        %add3A_712 = arith.addf %add3A_702, %gather3A_711 : vector<16xf32>
        %add3A_713 = arith.constant 4 : i32
        %add3A_714 = vector.broadcast %add3A_713 : i32 to vector<16xi32>
        %add3A_715 = arith.addi %mul3A_3, %add3A_714 : vector<16xi32>
        %gather3A_716 = arith.constant 1 : i32
        %gather3A_717 = arith.constant 0 : i32
        %gather3A_718 = arith.constant 0 : i32
        %gather3A_719 = tpu.memref_slice %arg11[%gather3A_716, %gather3A_717, %gather3A_718] : memref<2x160x64xf32, #tpu.memory_space<vmem>> -> memref<1x160x64xf32, #tpu.memory_space<vmem>>
        %gather3A_720 = tpu.memref_squeeze %gather3A_719 : memref<1x160x64xf32, #tpu.memory_space<vmem>> -> memref<160x64xf32, #tpu.memory_space<vmem>>
        %gather3A_721 = tpu.vector_load_idx %gather3A_720[%add3A_715, %and3A_677] : memref<160x64xf32, #tpu.memory_space<vmem>>[vector<16xi32>, vector<16xi32>], vector<16xf32>,
        %add3A_722 = arith.addf %add3A_712, %gather3A_721 : vector<16xf32>
        %add3A_723 = arith.constant 5 : i32
        %add3A_724 = vector.broadcast %add3A_723 : i32 to vector<16xi32>
        %add3A_725 = arith.addi %mul3A_3, %add3A_724 : vector<16xi32>
        %gather3A_726 = arith.constant 1 : i32
        %gather3A_727 = arith.constant 0 : i32
        %gather3A_728 = arith.constant 0 : i32
        %gather3A_729 = tpu.memref_slice %arg11[%gather3A_726, %gather3A_727, %gather3A_728] : memref<2x160x64xf32, #tpu.memory_space<vmem>> -> memref<1x160x64xf32, #tpu.memory_space<vmem>>
        %gather3A_730 = tpu.memref_squeeze %gather3A_729 : memref<1x160x64xf32, #tpu.memory_space<vmem>> -> memref<160x64xf32, #tpu.memory_space<vmem>>
        %gather3A_731 = tpu.vector_load_idx %gather3A_730[%add3A_725, %and3A_677] : memref<160x64xf32, #tpu.memory_space<vmem>>[vector<16xi32>, vector<16xi32>], vector<16xf32>,
        %add3A_732 = arith.addf %add3A_722, %gather3A_731 : vector<16xf32>
        %add3A_733 = arith.constant 6 : i32
        %add3A_734 = vector.broadcast %add3A_733 : i32 to vector<16xi32>
        %add3A_735 = arith.addi %mul3A_3, %add3A_734 : vector<16xi32>
        %gather3A_736 = arith.constant 1 : i32
        %gather3A_737 = arith.constant 0 : i32
        %gather3A_738 = arith.constant 0 : i32
        %gather3A_739 = tpu.memref_slice %arg11[%gather3A_736, %gather3A_737, %gather3A_738] : memref<2x160x64xf32, #tpu.memory_space<vmem>> -> memref<1x160x64xf32, #tpu.memory_space<vmem>>
        %gather3A_740 = tpu.memref_squeeze %gather3A_739 : memref<1x160x64xf32, #tpu.memory_space<vmem>> -> memref<160x64xf32, #tpu.memory_space<vmem>>
        %gather3A_741 = tpu.vector_load_idx %gather3A_740[%add3A_735, %and3A_677] : memref<160x64xf32, #tpu.memory_space<vmem>>[vector<16xi32>, vector<16xi32>], vector<16xf32>,
        %add3A_742 = arith.addf %add3A_732, %gather3A_741 : vector<16xf32>
        %add3A_743 = arith.constant 7 : i32
        %add3A_744 = vector.broadcast %add3A_743 : i32 to vector<16xi32>
        %add3A_745 = arith.addi %mul3A_3, %add3A_744 : vector<16xi32>
        %gather3A_746 = arith.constant 1 : i32
        %gather3A_747 = arith.constant 0 : i32
        %gather3A_748 = arith.constant 0 : i32
        %gather3A_749 = tpu.memref_slice %arg11[%gather3A_746, %gather3A_747, %gather3A_748] : memref<2x160x64xf32, #tpu.memory_space<vmem>> -> memref<1x160x64xf32, #tpu.memory_space<vmem>>
        %gather3A_750 = tpu.memref_squeeze %gather3A_749 : memref<1x160x64xf32, #tpu.memory_space<vmem>> -> memref<160x64xf32, #tpu.memory_space<vmem>>
        %gather3A_751 = tpu.vector_load_idx %gather3A_750[%add3A_745, %and3A_677] : memref<160x64xf32, #tpu.memory_space<vmem>>[vector<16xi32>, vector<16xi32>], vector<16xf32>,
        %add3A_752 = arith.addf %add3A_742, %gather3A_751 : vector<16xf32>
        %add3A_753 = arith.constant 8 : i32
        %add3A_754 = vector.broadcast %add3A_753 : i32 to vector<16xi32>
        %add3A_755 = arith.addi %mul3A_3, %add3A_754 : vector<16xi32>
        %gather3A_756 = arith.constant 1 : i32
        %gather3A_757 = arith.constant 0 : i32
        %gather3A_758 = arith.constant 0 : i32
        %gather3A_759 = tpu.memref_slice %arg11[%gather3A_756, %gather3A_757, %gather3A_758] : memref<2x160x64xf32, #tpu.memory_space<vmem>> -> memref<1x160x64xf32, #tpu.memory_space<vmem>>
        %gather3A_760 = tpu.memref_squeeze %gather3A_759 : memref<1x160x64xf32, #tpu.memory_space<vmem>> -> memref<160x64xf32, #tpu.memory_space<vmem>>
        %gather3A_761 = tpu.vector_load_idx %gather3A_760[%add3A_755, %and3A_677] : memref<160x64xf32, #tpu.memory_space<vmem>>[vector<16xi32>, vector<16xi32>], vector<16xf32>,
        %add3A_762 = arith.addf %add3A_752, %gather3A_761 : vector<16xf32>
        %add3A_763 = arith.constant 9 : i32
        %add3A_764 = vector.broadcast %add3A_763 : i32 to vector<16xi32>
        %add3A_765 = arith.addi %mul3A_3, %add3A_764 : vector<16xi32>
        %gather3A_766 = arith.constant 1 : i32
        %gather3A_767 = arith.constant 0 : i32
        %gather3A_768 = arith.constant 0 : i32
        %gather3A_769 = tpu.memref_slice %arg11[%gather3A_766, %gather3A_767, %gather3A_768] : memref<2x160x64xf32, #tpu.memory_space<vmem>> -> memref<1x160x64xf32, #tpu.memory_space<vmem>>
        %gather3A_770 = tpu.memref_squeeze %gather3A_769 : memref<1x160x64xf32, #tpu.memory_space<vmem>> -> memref<160x64xf32, #tpu.memory_space<vmem>>
        %gather3A_771 = tpu.vector_load_idx %gather3A_770[%add3A_765, %and3A_677] : memref<160x64xf32, #tpu.memory_space<vmem>>[vector<16xi32>, vector<16xi32>], vector<16xf32>,
        %add3A_772 = arith.addf %add3A_762, %gather3A_771 : vector<16xf32>
        %gather3A_773 = arith.constant 1 : i32
        %gather3A_774 = arith.constant 0 : i32
        %gather3A_775 = arith.constant 0 : i32
        %gather3A_776 = tpu.memref_slice %arg12[%gather3A_773, %gather3A_774, %gather3A_775] : memref<2x16x64xf32, #tpu.memory_space<vmem>> -> memref<1x16x64xf32, #tpu.memory_space<vmem>>
        %gather3A_777 = tpu.memref_squeeze %gather3A_776 : memref<1x16x64xf32, #tpu.memory_space<vmem>> -> memref<16x64xf32, #tpu.memory_space<vmem>>
        %gather3A_778 = tpu.vector_load_idx %gather3A_777[%iota3A, %and3A_677] : memref<16x64xf32, #tpu.memory_space<vmem>>[vector<16xi32>, vector<16xi32>], vector<16xf32>,
        %mul3A_779 = arith.mulf %add3A_772, %gather3A_778 : vector<16xf32>
        %add3A_780 = arith.addf %scan3A_653, %mul3A_779 : vector<16xf32>
        %add3A_781 = arith.constant 0 : i32
        %add3A_782 = vector.broadcast %add3A_781 : i32 to vector<16xi32>
        %add3A_783 = arith.addi %mul3A_6, %add3A_782 : vector<16xi32>
        %gather3A_784 = arith.constant 1 : i32
        %gather3A_785 = arith.constant 0 : i32
        %gather3A_786 = arith.constant 0 : i32
        %gather3A_787 = tpu.memref_slice %arg13[%gather3A_784, %gather3A_785, %gather3A_786] : memref<2x320x64xf32, #tpu.memory_space<vmem>> -> memref<1x320x64xf32, #tpu.memory_space<vmem>>
        %gather3A_788 = tpu.memref_squeeze %gather3A_787 : memref<1x320x64xf32, #tpu.memory_space<vmem>> -> memref<320x64xf32, #tpu.memory_space<vmem>>
        %gather3A_789 = tpu.vector_load_idx %gather3A_788[%add3A_783, %and3A_677] : memref<320x64xf32, #tpu.memory_space<vmem>>[vector<16xi32>, vector<16xi32>], vector<16xf32>,
        %mul3A_790 = arith.mulf %add3A_772, %gather3A_789 : vector<16xf32>
        %add3A_791 = arith.addf %scan3A_654, %mul3A_790 : vector<16xf32>
        %add3A_792 = arith.constant 1 : i32
        %add3A_793 = vector.broadcast %add3A_792 : i32 to vector<16xi32>
        %add3A_794 = arith.addi %mul3A_6, %add3A_793 : vector<16xi32>
        %gather3A_795 = arith.constant 1 : i32
        %gather3A_796 = arith.constant 0 : i32
        %gather3A_797 = arith.constant 0 : i32
        %gather3A_798 = tpu.memref_slice %arg13[%gather3A_795, %gather3A_796, %gather3A_797] : memref<2x320x64xf32, #tpu.memory_space<vmem>> -> memref<1x320x64xf32, #tpu.memory_space<vmem>>
        %gather3A_799 = tpu.memref_squeeze %gather3A_798 : memref<1x320x64xf32, #tpu.memory_space<vmem>> -> memref<320x64xf32, #tpu.memory_space<vmem>>
        %gather3A_800 = tpu.vector_load_idx %gather3A_799[%add3A_794, %and3A_677] : memref<320x64xf32, #tpu.memory_space<vmem>>[vector<16xi32>, vector<16xi32>], vector<16xf32>,
        %mul3A_801 = arith.mulf %add3A_772, %gather3A_800 : vector<16xf32>
        %add3A_802 = arith.addf %scan3A_655, %mul3A_801 : vector<16xf32>
        %add3A_803 = arith.constant 2 : i32
        %add3A_804 = vector.broadcast %add3A_803 : i32 to vector<16xi32>
        %add3A_805 = arith.addi %mul3A_6, %add3A_804 : vector<16xi32>
        %gather3A_806 = arith.constant 1 : i32
        %gather3A_807 = arith.constant 0 : i32
        %gather3A_808 = arith.constant 0 : i32
        %gather3A_809 = tpu.memref_slice %arg13[%gather3A_806, %gather3A_807, %gather3A_808] : memref<2x320x64xf32, #tpu.memory_space<vmem>> -> memref<1x320x64xf32, #tpu.memory_space<vmem>>
        %gather3A_810 = tpu.memref_squeeze %gather3A_809 : memref<1x320x64xf32, #tpu.memory_space<vmem>> -> memref<320x64xf32, #tpu.memory_space<vmem>>
        %gather3A_811 = tpu.vector_load_idx %gather3A_810[%add3A_805, %and3A_677] : memref<320x64xf32, #tpu.memory_space<vmem>>[vector<16xi32>, vector<16xi32>], vector<16xf32>,
        %mul3A_812 = arith.mulf %add3A_772, %gather3A_811 : vector<16xf32>
        %add3A_813 = arith.addf %scan3A_656, %mul3A_812 : vector<16xf32>
        %add3A_814 = arith.constant 3 : i32
        %add3A_815 = vector.broadcast %add3A_814 : i32 to vector<16xi32>
        %add3A_816 = arith.addi %mul3A_6, %add3A_815 : vector<16xi32>
        %gather3A_817 = arith.constant 1 : i32
        %gather3A_818 = arith.constant 0 : i32
        %gather3A_819 = arith.constant 0 : i32
        %gather3A_820 = tpu.memref_slice %arg13[%gather3A_817, %gather3A_818, %gather3A_819] : memref<2x320x64xf32, #tpu.memory_space<vmem>> -> memref<1x320x64xf32, #tpu.memory_space<vmem>>
        %gather3A_821 = tpu.memref_squeeze %gather3A_820 : memref<1x320x64xf32, #tpu.memory_space<vmem>> -> memref<320x64xf32, #tpu.memory_space<vmem>>
        %gather3A_822 = tpu.vector_load_idx %gather3A_821[%add3A_816, %and3A_677] : memref<320x64xf32, #tpu.memory_space<vmem>>[vector<16xi32>, vector<16xi32>], vector<16xf32>,
        %mul3A_823 = arith.mulf %add3A_772, %gather3A_822 : vector<16xf32>
        %add3A_824 = arith.addf %scan3A_657, %mul3A_823 : vector<16xf32>
        %add3A_825 = arith.constant 4 : i32
        %add3A_826 = vector.broadcast %add3A_825 : i32 to vector<16xi32>
        %add3A_827 = arith.addi %mul3A_6, %add3A_826 : vector<16xi32>
        %gather3A_828 = arith.constant 1 : i32
        %gather3A_829 = arith.constant 0 : i32
        %gather3A_830 = arith.constant 0 : i32
        %gather3A_831 = tpu.memref_slice %arg13[%gather3A_828, %gather3A_829, %gather3A_830] : memref<2x320x64xf32, #tpu.memory_space<vmem>> -> memref<1x320x64xf32, #tpu.memory_space<vmem>>
        %gather3A_832 = tpu.memref_squeeze %gather3A_831 : memref<1x320x64xf32, #tpu.memory_space<vmem>> -> memref<320x64xf32, #tpu.memory_space<vmem>>
        %gather3A_833 = tpu.vector_load_idx %gather3A_832[%add3A_827, %and3A_677] : memref<320x64xf32, #tpu.memory_space<vmem>>[vector<16xi32>, vector<16xi32>], vector<16xf32>,
        %mul3A_834 = arith.mulf %add3A_772, %gather3A_833 : vector<16xf32>
        %add3A_835 = arith.addf %scan3A_658, %mul3A_834 : vector<16xf32>
        %add3A_836 = arith.constant 5 : i32
        %add3A_837 = vector.broadcast %add3A_836 : i32 to vector<16xi32>
        %add3A_838 = arith.addi %mul3A_6, %add3A_837 : vector<16xi32>
        %gather3A_839 = arith.constant 1 : i32
        %gather3A_840 = arith.constant 0 : i32
        %gather3A_841 = arith.constant 0 : i32
        %gather3A_842 = tpu.memref_slice %arg13[%gather3A_839, %gather3A_840, %gather3A_841] : memref<2x320x64xf32, #tpu.memory_space<vmem>> -> memref<1x320x64xf32, #tpu.memory_space<vmem>>
        %gather3A_843 = tpu.memref_squeeze %gather3A_842 : memref<1x320x64xf32, #tpu.memory_space<vmem>> -> memref<320x64xf32, #tpu.memory_space<vmem>>
        %gather3A_844 = tpu.vector_load_idx %gather3A_843[%add3A_838, %and3A_677] : memref<320x64xf32, #tpu.memory_space<vmem>>[vector<16xi32>, vector<16xi32>], vector<16xf32>,
        %mul3A_845 = arith.mulf %add3A_772, %gather3A_844 : vector<16xf32>
        %add3A_846 = arith.addf %scan3A_659, %mul3A_845 : vector<16xf32>
        %add3A_847 = arith.constant 6 : i32
        %add3A_848 = vector.broadcast %add3A_847 : i32 to vector<16xi32>
        %add3A_849 = arith.addi %mul3A_6, %add3A_848 : vector<16xi32>
        %gather3A_850 = arith.constant 1 : i32
        %gather3A_851 = arith.constant 0 : i32
        %gather3A_852 = arith.constant 0 : i32
        %gather3A_853 = tpu.memref_slice %arg13[%gather3A_850, %gather3A_851, %gather3A_852] : memref<2x320x64xf32, #tpu.memory_space<vmem>> -> memref<1x320x64xf32, #tpu.memory_space<vmem>>
        %gather3A_854 = tpu.memref_squeeze %gather3A_853 : memref<1x320x64xf32, #tpu.memory_space<vmem>> -> memref<320x64xf32, #tpu.memory_space<vmem>>
        %gather3A_855 = tpu.vector_load_idx %gather3A_854[%add3A_849, %and3A_677] : memref<320x64xf32, #tpu.memory_space<vmem>>[vector<16xi32>, vector<16xi32>], vector<16xf32>,
        %mul3A_856 = arith.mulf %add3A_772, %gather3A_855 : vector<16xf32>
        %add3A_857 = arith.addf %scan3A_660, %mul3A_856 : vector<16xf32>
        %add3A_858 = arith.constant 7 : i32
        %add3A_859 = vector.broadcast %add3A_858 : i32 to vector<16xi32>
        %add3A_860 = arith.addi %mul3A_6, %add3A_859 : vector<16xi32>
        %gather3A_861 = arith.constant 1 : i32
        %gather3A_862 = arith.constant 0 : i32
        %gather3A_863 = arith.constant 0 : i32
        %gather3A_864 = tpu.memref_slice %arg13[%gather3A_861, %gather3A_862, %gather3A_863] : memref<2x320x64xf32, #tpu.memory_space<vmem>> -> memref<1x320x64xf32, #tpu.memory_space<vmem>>
        %gather3A_865 = tpu.memref_squeeze %gather3A_864 : memref<1x320x64xf32, #tpu.memory_space<vmem>> -> memref<320x64xf32, #tpu.memory_space<vmem>>
        %gather3A_866 = tpu.vector_load_idx %gather3A_865[%add3A_860, %and3A_677] : memref<320x64xf32, #tpu.memory_space<vmem>>[vector<16xi32>, vector<16xi32>], vector<16xf32>,
        %mul3A_867 = arith.mulf %add3A_772, %gather3A_866 : vector<16xf32>
        %add3A_868 = arith.addf %scan3A_661, %mul3A_867 : vector<16xf32>
        %add3A_869 = arith.constant 8 : i32
        %add3A_870 = vector.broadcast %add3A_869 : i32 to vector<16xi32>
        %add3A_871 = arith.addi %mul3A_6, %add3A_870 : vector<16xi32>
        %gather3A_872 = arith.constant 1 : i32
        %gather3A_873 = arith.constant 0 : i32
        %gather3A_874 = arith.constant 0 : i32
        %gather3A_875 = tpu.memref_slice %arg13[%gather3A_872, %gather3A_873, %gather3A_874] : memref<2x320x64xf32, #tpu.memory_space<vmem>> -> memref<1x320x64xf32, #tpu.memory_space<vmem>>
        %gather3A_876 = tpu.memref_squeeze %gather3A_875 : memref<1x320x64xf32, #tpu.memory_space<vmem>> -> memref<320x64xf32, #tpu.memory_space<vmem>>
        %gather3A_877 = tpu.vector_load_idx %gather3A_876[%add3A_871, %and3A_677] : memref<320x64xf32, #tpu.memory_space<vmem>>[vector<16xi32>, vector<16xi32>], vector<16xf32>,
        %mul3A_878 = arith.mulf %add3A_772, %gather3A_877 : vector<16xf32>
        %add3A_879 = arith.addf %scan3A_662, %mul3A_878 : vector<16xf32>
        %add3A_880 = arith.constant 9 : i32
        %add3A_881 = vector.broadcast %add3A_880 : i32 to vector<16xi32>
        %add3A_882 = arith.addi %mul3A_6, %add3A_881 : vector<16xi32>
        %gather3A_883 = arith.constant 1 : i32
        %gather3A_884 = arith.constant 0 : i32
        %gather3A_885 = arith.constant 0 : i32
        %gather3A_886 = tpu.memref_slice %arg13[%gather3A_883, %gather3A_884, %gather3A_885] : memref<2x320x64xf32, #tpu.memory_space<vmem>> -> memref<1x320x64xf32, #tpu.memory_space<vmem>>
        %gather3A_887 = tpu.memref_squeeze %gather3A_886 : memref<1x320x64xf32, #tpu.memory_space<vmem>> -> memref<320x64xf32, #tpu.memory_space<vmem>>
        %gather3A_888 = tpu.vector_load_idx %gather3A_887[%add3A_882, %and3A_677] : memref<320x64xf32, #tpu.memory_space<vmem>>[vector<16xi32>, vector<16xi32>], vector<16xf32>,
        %mul3A_889 = arith.mulf %add3A_772, %gather3A_888 : vector<16xf32>
        %add3A_890 = arith.addf %scan3A_663, %mul3A_889 : vector<16xf32>
        %add3A_891 = arith.constant 10 : i32
        %add3A_892 = vector.broadcast %add3A_891 : i32 to vector<16xi32>
        %add3A_893 = arith.addi %mul3A_6, %add3A_892 : vector<16xi32>
        %gather3A_894 = arith.constant 1 : i32
        %gather3A_895 = arith.constant 0 : i32
        %gather3A_896 = arith.constant 0 : i32
        %gather3A_897 = tpu.memref_slice %arg13[%gather3A_894, %gather3A_895, %gather3A_896] : memref<2x320x64xf32, #tpu.memory_space<vmem>> -> memref<1x320x64xf32, #tpu.memory_space<vmem>>
        %gather3A_898 = tpu.memref_squeeze %gather3A_897 : memref<1x320x64xf32, #tpu.memory_space<vmem>> -> memref<320x64xf32, #tpu.memory_space<vmem>>
        %gather3A_899 = tpu.vector_load_idx %gather3A_898[%add3A_893, %and3A_677] : memref<320x64xf32, #tpu.memory_space<vmem>>[vector<16xi32>, vector<16xi32>], vector<16xf32>,
        %mul3A_900 = arith.mulf %add3A_772, %gather3A_899 : vector<16xf32>
        %add3A_901 = arith.addf %scan3A_664, %mul3A_900 : vector<16xf32>
        %add3A_902 = arith.constant 11 : i32
        %add3A_903 = vector.broadcast %add3A_902 : i32 to vector<16xi32>
        %add3A_904 = arith.addi %mul3A_6, %add3A_903 : vector<16xi32>
        %gather3A_905 = arith.constant 1 : i32
        %gather3A_906 = arith.constant 0 : i32
        %gather3A_907 = arith.constant 0 : i32
        %gather3A_908 = tpu.memref_slice %arg13[%gather3A_905, %gather3A_906, %gather3A_907] : memref<2x320x64xf32, #tpu.memory_space<vmem>> -> memref<1x320x64xf32, #tpu.memory_space<vmem>>
        %gather3A_909 = tpu.memref_squeeze %gather3A_908 : memref<1x320x64xf32, #tpu.memory_space<vmem>> -> memref<320x64xf32, #tpu.memory_space<vmem>>
        %gather3A_910 = tpu.vector_load_idx %gather3A_909[%add3A_904, %and3A_677] : memref<320x64xf32, #tpu.memory_space<vmem>>[vector<16xi32>, vector<16xi32>], vector<16xf32>,
        %mul3A_911 = arith.mulf %add3A_772, %gather3A_910 : vector<16xf32>
        %add3A_912 = arith.addf %scan3A_665, %mul3A_911 : vector<16xf32>
        %add3A_913 = arith.constant 12 : i32
        %add3A_914 = vector.broadcast %add3A_913 : i32 to vector<16xi32>
        %add3A_915 = arith.addi %mul3A_6, %add3A_914 : vector<16xi32>
        %gather3A_916 = arith.constant 1 : i32
        %gather3A_917 = arith.constant 0 : i32
        %gather3A_918 = arith.constant 0 : i32
        %gather3A_919 = tpu.memref_slice %arg13[%gather3A_916, %gather3A_917, %gather3A_918] : memref<2x320x64xf32, #tpu.memory_space<vmem>> -> memref<1x320x64xf32, #tpu.memory_space<vmem>>
        %gather3A_920 = tpu.memref_squeeze %gather3A_919 : memref<1x320x64xf32, #tpu.memory_space<vmem>> -> memref<320x64xf32, #tpu.memory_space<vmem>>
        %gather3A_921 = tpu.vector_load_idx %gather3A_920[%add3A_915, %and3A_677] : memref<320x64xf32, #tpu.memory_space<vmem>>[vector<16xi32>, vector<16xi32>], vector<16xf32>,
        %mul3A_922 = arith.mulf %add3A_772, %gather3A_921 : vector<16xf32>
        %add3A_923 = arith.addf %scan3A_666, %mul3A_922 : vector<16xf32>
        %add3A_924 = arith.constant 13 : i32
        %add3A_925 = vector.broadcast %add3A_924 : i32 to vector<16xi32>
        %add3A_926 = arith.addi %mul3A_6, %add3A_925 : vector<16xi32>
        %gather3A_927 = arith.constant 1 : i32
        %gather3A_928 = arith.constant 0 : i32
        %gather3A_929 = arith.constant 0 : i32
        %gather3A_930 = tpu.memref_slice %arg13[%gather3A_927, %gather3A_928, %gather3A_929] : memref<2x320x64xf32, #tpu.memory_space<vmem>> -> memref<1x320x64xf32, #tpu.memory_space<vmem>>
        %gather3A_931 = tpu.memref_squeeze %gather3A_930 : memref<1x320x64xf32, #tpu.memory_space<vmem>> -> memref<320x64xf32, #tpu.memory_space<vmem>>
        %gather3A_932 = tpu.vector_load_idx %gather3A_931[%add3A_926, %and3A_677] : memref<320x64xf32, #tpu.memory_space<vmem>>[vector<16xi32>, vector<16xi32>], vector<16xf32>,
        %mul3A_933 = arith.mulf %add3A_772, %gather3A_932 : vector<16xf32>
        %add3A_934 = arith.addf %scan3A_667, %mul3A_933 : vector<16xf32>
        %add3A_935 = arith.constant 14 : i32
        %add3A_936 = vector.broadcast %add3A_935 : i32 to vector<16xi32>
        %add3A_937 = arith.addi %mul3A_6, %add3A_936 : vector<16xi32>
        %gather3A_938 = arith.constant 1 : i32
        %gather3A_939 = arith.constant 0 : i32
        %gather3A_940 = arith.constant 0 : i32
        %gather3A_941 = tpu.memref_slice %arg13[%gather3A_938, %gather3A_939, %gather3A_940] : memref<2x320x64xf32, #tpu.memory_space<vmem>> -> memref<1x320x64xf32, #tpu.memory_space<vmem>>
        %gather3A_942 = tpu.memref_squeeze %gather3A_941 : memref<1x320x64xf32, #tpu.memory_space<vmem>> -> memref<320x64xf32, #tpu.memory_space<vmem>>
        %gather3A_943 = tpu.vector_load_idx %gather3A_942[%add3A_937, %and3A_677] : memref<320x64xf32, #tpu.memory_space<vmem>>[vector<16xi32>, vector<16xi32>], vector<16xf32>,
        %mul3A_944 = arith.mulf %add3A_772, %gather3A_943 : vector<16xf32>
        %add3A_945 = arith.addf %scan3A_668, %mul3A_944 : vector<16xf32>
        %add3A_946 = arith.constant 15 : i32
        %add3A_947 = vector.broadcast %add3A_946 : i32 to vector<16xi32>
        %add3A_948 = arith.addi %mul3A_6, %add3A_947 : vector<16xi32>
        %gather3A_949 = arith.constant 1 : i32
        %gather3A_950 = arith.constant 0 : i32
        %gather3A_951 = arith.constant 0 : i32
        %gather3A_952 = tpu.memref_slice %arg13[%gather3A_949, %gather3A_950, %gather3A_951] : memref<2x320x64xf32, #tpu.memory_space<vmem>> -> memref<1x320x64xf32, #tpu.memory_space<vmem>>
        %gather3A_953 = tpu.memref_squeeze %gather3A_952 : memref<1x320x64xf32, #tpu.memory_space<vmem>> -> memref<320x64xf32, #tpu.memory_space<vmem>>
        %gather3A_954 = tpu.vector_load_idx %gather3A_953[%add3A_948, %and3A_677] : memref<320x64xf32, #tpu.memory_space<vmem>>[vector<16xi32>, vector<16xi32>], vector<16xf32>,
        %mul3A_955 = arith.mulf %add3A_772, %gather3A_954 : vector<16xf32>
        %add3A_956 = arith.addf %scan3A_669, %mul3A_955 : vector<16xf32>
        %add3A_957 = arith.constant 16 : i32
        %add3A_958 = vector.broadcast %add3A_957 : i32 to vector<16xi32>
        %add3A_959 = arith.addi %mul3A_6, %add3A_958 : vector<16xi32>
        %gather3A_960 = arith.constant 1 : i32
        %gather3A_961 = arith.constant 0 : i32
        %gather3A_962 = arith.constant 0 : i32
        %gather3A_963 = tpu.memref_slice %arg13[%gather3A_960, %gather3A_961, %gather3A_962] : memref<2x320x64xf32, #tpu.memory_space<vmem>> -> memref<1x320x64xf32, #tpu.memory_space<vmem>>
        %gather3A_964 = tpu.memref_squeeze %gather3A_963 : memref<1x320x64xf32, #tpu.memory_space<vmem>> -> memref<320x64xf32, #tpu.memory_space<vmem>>
        %gather3A_965 = tpu.vector_load_idx %gather3A_964[%add3A_959, %and3A_677] : memref<320x64xf32, #tpu.memory_space<vmem>>[vector<16xi32>, vector<16xi32>], vector<16xf32>,
        %mul3A_966 = arith.mulf %add3A_772, %gather3A_965 : vector<16xf32>
        %add3A_967 = arith.addf %scan3A_670, %mul3A_966 : vector<16xf32>
        %add3A_968 = arith.constant 17 : i32
        %add3A_969 = vector.broadcast %add3A_968 : i32 to vector<16xi32>
        %add3A_970 = arith.addi %mul3A_6, %add3A_969 : vector<16xi32>
        %gather3A_971 = arith.constant 1 : i32
        %gather3A_972 = arith.constant 0 : i32
        %gather3A_973 = arith.constant 0 : i32
        %gather3A_974 = tpu.memref_slice %arg13[%gather3A_971, %gather3A_972, %gather3A_973] : memref<2x320x64xf32, #tpu.memory_space<vmem>> -> memref<1x320x64xf32, #tpu.memory_space<vmem>>
        %gather3A_975 = tpu.memref_squeeze %gather3A_974 : memref<1x320x64xf32, #tpu.memory_space<vmem>> -> memref<320x64xf32, #tpu.memory_space<vmem>>
        %gather3A_976 = tpu.vector_load_idx %gather3A_975[%add3A_970, %and3A_677] : memref<320x64xf32, #tpu.memory_space<vmem>>[vector<16xi32>, vector<16xi32>], vector<16xf32>,
        %mul3A_977 = arith.mulf %add3A_772, %gather3A_976 : vector<16xf32>
        %add3A_978 = arith.addf %scan3A_671, %mul3A_977 : vector<16xf32>
        %add3A_979 = arith.constant 18 : i32
        %add3A_980 = vector.broadcast %add3A_979 : i32 to vector<16xi32>
        %add3A_981 = arith.addi %mul3A_6, %add3A_980 : vector<16xi32>
        %gather3A_982 = arith.constant 1 : i32
        %gather3A_983 = arith.constant 0 : i32
        %gather3A_984 = arith.constant 0 : i32
        %gather3A_985 = tpu.memref_slice %arg13[%gather3A_982, %gather3A_983, %gather3A_984] : memref<2x320x64xf32, #tpu.memory_space<vmem>> -> memref<1x320x64xf32, #tpu.memory_space<vmem>>
        %gather3A_986 = tpu.memref_squeeze %gather3A_985 : memref<1x320x64xf32, #tpu.memory_space<vmem>> -> memref<320x64xf32, #tpu.memory_space<vmem>>
        %gather3A_987 = tpu.vector_load_idx %gather3A_986[%add3A_981, %and3A_677] : memref<320x64xf32, #tpu.memory_space<vmem>>[vector<16xi32>, vector<16xi32>], vector<16xf32>,
        %mul3A_988 = arith.mulf %add3A_772, %gather3A_987 : vector<16xf32>
        %add3A_989 = arith.addf %scan3A_672, %mul3A_988 : vector<16xf32>
        %add3A_990 = arith.constant 19 : i32
        %add3A_991 = vector.broadcast %add3A_990 : i32 to vector<16xi32>
        %add3A_992 = arith.addi %mul3A_6, %add3A_991 : vector<16xi32>
        %gather3A_993 = arith.constant 1 : i32
        %gather3A_994 = arith.constant 0 : i32
        %gather3A_995 = arith.constant 0 : i32
        %gather3A_996 = tpu.memref_slice %arg13[%gather3A_993, %gather3A_994, %gather3A_995] : memref<2x320x64xf32, #tpu.memory_space<vmem>> -> memref<1x320x64xf32, #tpu.memory_space<vmem>>
        %gather3A_997 = tpu.memref_squeeze %gather3A_996 : memref<1x320x64xf32, #tpu.memory_space<vmem>> -> memref<320x64xf32, #tpu.memory_space<vmem>>
        %gather3A_998 = tpu.vector_load_idx %gather3A_997[%add3A_992, %and3A_677] : memref<320x64xf32, #tpu.memory_space<vmem>>[vector<16xi32>, vector<16xi32>], vector<16xf32>,
        %mul3A_999 = arith.mulf %add3A_772, %gather3A_998 : vector<16xf32>
        %add3A_1000 = arith.addf %scan3A_673, %mul3A_999 : vector<16xf32>
        scf.yield %add3A_780, %add3A_791, %add3A_802, %add3A_813, %add3A_824, %add3A_835, %add3A_846, %add3A_857, %add3A_868, %add3A_879, %add3A_890, %add3A_901, %add3A_912, %add3A_923, %add3A_934, %add3A_945, %add3A_956, %add3A_967, %add3A_978, %add3A_989, %add3A_1000 : vector<16xf32>, vector<16xf32>, vector<16xf32>, vector<16xf32>, vector<16xf32>, vector<16xf32>, vector<16xf32>, vector<16xf32>, vector<16xf32>, vector<16xf32>, vector<16xf32>, vector<16xf32>, vector<16xf32>, vector<16xf32>, vector<16xf32>, vector<16xf32>, vector<16xf32>, vector<16xf32>, vector<16xf32>, vector<16xf32>, vector<16xf32>
      }
      %scan3A_472 = arith.constant 64 : i32
      %mul3A_473 = arith.constant 16 : i32
      %mul3A_474 = arith.muli %add3A_464, %mul3A_473 : i32
      %add3A_475 = vector.broadcast %mul3A_474 : i32 to vector<16xi32>
      %add3A_476 = arith.addi %add3A_475, %iota3A : vector<16xi32>
      %mul3A_477 = arith.constant 21 : i32
      %mul3A_478 = vector.broadcast %mul3A_477 : i32 to vector<16xi32>
      %mul3A_479 = arith.muli %add3A_476, %mul3A_478 : vector<16xi32>
      %mul3A_480 = arith.constant 1.000000e-01 : f32
      %mul3A_481 = vector.broadcast %mul3A_480 : f32 to vector<16xf32>
      %mul3A_482 = arith.mulf %scan3A_471#0, %mul3A_481 : vector<16xf32>
      tpu.vector_store_idx %arg14[%mul3A_479], %mul3A_482 : memref<10752xf32, #tpu.memory_space<vmem>>[vector<16xi32>], vector<16xf32>,
      %add3A_483 = arith.constant 1 : i32
      %add3A_484 = vector.broadcast %add3A_483 : i32 to vector<16xi32>
      %add3A_485 = arith.addi %mul3A_479, %add3A_484 : vector<16xi32>
      %neg3A_486 = arith.constant 0.000000e+00 : f32
      %neg3A_487 = arith.constant 1.000000e-01 : f32
      %neg3A_488 = arith.subf %neg3A_486, %neg3A_487 : f32
      %mul3A_489 = vector.broadcast %neg3A_488 : f32 to vector<16xf32>
      %mul3A_490 = arith.mulf %scan3A_471#1, %mul3A_489 : vector<16xf32>
      tpu.vector_store_idx %arg14[%add3A_485], %mul3A_490 : memref<10752xf32, #tpu.memory_space<vmem>>[vector<16xi32>], vector<16xf32>,
      %add3A_491 = arith.constant 2 : i32
      %add3A_492 = vector.broadcast %add3A_491 : i32 to vector<16xi32>
      %add3A_493 = arith.addi %mul3A_479, %add3A_492 : vector<16xi32>
      %neg3A_494 = arith.constant 0.000000e+00 : f32
      %neg3A_495 = arith.constant 1.000000e-01 : f32
      %neg3A_496 = arith.subf %neg3A_494, %neg3A_495 : f32
      %mul3A_497 = vector.broadcast %neg3A_496 : f32 to vector<16xf32>
      %mul3A_498 = arith.mulf %scan3A_471#2, %mul3A_497 : vector<16xf32>
      tpu.vector_store_idx %arg14[%add3A_493], %mul3A_498 : memref<10752xf32, #tpu.memory_space<vmem>>[vector<16xi32>], vector<16xf32>,
      %add3A_499 = arith.constant 3 : i32
      %add3A_500 = vector.broadcast %add3A_499 : i32 to vector<16xi32>
      %add3A_501 = arith.addi %mul3A_479, %add3A_500 : vector<16xi32>
      %neg3A_502 = arith.constant 0.000000e+00 : f32
      %neg3A_503 = arith.constant 1.000000e-01 : f32
      %neg3A_504 = arith.subf %neg3A_502, %neg3A_503 : f32
      %mul3A_505 = vector.broadcast %neg3A_504 : f32 to vector<16xf32>
      %mul3A_506 = arith.mulf %scan3A_471#3, %mul3A_505 : vector<16xf32>
      tpu.vector_store_idx %arg14[%add3A_501], %mul3A_506 : memref<10752xf32, #tpu.memory_space<vmem>>[vector<16xi32>], vector<16xf32>,
      %add3A_507 = arith.constant 4 : i32
      %add3A_508 = vector.broadcast %add3A_507 : i32 to vector<16xi32>
      %add3A_509 = arith.addi %mul3A_479, %add3A_508 : vector<16xi32>
      %neg3A_510 = arith.constant 0.000000e+00 : f32
      %neg3A_511 = arith.constant 1.000000e-01 : f32
      %neg3A_512 = arith.subf %neg3A_510, %neg3A_511 : f32
      %mul3A_513 = vector.broadcast %neg3A_512 : f32 to vector<16xf32>
      %mul3A_514 = arith.mulf %scan3A_471#4, %mul3A_513 : vector<16xf32>
      tpu.vector_store_idx %arg14[%add3A_509], %mul3A_514 : memref<10752xf32, #tpu.memory_space<vmem>>[vector<16xi32>], vector<16xf32>,
      %add3A_515 = arith.constant 5 : i32
      %add3A_516 = vector.broadcast %add3A_515 : i32 to vector<16xi32>
      %add3A_517 = arith.addi %mul3A_479, %add3A_516 : vector<16xi32>
      %neg3A_518 = arith.constant 0.000000e+00 : f32
      %neg3A_519 = arith.constant 1.000000e-01 : f32
      %neg3A_520 = arith.subf %neg3A_518, %neg3A_519 : f32
      %mul3A_521 = vector.broadcast %neg3A_520 : f32 to vector<16xf32>
      %mul3A_522 = arith.mulf %scan3A_471#5, %mul3A_521 : vector<16xf32>
      tpu.vector_store_idx %arg14[%add3A_517], %mul3A_522 : memref<10752xf32, #tpu.memory_space<vmem>>[vector<16xi32>], vector<16xf32>,
      %add3A_523 = arith.constant 6 : i32
      %add3A_524 = vector.broadcast %add3A_523 : i32 to vector<16xi32>
      %add3A_525 = arith.addi %mul3A_479, %add3A_524 : vector<16xi32>
      %neg3A_526 = arith.constant 0.000000e+00 : f32
      %neg3A_527 = arith.constant 1.000000e-01 : f32
      %neg3A_528 = arith.subf %neg3A_526, %neg3A_527 : f32
      %mul3A_529 = vector.broadcast %neg3A_528 : f32 to vector<16xf32>
      %mul3A_530 = arith.mulf %scan3A_471#6, %mul3A_529 : vector<16xf32>
      tpu.vector_store_idx %arg14[%add3A_525], %mul3A_530 : memref<10752xf32, #tpu.memory_space<vmem>>[vector<16xi32>], vector<16xf32>,
      %add3A_531 = arith.constant 7 : i32
      %add3A_532 = vector.broadcast %add3A_531 : i32 to vector<16xi32>
      %add3A_533 = arith.addi %mul3A_479, %add3A_532 : vector<16xi32>
      %neg3A_534 = arith.constant 0.000000e+00 : f32
      %neg3A_535 = arith.constant 1.000000e-01 : f32
      %neg3A_536 = arith.subf %neg3A_534, %neg3A_535 : f32
      %mul3A_537 = vector.broadcast %neg3A_536 : f32 to vector<16xf32>
      %mul3A_538 = arith.mulf %scan3A_471#7, %mul3A_537 : vector<16xf32>
      tpu.vector_store_idx %arg14[%add3A_533], %mul3A_538 : memref<10752xf32, #tpu.memory_space<vmem>>[vector<16xi32>], vector<16xf32>,
      %add3A_539 = arith.constant 8 : i32
      %add3A_540 = vector.broadcast %add3A_539 : i32 to vector<16xi32>
      %add3A_541 = arith.addi %mul3A_479, %add3A_540 : vector<16xi32>
      %neg3A_542 = arith.constant 0.000000e+00 : f32
      %neg3A_543 = arith.constant 1.000000e-01 : f32
      %neg3A_544 = arith.subf %neg3A_542, %neg3A_543 : f32
      %mul3A_545 = vector.broadcast %neg3A_544 : f32 to vector<16xf32>
      %mul3A_546 = arith.mulf %scan3A_471#8, %mul3A_545 : vector<16xf32>
      tpu.vector_store_idx %arg14[%add3A_541], %mul3A_546 : memref<10752xf32, #tpu.memory_space<vmem>>[vector<16xi32>], vector<16xf32>,
      %add3A_547 = arith.constant 9 : i32
      %add3A_548 = vector.broadcast %add3A_547 : i32 to vector<16xi32>
      %add3A_549 = arith.addi %mul3A_479, %add3A_548 : vector<16xi32>
      %neg3A_550 = arith.constant 0.000000e+00 : f32
      %neg3A_551 = arith.constant 1.000000e-01 : f32
      %neg3A_552 = arith.subf %neg3A_550, %neg3A_551 : f32
      %mul3A_553 = vector.broadcast %neg3A_552 : f32 to vector<16xf32>
      %mul3A_554 = arith.mulf %scan3A_471#9, %mul3A_553 : vector<16xf32>
      tpu.vector_store_idx %arg14[%add3A_549], %mul3A_554 : memref<10752xf32, #tpu.memory_space<vmem>>[vector<16xi32>], vector<16xf32>,
      %add3A_555 = arith.constant 10 : i32
      %add3A_556 = vector.broadcast %add3A_555 : i32 to vector<16xi32>
      %add3A_557 = arith.addi %mul3A_479, %add3A_556 : vector<16xi32>
      %neg3A_558 = arith.constant 0.000000e+00 : f32
      %neg3A_559 = arith.constant 1.000000e-01 : f32
      %neg3A_560 = arith.subf %neg3A_558, %neg3A_559 : f32
      %mul3A_561 = vector.broadcast %neg3A_560 : f32 to vector<16xf32>
      %mul3A_562 = arith.mulf %scan3A_471#10, %mul3A_561 : vector<16xf32>
      tpu.vector_store_idx %arg14[%add3A_557], %mul3A_562 : memref<10752xf32, #tpu.memory_space<vmem>>[vector<16xi32>], vector<16xf32>,
      %add3A_563 = arith.constant 11 : i32
      %add3A_564 = vector.broadcast %add3A_563 : i32 to vector<16xi32>
      %add3A_565 = arith.addi %mul3A_479, %add3A_564 : vector<16xi32>
      %neg3A_566 = arith.constant 0.000000e+00 : f32
      %neg3A_567 = arith.constant 1.000000e-01 : f32
      %neg3A_568 = arith.subf %neg3A_566, %neg3A_567 : f32
      %mul3A_569 = vector.broadcast %neg3A_568 : f32 to vector<16xf32>
      %mul3A_570 = arith.mulf %scan3A_471#11, %mul3A_569 : vector<16xf32>
      tpu.vector_store_idx %arg14[%add3A_565], %mul3A_570 : memref<10752xf32, #tpu.memory_space<vmem>>[vector<16xi32>], vector<16xf32>,
      %add3A_571 = arith.constant 12 : i32
      %add3A_572 = vector.broadcast %add3A_571 : i32 to vector<16xi32>
      %add3A_573 = arith.addi %mul3A_479, %add3A_572 : vector<16xi32>
      %neg3A_574 = arith.constant 0.000000e+00 : f32
      %neg3A_575 = arith.constant 1.000000e-01 : f32
      %neg3A_576 = arith.subf %neg3A_574, %neg3A_575 : f32
      %mul3A_577 = vector.broadcast %neg3A_576 : f32 to vector<16xf32>
      %mul3A_578 = arith.mulf %scan3A_471#12, %mul3A_577 : vector<16xf32>
      tpu.vector_store_idx %arg14[%add3A_573], %mul3A_578 : memref<10752xf32, #tpu.memory_space<vmem>>[vector<16xi32>], vector<16xf32>,
      %add3A_579 = arith.constant 13 : i32
      %add3A_580 = vector.broadcast %add3A_579 : i32 to vector<16xi32>
      %add3A_581 = arith.addi %mul3A_479, %add3A_580 : vector<16xi32>
      %neg3A_582 = arith.constant 0.000000e+00 : f32
      %neg3A_583 = arith.constant 1.000000e-01 : f32
      %neg3A_584 = arith.subf %neg3A_582, %neg3A_583 : f32
      %mul3A_585 = vector.broadcast %neg3A_584 : f32 to vector<16xf32>
      %mul3A_586 = arith.mulf %scan3A_471#13, %mul3A_585 : vector<16xf32>
      tpu.vector_store_idx %arg14[%add3A_581], %mul3A_586 : memref<10752xf32, #tpu.memory_space<vmem>>[vector<16xi32>], vector<16xf32>,
      %add3A_587 = arith.constant 14 : i32
      %add3A_588 = vector.broadcast %add3A_587 : i32 to vector<16xi32>
      %add3A_589 = arith.addi %mul3A_479, %add3A_588 : vector<16xi32>
      %neg3A_590 = arith.constant 0.000000e+00 : f32
      %neg3A_591 = arith.constant 1.000000e-01 : f32
      %neg3A_592 = arith.subf %neg3A_590, %neg3A_591 : f32
      %mul3A_593 = vector.broadcast %neg3A_592 : f32 to vector<16xf32>
      %mul3A_594 = arith.mulf %scan3A_471#14, %mul3A_593 : vector<16xf32>
      tpu.vector_store_idx %arg14[%add3A_589], %mul3A_594 : memref<10752xf32, #tpu.memory_space<vmem>>[vector<16xi32>], vector<16xf32>,
      %add3A_595 = arith.constant 15 : i32
      %add3A_596 = vector.broadcast %add3A_595 : i32 to vector<16xi32>
      %add3A_597 = arith.addi %mul3A_479, %add3A_596 : vector<16xi32>
      %neg3A_598 = arith.constant 0.000000e+00 : f32
      %neg3A_599 = arith.constant 1.000000e-01 : f32
      %neg3A_600 = arith.subf %neg3A_598, %neg3A_599 : f32
      %mul3A_601 = vector.broadcast %neg3A_600 : f32 to vector<16xf32>
      %mul3A_602 = arith.mulf %scan3A_471#15, %mul3A_601 : vector<16xf32>
      tpu.vector_store_idx %arg14[%add3A_597], %mul3A_602 : memref<10752xf32, #tpu.memory_space<vmem>>[vector<16xi32>], vector<16xf32>,
      %add3A_603 = arith.constant 16 : i32
      %add3A_604 = vector.broadcast %add3A_603 : i32 to vector<16xi32>
      %add3A_605 = arith.addi %mul3A_479, %add3A_604 : vector<16xi32>
      %neg3A_606 = arith.constant 0.000000e+00 : f32
      %neg3A_607 = arith.constant 1.000000e-01 : f32
      %neg3A_608 = arith.subf %neg3A_606, %neg3A_607 : f32
      %mul3A_609 = vector.broadcast %neg3A_608 : f32 to vector<16xf32>
      %mul3A_610 = arith.mulf %scan3A_471#16, %mul3A_609 : vector<16xf32>
      tpu.vector_store_idx %arg14[%add3A_605], %mul3A_610 : memref<10752xf32, #tpu.memory_space<vmem>>[vector<16xi32>], vector<16xf32>,
      %add3A_611 = arith.constant 17 : i32
      %add3A_612 = vector.broadcast %add3A_611 : i32 to vector<16xi32>
      %add3A_613 = arith.addi %mul3A_479, %add3A_612 : vector<16xi32>
      %neg3A_614 = arith.constant 0.000000e+00 : f32
      %neg3A_615 = arith.constant 1.000000e-01 : f32
      %neg3A_616 = arith.subf %neg3A_614, %neg3A_615 : f32
      %mul3A_617 = vector.broadcast %neg3A_616 : f32 to vector<16xf32>
      %mul3A_618 = arith.mulf %scan3A_471#17, %mul3A_617 : vector<16xf32>
      tpu.vector_store_idx %arg14[%add3A_613], %mul3A_618 : memref<10752xf32, #tpu.memory_space<vmem>>[vector<16xi32>], vector<16xf32>,
      %add3A_619 = arith.constant 18 : i32
      %add3A_620 = vector.broadcast %add3A_619 : i32 to vector<16xi32>
      %add3A_621 = arith.addi %mul3A_479, %add3A_620 : vector<16xi32>
      %neg3A_622 = arith.constant 0.000000e+00 : f32
      %neg3A_623 = arith.constant 1.000000e-01 : f32
      %neg3A_624 = arith.subf %neg3A_622, %neg3A_623 : f32
      %mul3A_625 = vector.broadcast %neg3A_624 : f32 to vector<16xf32>
      %mul3A_626 = arith.mulf %scan3A_471#18, %mul3A_625 : vector<16xf32>
      tpu.vector_store_idx %arg14[%add3A_621], %mul3A_626 : memref<10752xf32, #tpu.memory_space<vmem>>[vector<16xi32>], vector<16xf32>,
      %add3A_627 = arith.constant 19 : i32
      %add3A_628 = vector.broadcast %add3A_627 : i32 to vector<16xi32>
      %add3A_629 = arith.addi %mul3A_479, %add3A_628 : vector<16xi32>
      %neg3A_630 = arith.constant 0.000000e+00 : f32
      %neg3A_631 = arith.constant 1.000000e-01 : f32
      %neg3A_632 = arith.subf %neg3A_630, %neg3A_631 : f32
      %mul3A_633 = vector.broadcast %neg3A_632 : f32 to vector<16xf32>
      %mul3A_634 = arith.mulf %scan3A_471#19, %mul3A_633 : vector<16xf32>
      tpu.vector_store_idx %arg14[%add3A_629], %mul3A_634 : memref<10752xf32, #tpu.memory_space<vmem>>[vector<16xi32>], vector<16xf32>,
      %add3A_635 = arith.constant 20 : i32
      %add3A_636 = vector.broadcast %add3A_635 : i32 to vector<16xi32>
      %add3A_637 = arith.addi %mul3A_479, %add3A_636 : vector<16xi32>
      %neg3A_638 = arith.constant 0.000000e+00 : f32
      %neg3A_639 = arith.constant 1.000000e-01 : f32
      %neg3A_640 = arith.subf %neg3A_638, %neg3A_639 : f32
      %mul3A_641 = vector.broadcast %neg3A_640 : f32 to vector<16xf32>
      %mul3A_642 = arith.mulf %scan3A_471#20, %mul3A_641 : vector<16xf32>
      tpu.vector_store_idx %arg14[%add3A_637], %mul3A_642 : memref<10752xf32, #tpu.memory_space<vmem>>[vector<16xi32>], vector<16xf32>,
      %add3A_643 = arith.constant 1 : i32
      %add3A_644 = arith.addi %mul3A_158, %add3A_643 : i32
      %add3A_645 = arith.constant 2 : i32
      %add3A_646 = arith.addi %add3A_644, %add3A_645 : i32
      %lt3A_647 = arith.constant 32 : i32
      %lt3A_648 = arith.cmpi slt, %add3A_646, %lt3A_647 : i32
      %convert_element_type3A_649 = arith.extui %lt3A_648 : i1 to i32
      %cond3A_650 = arith.constant 0 : i32
      %cond3A_651 = arith.cmpi ne, %convert_element_type3A_649, %cond3A_650 : i32
      scf.if %cond3A_651 {
        %add3A_652 = arith.constant 1 : i32
        %add3A_653 = arith.addi %mul3A_158, %add3A_652 : i32
        %add3A_654 = arith.constant 2 : i32
        %add3A_655 = arith.addi %add3A_653, %add3A_654 : i32
        %mul3A_656 = arith.constant 10 : i32
        %mul3A_657 = arith.muli %add3A_655, %mul3A_656 : i32
        %mul3A_658 = arith.constant 16 : i32
        %mul3A_659 = arith.muli %mul3A_657, %mul3A_658 : i32
        %mul3A_660 = arith.constant 20 : i32
        %mul3A_661 = arith.muli %add3A_655, %mul3A_660 : i32
        %mul3A_662 = arith.constant 16 : i32
        %mul3A_663 = arith.muli %mul3A_661, %mul3A_662 : i32
        %dma_start3A_664 = arith.constant 1 : i32
        %dma_start3A_665 = arith.constant 0 : i32
        %dma_start3A_666 = arith.constant 0 : i32
        %dma_start3A_667 = tpu.memref_slice %arg11[%dma_start3A_664, %dma_start3A_665, %dma_start3A_666] : memref<2x160x64xf32, #tpu.memory_space<vmem>> -> memref<1x128x64xf32, #tpu.memory_space<vmem>>
        %dma_start3A_668 = tpu.memref_squeeze %dma_start3A_667 : memref<1x128x64xf32, #tpu.memory_space<vmem>> -> memref<128x64xf32, #tpu.memory_space<vmem>>
        %dma_start3A_669 = tpu.memref_slice %arg8[%mul3A_659] : memref<5120xi32, #tpu.memory_space<vmem>> -> memref<128xi32, #tpu.memory_space<vmem>>
        %dma_start3A_670 = arith.constant 0 : i32
        %dma_start3A_671 = arith.constant 0 : i32
        %dma_start3A_672 = tpu.memref_slice %arg5[%dma_start3A_670, %dma_start3A_671] : memref<1000000x64xf32, #tpu.memory_space<hbm>> -> memref<1000000x64xf32, #tpu.memory_space<hbm>>
        tpu.enqueue_indirect_dma source(%dma_start3A_672 : memref<1000000x64xf32, #tpu.memory_space<hbm>>) target(%dma_start3A_668 : memref<128x64xf32, #tpu.memory_space<vmem>>) offsets(%dma_start3A_669 : memref<128xi32, #tpu.memory_space<vmem>>) semaphore(%arg17 : memref<!tpu.dma_semaphore, #tpu.memory_space<semaphore_mem>>)
        %add3A_673 = arith.constant 128 : i32
        %add3A_674 = arith.addi %mul3A_659, %add3A_673 : i32
        %dma_start3A_675 = arith.constant 1 : i32
        %dma_start3A_676 = arith.constant 128 : i32
        %dma_start3A_677 = arith.constant 0 : i32
        %dma_start3A_678 = tpu.memref_slice %arg11[%dma_start3A_675, %dma_start3A_676, %dma_start3A_677] : memref<2x160x64xf32, #tpu.memory_space<vmem>> -> memref<1x32x64xf32, #tpu.memory_space<vmem>>
        %dma_start3A_679 = tpu.memref_squeeze %dma_start3A_678 : memref<1x32x64xf32, #tpu.memory_space<vmem>> -> memref<32x64xf32, #tpu.memory_space<vmem>>
        %dma_start3A_680 = tpu.memref_slice %arg8[%add3A_674] : memref<5120xi32, #tpu.memory_space<vmem>> -> memref<32xi32, #tpu.memory_space<vmem>>
        %dma_start3A_681 = arith.constant 0 : i32
        %dma_start3A_682 = arith.constant 0 : i32
        %dma_start3A_683 = tpu.memref_slice %arg5[%dma_start3A_681, %dma_start3A_682] : memref<1000000x64xf32, #tpu.memory_space<hbm>> -> memref<1000000x64xf32, #tpu.memory_space<hbm>>
        tpu.enqueue_indirect_dma source(%dma_start3A_683 : memref<1000000x64xf32, #tpu.memory_space<hbm>>) target(%dma_start3A_679 : memref<32x64xf32, #tpu.memory_space<vmem>>) offsets(%dma_start3A_680 : memref<32xi32, #tpu.memory_space<vmem>>) semaphore(%arg17 : memref<!tpu.dma_semaphore, #tpu.memory_space<semaphore_mem>>)
        %mul3A_684 = arith.constant 16 : i32
        %mul3A_685 = arith.muli %add3A_655, %mul3A_684 : i32
        %dma_start3A_686 = arith.constant 1 : i32
        %dma_start3A_687 = arith.constant 0 : i32
        %dma_start3A_688 = arith.constant 0 : i32
        %dma_start3A_689 = tpu.memref_slice %arg12[%dma_start3A_686, %dma_start3A_687, %dma_start3A_688] : memref<2x16x64xf32, #tpu.memory_space<vmem>> -> memref<1x16x64xf32, #tpu.memory_space<vmem>>
        %dma_start3A_690 = tpu.memref_squeeze %dma_start3A_689 : memref<1x16x64xf32, #tpu.memory_space<vmem>> -> memref<16x64xf32, #tpu.memory_space<vmem>>
        %dma_start3A_691 = tpu.memref_slice %arg9[%mul3A_685] : memref<512xi32, #tpu.memory_space<vmem>> -> memref<16xi32, #tpu.memory_space<vmem>>
        %dma_start3A_692 = arith.constant 0 : i32
        %dma_start3A_693 = arith.constant 0 : i32
        %dma_start3A_694 = tpu.memref_slice %arg6[%dma_start3A_692, %dma_start3A_693] : memref<1000000x64xf32, #tpu.memory_space<hbm>> -> memref<1000000x64xf32, #tpu.memory_space<hbm>>
        tpu.enqueue_indirect_dma source(%dma_start3A_694 : memref<1000000x64xf32, #tpu.memory_space<hbm>>) target(%dma_start3A_690 : memref<16x64xf32, #tpu.memory_space<vmem>>) offsets(%dma_start3A_691 : memref<16xi32, #tpu.memory_space<vmem>>) semaphore(%arg17 : memref<!tpu.dma_semaphore, #tpu.memory_space<semaphore_mem>>)
        %dma_start3A_695 = arith.constant 1 : i32
        %dma_start3A_696 = arith.constant 0 : i32
        %dma_start3A_697 = arith.constant 0 : i32
        %dma_start3A_698 = tpu.memref_slice %arg13[%dma_start3A_695, %dma_start3A_696, %dma_start3A_697] : memref<2x320x64xf32, #tpu.memory_space<vmem>> -> memref<1x128x64xf32, #tpu.memory_space<vmem>>
        %dma_start3A_699 = tpu.memref_squeeze %dma_start3A_698 : memref<1x128x64xf32, #tpu.memory_space<vmem>> -> memref<128x64xf32, #tpu.memory_space<vmem>>
        %dma_start3A_700 = tpu.memref_slice %arg10[%mul3A_663] : memref<10240xi32, #tpu.memory_space<vmem>> -> memref<128xi32, #tpu.memory_space<vmem>>
        %dma_start3A_701 = arith.constant 0 : i32
        %dma_start3A_702 = arith.constant 0 : i32
        %dma_start3A_703 = tpu.memref_slice %arg6[%dma_start3A_701, %dma_start3A_702] : memref<1000000x64xf32, #tpu.memory_space<hbm>> -> memref<1000000x64xf32, #tpu.memory_space<hbm>>
        tpu.enqueue_indirect_dma source(%dma_start3A_703 : memref<1000000x64xf32, #tpu.memory_space<hbm>>) target(%dma_start3A_699 : memref<128x64xf32, #tpu.memory_space<vmem>>) offsets(%dma_start3A_700 : memref<128xi32, #tpu.memory_space<vmem>>) semaphore(%arg17 : memref<!tpu.dma_semaphore, #tpu.memory_space<semaphore_mem>>)
        %add3A_704 = arith.constant 128 : i32
        %add3A_705 = arith.addi %mul3A_663, %add3A_704 : i32
        %dma_start3A_706 = arith.constant 1 : i32
        %dma_start3A_707 = arith.constant 128 : i32
        %dma_start3A_708 = arith.constant 0 : i32
        %dma_start3A_709 = tpu.memref_slice %arg13[%dma_start3A_706, %dma_start3A_707, %dma_start3A_708] : memref<2x320x64xf32, #tpu.memory_space<vmem>> -> memref<1x128x64xf32, #tpu.memory_space<vmem>>
        %dma_start3A_710 = tpu.memref_squeeze %dma_start3A_709 : memref<1x128x64xf32, #tpu.memory_space<vmem>> -> memref<128x64xf32, #tpu.memory_space<vmem>>
        %dma_start3A_711 = tpu.memref_slice %arg10[%add3A_705] : memref<10240xi32, #tpu.memory_space<vmem>> -> memref<128xi32, #tpu.memory_space<vmem>>
        %dma_start3A_712 = arith.constant 0 : i32
        %dma_start3A_713 = arith.constant 0 : i32
        %dma_start3A_714 = tpu.memref_slice %arg6[%dma_start3A_712, %dma_start3A_713] : memref<1000000x64xf32, #tpu.memory_space<hbm>> -> memref<1000000x64xf32, #tpu.memory_space<hbm>>
        tpu.enqueue_indirect_dma source(%dma_start3A_714 : memref<1000000x64xf32, #tpu.memory_space<hbm>>) target(%dma_start3A_710 : memref<128x64xf32, #tpu.memory_space<vmem>>) offsets(%dma_start3A_711 : memref<128xi32, #tpu.memory_space<vmem>>) semaphore(%arg17 : memref<!tpu.dma_semaphore, #tpu.memory_space<semaphore_mem>>)
        %add3A_715 = arith.constant 256 : i32
        %add3A_716 = arith.addi %mul3A_663, %add3A_715 : i32
        %dma_start3A_717 = arith.constant 1 : i32
        %dma_start3A_718 = arith.constant 256 : i32
        %dma_start3A_719 = arith.constant 0 : i32
        %dma_start3A_720 = tpu.memref_slice %arg13[%dma_start3A_717, %dma_start3A_718, %dma_start3A_719] : memref<2x320x64xf32, #tpu.memory_space<vmem>> -> memref<1x64x64xf32, #tpu.memory_space<vmem>>
        %dma_start3A_721 = tpu.memref_squeeze %dma_start3A_720 : memref<1x64x64xf32, #tpu.memory_space<vmem>> -> memref<64x64xf32, #tpu.memory_space<vmem>>
        %dma_start3A_722 = tpu.memref_slice %arg10[%add3A_716] : memref<10240xi32, #tpu.memory_space<vmem>> -> memref<64xi32, #tpu.memory_space<vmem>>
        %dma_start3A_723 = arith.constant 0 : i32
        %dma_start3A_724 = arith.constant 0 : i32
        %dma_start3A_725 = tpu.memref_slice %arg6[%dma_start3A_723, %dma_start3A_724] : memref<1000000x64xf32, #tpu.memory_space<hbm>> -> memref<1000000x64xf32, #tpu.memory_space<hbm>>
        tpu.enqueue_indirect_dma source(%dma_start3A_725 : memref<1000000x64xf32, #tpu.memory_space<hbm>>) target(%dma_start3A_721 : memref<64x64xf32, #tpu.memory_space<vmem>>) offsets(%dma_start3A_722 : memref<64xi32, #tpu.memory_space<vmem>>) semaphore(%arg17 : memref<!tpu.dma_semaphore, #tpu.memory_space<semaphore_mem>>)
      } else {
      }
    }
    %scan3A_151 = arith.constant 16 : i32
    %mul3A_152 = arith.constant 512 : i32
    %mul3A_153 = arith.muli %add3A, %mul3A_152 : i32
    %mul3A_154 = arith.constant 21 : i32
    %mul3A_155 = arith.muli %mul3A_153, %mul3A_154 : i32
    "tpu.region"() ({
      %run_scoped3A = tpu.sem_alloc : memref<!tpu.dma_semaphore, #tpu.memory_space<semaphore_mem>>
      %dma_start3A_156 = tpu.memref_slice %arg7[%mul3A_155] : memref<344064xf32, #tpu.memory_space<hbm>> -> memref<10752xf32, #tpu.memory_space<hbm>>
      %dma_start3A_157 = tpu.memref_slice %arg7[%mul3A_155] : memref<344064xf32, #tpu.memory_space<hbm>> -> memref<10752xf32, #tpu.memory_space<hbm>>
      tpu.enqueue_dma source(%arg14 : memref<10752xf32, #tpu.memory_space<vmem>>) target(%dma_start3A_157 : memref<10752xf32, #tpu.memory_space<hbm>>) target_semaphore(%run_scoped3A : memref<!tpu.dma_semaphore, #tpu.memory_space<semaphore_mem>>)
      %dma_wait3A_158 = tpu.memref_slice %arg7[%mul3A_155] : memref<344064xf32, #tpu.memory_space<hbm>> -> memref<10752xf32, #tpu.memory_space<hbm>>
      %dma_wait3A_159 = tpu.memref_slice %arg7[%mul3A_155] : memref<344064xf32, #tpu.memory_space<hbm>> -> memref<10752xf32, #tpu.memory_space<hbm>>
      tpu.wait_dma2 semaphore(%run_scoped3A : memref<!tpu.dma_semaphore, #tpu.memory_space<semaphore_mem>>) src(%arg14 : memref<10752xf32, #tpu.memory_space<vmem>>) dst(%dma_wait3A_159 : memref<10752xf32, #tpu.memory_space<hbm>>)
      tpu.yield
    }) : () -> ()
    return
  }
}

module attributes {stable_mosaic.version = 14 : i64} {
  func.func @body(%arg0: memref<2688x128xf32, #tpu.memory_space<vmem>>, %arg1: memref<1x1xf32, #tpu.memory_space<smem>>) attributes {dimension_semantics = [], scalar_prefetch = 0 : i64, scratch_operands = 0 : i64, tpu.core_type = #tpu.core_type<tc>} {
    %get3A = arith.constant 0 : index
    %get3A_0 = arith.constant 0 : index
    %get3A_1 = vector.load %arg0[%get3A, %get3A_0] : memref<2688x128xf32, #tpu.memory_space<vmem>>, vector<2688x128xf32>
    %neg3A = arith.constant 0.000000e+00 : f32
    %neg3A_2 = vector.broadcast %neg3A : f32 to vector<2688x128xf32>
    %neg3A_3 = arith.subf %neg3A_2, %get3A_1 : vector<2688x128xf32>
    %custom_jvp_call3A = arith.constant 0.000000e+00 : f32
    %max3A = vector.broadcast %custom_jvp_call3A : f32 to vector<2688x128xf32>
    %max3A_4 = arith.maximumf %neg3A_3, %max3A : vector<2688x128xf32>
    %sub3A = vector.broadcast %custom_jvp_call3A : f32 to vector<2688x128xf32>
    %sub3A_5 = arith.subf %neg3A_3, %sub3A : vector<2688x128xf32>
    %ne3A = arith.cmpf one, %sub3A_5, %sub3A_5 : vector<2688x128xf32>
    %add3A = vector.broadcast %custom_jvp_call3A : f32 to vector<2688x128xf32>
    %add3A_6 = arith.addf %neg3A_3, %add3A : vector<2688x128xf32>
    %abs3A = math.absf %sub3A_5 : vector<2688x128xf32>
    %neg3A_7 = arith.constant 0.000000e+00 : f32
    %neg3A_8 = vector.broadcast %neg3A_7 : f32 to vector<2688x128xf32>
    %neg3A_9 = arith.subf %neg3A_8, %abs3A : vector<2688x128xf32>
    %exp3A = math.exp %neg3A_9 : vector<2688x128xf32>
    %log1p3A = math.log1p %exp3A : vector<2688x128xf32>
    %add3A_10 = arith.addf %max3A_4, %log1p3A : vector<2688x128xf32>
    %select_n3A = arith.select %ne3A, %add3A_6, %add3A_10 : vector<2688x128xi1>, vector<2688x128xf32>
    %neg3A_11 = arith.constant 0.000000e+00 : f32
    %neg3A_12 = vector.broadcast %neg3A_11 : f32 to vector<2688x128xf32>
    %neg3A_13 = arith.subf %neg3A_12, %select_n3A : vector<2688x128xf32>
    %reduce_sum3A = vector.shape_cast %neg3A_13 : vector<2688x128xf32> to vector<1x2688x128xf32>
    %reduce_sum3A_14 = arith.constant dense<0.000000e+00> : vector<1xf32>
    %reduce_sum3A_15 = vector.multi_reduction <add>, %reduce_sum3A, %reduce_sum3A_14 [1, 2] : vector<1x2688x128xf32> to vector<1xf32>
    %reduce_sum3A_16 = vector.shape_cast %reduce_sum3A_15 : vector<1xf32> to vector<1x1x1xf32>
    %reduce_sum3A_17 = vector.extract %reduce_sum3A_16[0, 0, 0] : f32 from vector<1x1x1xf32>
    %neg3A_18 = arith.constant 0.000000e+00 : f32
    %neg3A_19 = arith.subf %neg3A_18, %reduce_sum3A_17 : f32
    %div3A = arith.constant 1.638400e+04 : f32
    %div3A_20 = arith.divf %neg3A_19, %div3A : f32
    %swap3A = arith.constant 0 : index
    %swap3A_21 = arith.constant 0 : index
    %swap3A_22 = memref.load %arg1[%swap3A, %swap3A_21] : memref<1x1xf32, #tpu.memory_space<smem>>
    memref.store %div3A_20, %arg1[%swap3A, %swap3A_21] : memref<1x1xf32, #tpu.memory_space<smem>>
    return
  }
}

</mosaic_0001>

<sc_bundles>
// kernel: kernel.4.cloned.1.call-start
scs
__scs_entry_jumppad:
0x0: {  	(pc) =	sbr.rel $0x88, $3  }
0x1: {  	(tag) =	ssettag $0x0;
	lr =	simm.s32 $0x1  }
0x2: {  	[smem:$0x3F9C] =	sst lr;
	_ =	strace $0xD0000000  }
0x3: {  	_ = 	snop  }
0x4: {  	_ = 	snop  }
0x5: {  	_ = 	snop  }
0x6: {  	_ = 	snop  }
0x7: {  	_ = 	snop  }
__scs_overlays_trampoline_lowered:
0x8: {  	[smem:$0x3FAB] =	sst s0  }
0x9: {  	[smem:$0x3FAC] =	sst s1  }
0xa: {  	[smem:$0x3FAD] =	sst s2  }
0xb: {  	[smem:$0x3FAE] =	sst s3  }
0xc: {  	[smem:$0x3FAF] =	sst s4  }
0xd: {  	[smem:$0x3FB0] =	sst s5  }
0xe: {  	[smem:$0x3FB1] =	sst s6  }
0xf: {  	[smem:$0x3FB2] =	sst s7  }
0x10: {  	[smem:$0x3FB3] =	sst s8  }
0x11: {  	[smem:$0x3FB4] =	sst s9;
	s0 =	simm.s32 @!p0 $0x0  }
0x12: {  	s1 =	sld [smem:$0x3F9A];
	s0 =	simm.s32 @p0 $0x1  }
0x13: {  	[smem:$0x3FB5] =	sst s0;
	s0 =	simm.s32 @!p1 $0x0  }
0x14: {  	s2 =	sld [smem:$0x3F99];
	s0 =	simm.s32 @p1 $0x1  }
0x15: {  	[smem:$0x3FB6] =	sst s0;
	s0 =	simm.s32 @!p2 $0x0  }
0x16: {  	s3 =	sld [smem:$0x3FDB];
	s0 =	simm.s32 @p2 $0x1  }
0x17: {  	s4 =	simm.s32 $0x1BF5;
	[smem:$0x3FB8] =	sst s0  }
0x18: {  	s0 =	sld [smem:$0x3F9B];
	_ =	swait.ge [sflag:s4], $0x0  }
0x19: {  	s7 =	sld [smem:$0x3F9C]  }
0x1a: {  	s8 =	sadd.s32 $0xFFFFE003, lr  }
0x1b: {  	s9 =	sadd.s32 $0xFFFFFEF7, lr;
	s5 =	simm.s32 $0xFFFFFFFF;
	p2 =	slt.u32 s8, $0xFFFFF086  }
0x1c: {  	p1 =	slt.u32 s9, $0xF7A;
	s5 =	simm.s32 @!p2 $0x0  }
0x1d: {  	s5 =	simm.s32 @p1 $0x1;
	p0 =	seq.s32 s7, s2  }
0x1e: {  	s7 =	smul.u32 @!p0 $0xF7A, s2;
	p2 =	seq.s32 @!p0 s5, $0x0  }
0x1f: {  	s9 =	smul.u32 $0xF7A, s1;
	s8 =	simm.s32 @!p0 $0x1BF5;
	p2 =	por !p2, p0  }
0x20: {  	[sflag:s8] =	ssyncset.s32 @!p0 $0xFFFFF086;
	s6 =	sadd.s32 @!p0 s3, s7;
	s7 =	simm.s32 @!p0 $0x108  }
0x21: {  	s3 =	sadd.s32 s3, s9;
	s6 =	sadd.s32 @!p0 $0x88, s6;
	s7 =	simm.s32 @p2 $0x1082  }
0x22: {  	[simem:s7], [sflag:s8] =	dma.local @!p0 [hbm:s6], $0xF7A  }
0x23: {  	s9 =	sor.u32 $0xD0000000, s2;
	s6 =	simm.s32 $0x108;
	_ =	swait.ge @!p0 [sflag:s8], $0x0  }
0x24: {  	s3 =	sadd.s32 $0x88, s3;
	s6 =	simm.s32 @!p1 $0x1082;
	[sflag:s4] =	ssyncset.s32 $0xFFFFF086  }
0x25: {  	[simem:s6], [sflag:s4] =	dma.local [hbm:s3], $0xF7A  }
0x26: {  	[smem:$0x3F9C] =	sst s1;
	(tag) =	ssettag s2;
	_ =	strace s9  }
0x27: {  	s1 =	sld [smem:$0x3FAC]  }
0x28: {  	s2 =	sld [smem:$0x3FAD]  }
0x29: {  	s4 =	sld [smem:$0x3FAF]  }
0x2a: {  	p0 =	seq.s32 s5, $0x0;
	s5 =	sld [smem:$0x3FB0]  }
0x2b: {  	s6 =	sld [smem:$0x3FB1]  }
0x2c: {  	s7 =	sld [smem:$0x3FB2]  }
0x2d: {  	s3 =	simm.s32 $0x108;
	s8 =	sld [smem:$0x3FB3]  }
0x2e: {  	s3 =	simm.s32 @!p0 $0x1082;
	s9 =	sld [smem:$0x3FB4]  }
0x2f: {  	lr =	sadd.s32 s0, s3;
	s0 =	sld [smem:$0x3FAB]  }
0x30: {  	s3 =	sld [smem:$0x3FAE]  }
0x31: {  	[smem:$0x3FB7] =	sst s10  }
0x32: {  	s10 =	sld [smem:$0x3FB5];
	_ =	sdelay $0x3  }
0x33: {  	p0 =	seq.s32 s10, $0x1;
	s10 =	sld [smem:$0x3FB7];
	_ =	sdelay $0x3  }
0x34: {  	[smem:$0x3FB7] =	sst s10  }
0x35: {  	s10 =	sld [smem:$0x3FB6];
	_ =	sdelay $0x3  }
0x36: {  	p1 =	seq.s32 s10, $0x1;
	s10 =	sld [smem:$0x3FB7];
	_ =	sdelay $0x3  }
0x37: {  	[smem:$0x3FB7] =	sst s10  }
0x38: {  	s10 =	sld [smem:$0x3FB8]  }
0x39: {  	_ = 	snop;
	(pc) =	sbr.ind lr, $3  }
0x3a: {  	_ = 	snop  }
0x3b: {  	_ = 	snop  }
0x3c: {  	p2 =	seq.s32 s10, $0x1;
	s10 =	sld [smem:$0x3FB7]  }
0x3d: {  	_ =	shalt  }
0x3e: {  	_ =	shalt  }
0x3f: {  	_ =	shalt  }
0x40: {  	_ =	shalt  }
0x41: {  	_ =	shalt  }
0x42: {  	_ =	shalt  }
0x43: {  	_ =	shalt  }
0x44: {  	_ =	shalt  }
0x45: {  	_ =	shalt  }
0x46: {  	_ =	shalt  }
0x47: {  	_ =	shalt  }
0x48: {  	_ =	shalt  }
0x49: {  	_ =	shalt  }
0x4a: {  	_ =	shalt  }
0x4b: {  	_ =	shalt  }
0x4c: {  	_ =	shalt  }
0x4d: {  	_ =	shalt  }
0x4e: {  	_ =	shalt  }
0x4f: {  	_ =	shalt  }
0x50: {  	_ =	shalt  }
0x51: {  	_ =	shalt  }
0x52: {  	_ =	shalt  }
0x53: {  	_ =	shalt  }
0x54: {  	_ =	shalt  }
0x55: {  	_ =	shalt  }
0x56: {  	_ =	shalt  }
0x57: {  	_ =	shalt  }
0x58: {  	_ =	shalt  }
0x59: {  	_ =	shalt  }
0x5a: {  	_ =	shalt  }
0x5b: {  	_ =	shalt  }
0x5c: {  	_ =	shalt  }
0x5d: {  	_ =	shalt  }
0x5e: {  	_ =	shalt  }
0x5f: {  	_ =	shalt  }
0x60: {  	_ =	shalt  }
0x61: {  	_ =	shalt  }
0x62: {  	_ =	shalt  }
0x63: {  	_ =	shalt  }
0x64: {  	_ =	shalt  }
0x65: {  	_ =	shalt  }
0x66: {  	_ =	shalt  }
0x67: {  	_ =	shalt  }
0x68: {  	_ =	shalt  }
0x69: {  	_ =	shalt  }
0x6a: {  	_ =	shalt  }
0x6b: {  	_ =	shalt  }
0x6c: {  	_ =	shalt  }
0x6d: {  	_ =	shalt  }
0x6e: {  	_ =	shalt  }
0x6f: {  	_ =	shalt  }
0x70: {  	_ =	shalt  }
0x71: {  	_ =	shalt  }
0x72: {  	_ =	shalt  }
0x73: {  	_ =	shalt  }
0x74: {  	_ =	shalt  }
0x75: {  	_ =	shalt  }
0x76: {  	_ =	shalt  }
0x77: {  	_ =	shalt  }
0x78: {  	_ =	shalt  }
0x79: {  	_ =	shalt  }
0x7a: {  	_ =	shalt  }
0x7b: {  	_ =	shalt  }
0x7c: {  	_ =	shalt  }
0x7d: {  	_ =	shalt  }
0x7e: {  	_ =	shalt  }
0x7f: {  	_ =	shalt  }
0x80: {  	_ =	shalt  }
0x81: {  	_ =	shalt  }
0x82: {  	_ =	shalt  }
0x83: {  	_ =	shalt  }
0x84: {  	_ =	shalt  }
0x85: {  	_ =	shalt  }
0x86: {  	_ =	shalt  }
0x87: {  	_ =	shalt  }
.Lfunc_end0:
.L_simem_size_0:
called_computation_lowered:
.L_overlay_start_0:
0x88: {  	s2 =	sld [smem:$0x3FD9]  }
0x89: {  	s3 =	sld [smem:$0x3FFE];
	_ =	sdelay $0x1  }
0x8a: {  	s1 =	srdreg.scid  }
0x8b: {  	s0 =	sand.u32 $0x1, s1  }
0x8c: {  	s17 =	sshll.u32 s0, $0xA;
	s2 =	sadd.s32 s3, s2  }
0x8d: {  	s2 =	sadd.s32 s2, s17  }
0x8e: {  	[smem:$0x3FC3] =	sst s2  }
0x8f: {  	_ = 	snop  }
0x90: {  	s2 =	sld [smem:$0x3FC8];
	(tm) =	ssettm $0x1  }
0x91: {  	s18 =	sld [smem:$0x3FFB];
	_ =	sdelay $0x3  }
0x92: {  	_ =	strace s18  }
0x93: {  	s3 =	sld [smem:$0x3FFC];
	_ =	sdelay $0x3  }
0x94: {  	_ =	strace s3  }
0x95: {  	s3 =	sld [smem:$0x3FFD];
	_ =	sdelay $0x3  }
0x96: {  	_ =	strace s3  }
0x97: {  	_ =	strace $0x8FFFFFFF  }
0x98: {  	s19 =	sld [smem:$0x3FDB];
	_ =	sdelay $0x1  }
0x99: {  	s4 =	simm.s32 $_scs_section_size  }
0x9a: {  	s5 =	simm.s32 $_size__tile_overlayer_lowered;
	s6 =	simm.s32 $_tile_overlayer_lowered  }
0x9b: {  	s22 =	simm.s32 $0x1BFF;
	s21 =	sshll.u32 s6, $0x1;
	s3 =	sadd.s32 s4, s19  }
0x9c: {  	s7 =	simm.s32 $0x0;
	s20 =	sshll.u32 s5, $0x1;
	s5 =	sadd.s32 s21, s3  }
0x9d: {  	[timem:s7], [sflag:s22] =	dma.local [hbm:s5], s20  }
0x9e: {  	_ =	swait.ge [sflag:s22], s20  }
0x9f: {  	s4 =	ssub.s32 $0x0, s20;
	[sflag:s22] =	ssyncset.done $0x0  }
0xa0: {  	[sflag:s22] =	ssyncadd.s32 s4;
	_ =	sdelay $0x1  }
0xa1: {  	s23 =	simm.s32 $0x1B8B  }
0xa2: {  	_ =	swait.ge [sflag:s23], $0x1  }
0xa3: {  	[sflag:s23] =	ssyncset.done $0x0  }
0xa4: {  	s25 =	simm.s32 $0x1B8E;
	s24 =	sld [smem:$0x3FFE];
	[sflag:s23] =	ssyncadd.s32 $0xFFFFFFFF  }
0xa5: {  	s26 =	simm.s32 $execute0_lowered;
	[smem:$0x3FD2] =	sst s25  }
0xa6: {  	s5 =	sshll.u32 s26, $0x1;
	_ =	strace $0x80000046;
	[dreg:$0x1] =	wrdreg $0xFFFFFFFF  }
0xa7: {  	s28 =	simm.s32 $_size_execute0_lowered;
	s3 =	sadd.s32 s3, s5;
	[dreg:$0x0] =	wrdreg $0x0  }
0xa8: {  	s5 =	sshll.u32 s28, $0x1;
	[dreg:$0x2] =	wrdreg s3  }
0xa9: {  	[dreg:$0x3] =	wrdreg s5  }
0xaa: {  	[dreg:$0x4] =	wrdreg $0xC0  }
0xab: {  	_ =	task [dreg:s7], $0x5FFFF  }
0xac: {  	[dreg:$0x1] =	wrdreg $0xFFFFFFFF  }
0xad: {  	[dreg:$0x0] =	wrdreg $0x60  }
0xae: {  	[dreg:$0x2] =	wrdreg s24  }
0xaf: {  	[dreg:$0x3] =	wrdreg s2  }
0xb0: {  	[dreg:$0x4] =	wrdreg $0x9  }
0xb1: {  	_ =	task.clear_ibuf [dreg:s7], $0x5FFFF;
	_ =	strace $0x90000046  }
0xb2: {  	s29 =	simm.s32 $0x9;
	_ =	strace $0x80000048  }
0xb3: {  	_ =	swait.ge [sflag:s29], $0x1  }
0xb4: {  	[sflag:s29] =	ssyncadd.s32 $0xFFFFFFFF  }
0xb5: {  	_ =	strace $0x90000048  }
0xb6: {  	_ =	sfence  }
0xb7: {  	s30 =	sld [smem:$0x0];
	_ =	sdelay $0x2  }
0xb8: {  	s31 =	sshll.u32 s1, $0xD;
	s1 =	sshrl.u32 s1, $0x2  }
0xb9: {  	s3 =	sand.u32 $0x4000, s31;
	s1 =	sadd.s32 s1, s30  }
0xba: {  	s0 =	sor.u32 s3, s0;
	s1 =	sshll.u32 s1, $0x11  }
0xbb: {  	s0 =	sor.u32 s1, s0  }
0xbc: {  	s0 =	sadd.s32 $0x8F2B, s0  }
0xbd: {  	[sflag:s0] =	ssyncadd.remote.s32 $0x1  }
0xbe: {  	_ =	sfence.sel $0xFFFF  }
0xbf: {  	[dreg:$0x0] =	wrdreg $0xFFFFFFFF;
	(pc) =	sbr.abs _section_cstart, $3  }
0xc0: {  	[dreg:$0x1] =	wrdreg $0xFFFFFFFF  }
0xc1: {  	_ =	task.clear_ibuf [dreg:s7], $0x2FFFF;
	_ =	strace $0x9FFFFFFF  }
0xc2: {  	(tm) =	ssettm $0x7FFFFFFF  }
0xc3: {  	_ =	shalt  }
tec
execute0_lowered:
.L_overlay_start_1:
0x0: {  	(tag) =	ssettag $0x1  }
0x1: {  	v28 =	vlaneseq.u32;
	s2 =	stileid.u32  }
0x2: {  	s0 =	rddreg [dreg:$0x0];
	s3 =	sshll.u32 s2, $0x1;
	s2 =	simm.s32 $0x0;
	v4 =	vmul.u32 $0x15, v28  }
0x3: {  	v26 =	vmul.u32 $0x40, v28;
	[smem:$0x7FF] =	sst s2  }
0x4: {  	s5 =	rddreg [dreg:$0x1];
	v5 =	vmul.u32 $0x500, v28;
	_ =	strace $0x80000047;
	[tilespmem:$0x1FDF0] =	vst v4  }
0x5: {  	v29 =	vmul.u32 $0x280, v28;
	[tilespmem:$0x1FF20] =	vst v26  }
0x6: {  	[tilespmem:$0x1FFE0] =	vst v5  }
0x7: {  	v3 =	vadd.s32 $0x1, v4;
	[tilespmem:$0x1FFF0] =	vst v29  }
0x8: {  	v62 =	vadd.s32 $0x2, v4;
	[tilespmem:$0x1FC50] =	vst v3  }
0x9: {  	v63 =	vadd.s32 $0x3, v4;
	[tilespmem:$0x1FC70] =	vst v62  }
0xa: {  	v9 =	vadd.s32 $0x4, v4;
	[tilespmem:$0x1FC90] =	vst v63  }
0xb: {  	v13 =	vadd.s32 $0x5, v4;
	[tilespmem:$0x1FCB0] =	vst v9  }
0xc: {  	v15 =	vadd.s32 $0x6, v4;
	[tilespmem:$0x1FCD0] =	vst v13  }
0xd: {  	v33 =	vadd.s32 $0x7, v4;
	[tilespmem:$0x1FCF0] =	vst v15  }
0xe: {  	v34 =	vadd.s32 $0x8, v4;
	[tilespmem:$0x1FD10] =	vst v33  }
0xf: {  	v35 =	vadd.s32 $0x9, v4;
	[tilespmem:$0x1FD30] =	vst v34  }
0x10: {  	v36 =	vadd.s32 $0xA, v4;
	[tilespmem:$0x1FD40] =	vst v35  }
0x11: {  	v37 =	vadd.s32 $0xB, v4;
	[tilespmem:$0x1FD50] =	vst v36  }
0x12: {  	v38 =	vadd.s32 $0xC, v4;
	[tilespmem:$0x1FD60] =	vst v37  }
0x13: {  	v39 =	vadd.s32 $0xD, v4;
	[tilespmem:$0x1FD70] =	vst v38  }
0x14: {  	v54 =	vimm.s32 $0x61472503;
	v40 =	vadd.s32 $0xE, v4;
	[tilespmem:$0x1FD80] =	vst v39  }
0x15: {  	v58 =	vunpack.c.l.s4.s8 v54;
	v42 =	vadd.s32 $0xF, v4;
	[tilespmem:$0x1FD90] =	vst v40  }
0x16: {  	v54 =	vadd.s32 $0x11, v4;
	[tilespmem:$0x1FDA0] =	vst v42  }
0x17: {  	v8 =	vunpack.c.0.s8.s32 v58;
	v58 =	vadd.s32 $0x12, v4;
	[tilespmem:$0x1FDC0] =	vst v54  }
0x18: {  	v30 =	vor.u32 $0x40, v29;
	[tilespmem:$0x1FDD0] =	vst v58  }
0x19: {  	v53 =	vadd.s32 $0x3C0, v5;
	[tilespmem:$0x1FE10] =	vst v30  }
0x1a: {  	v41 =	vadd.s32 $0x2C0, v5;
	[tilespmem:$0x1FE20] =	vst v53  }
0x1b: {  	v44 =	vadd.s32 $0x300, v5;
	[tilespmem:$0x1FE30] =	vst v41  }
0x1c: {  	v51 =	vadd.s32 $0x280, v5;
	[tilespmem:$0x1FE40] =	vst v44  }
0x1d: {  	v21 =	vor.u32 $0x80, v5;
	[tilespmem:$0x1FE50] =	vst v51  }
0x1e: {  	v22 =	vadd.s32 $0x180, v29;
	[tilespmem:$0x1FE60] =	vst v21  }
0x1f: {  	v19 =	vadd.s32 $0x100, v29;
	[tilespmem:$0x1FE70] =	vst v22  }
0x20: {  	v20 =	vadd.s32 $0x140, v29;
	[tilespmem:$0x1FE80] =	vst v19  }
0x21: {  	v46 =	vadd.s32 $0x180, v5;
	[tilespmem:$0x1FE90] =	vst v20  }
0x22: {  	v56 =	vadd.s32 $0x400, v5;
	[tilespmem:$0x1FEA0] =	vst v46  }
0x23: {  	v50 =	vadd.s32 $0x240, v5;
	[tilespmem:$0x1FEB0] =	vst v56  }
0x24: {  	v43 =	vor.u32 $0xC0, v5;
	[tilespmem:$0x1FEC0] =	vst v50  }
0x25: {  	v47 =	vadd.s32 $0x200, v5;
	[tilespmem:$0x1FED0] =	vst v43  }
0x26: {  	v18 =	vadd.s32 $0xC0, v29;
	[tilespmem:$0x1FEE0] =	vst v47  }
0x27: {  	v45 =	vadd.s32 $0x480, v5;
	[tilespmem:$0x1FEF0] =	vst v18  }
0x28: {  	v48 =	vadd.s32 $0x100, v5;
	[tilespmem:$0x1FF00] =	vst v45  }
0x29: {  	v60 =	vadd.s32 $0x4C0, v5;
	[tilespmem:$0x1FF10] =	vst v48  }
0x2a: {  	v27 =	vadd.s32 $0x440, v5;
	[tilespmem:$0x1FF30] =	vst v60  }
0x2b: {  	v55 =	vadd.s32 $0x340, v5;
	[tilespmem:$0x1FF40] =	vst v27  }
0x2c: {  	v31 =	vadd.s32 $0x80, v29;
	[tilespmem:$0x1FF50] =	vst v55  }
0x2d: {  	v57 =	vadd.s32 $0x380, v5;
	[tilespmem:$0x1FF60] =	vst v31  }
0x2e: {  	v49 =	vadd.s32 $0x140, v5;
	[tilespmem:$0x1FF70] =	vst v57  }
0x2f: {  	v59 =	vor.u32 $0x40, v5;
	[tilespmem:$0x1FF80] =	vst v49  }
0x30: {  	v0 =	vimm.s32 $0x36147250;
	v23 =	vadd.s32 $0x1C0, v5;
	[tilespmem:$0x1FF90] =	vst v59  }
0x31: {  	s1 =	srdreg.scid;
	v1 =	vimm.s32 $0x47250361;
	s12 =	simm.s32 $0x1;
	v0 =	vunpack.c.l.s4.s8 v0;
	v61 =	vadd.s32 $0x1C0, v29;
	[tilespmem:$0x1FFA0] =	vst v23  }
0x32: {  	v2 =	vimm.s32 $0x50361472;
	s13 =	simm.s32 $0x80;
	s14 =	simm.s32 $0x3E00;
	s15 =	simm.s32 $0x20;
	v1 =	vunpack.c.l.s4.s8 v1;
	v25 =	vadd.s32 $0x240, v29;
	[tilespmem:$0x1FFB0] =	vst v61  }
0x33: {  	s17 =	simm.s32 $0x10;
	v12 =	vimm.s32 $0x14725036;
	s18 =	simm.s32 $0x8E00;
	s19 =	simm.s32 $0x9600;
	v24 =	vadd.s32 $0x200, v29;
	v0 =	vunpack.c.0.s8.s32 v0;
	[tilespmem:$0x1FFC0] =	vst v25  }
0x34: {  	s22 =	simm.s32 $0x40;
	s29 =	simm.s32 $0x8600;
	s1 =	sand.u32 $0x1, s1;
	v52 =	vunpack.c.l.s4.s8 v2;
	v2 =	vunpack.c.l.s4.s8 v12;
	v1 =	vunpack.c.0.s8.s32 v1;
	[tilespmem:$0x1FFD0] =	vst v24  }
0x35: {  	s31 =	simm.s32 $0x9200;
	s20 =	simm.s32 $0x10600;
	s6 =	sor.u32 s1, s3;
	[tilespmem:$0x1FC40] =	vst v0  }
0x36: {  	s23 =	simm.s32 $0x12600;
	s24 =	simm.s32 $0x2;
	s3 =	smul.u32 $0x280, s6;
	v32 =	vunpack.c.0.s8.s32 v2;
	[tilespmem:$0x1FC60] =	vst v1  }
0x37: {  	s28 =	simm.s32 $0x3;
	s1 =	ssub.s32 $0x2, s1;
	s4 =	smul.u32 $0x500, s6;
	v0 =	vunpack.c.0.s8.s32 v52;
	[tilespmem:$0x1FCA0] =	vst v8  }
0x38: {  	v10 =	vimm.s32 $0x72503614;
	s8 =	smul.u32 $0x540, s6;
	s25 =	sshrl.u32 s1, $0x1;
	s6 =	sshll.u32 s6, $0x6;
	[tilespmem:$0x1FD00] =	vst v32  }
0x39: {  	v11 =	vimm.s32 $0x3614725;
	s30 =	simm.s32 $0x4;
	s1 =	ssub.s32 s1, s25;
	s5 =	sadd.s32 s5, s6;
	v62 =	vadd.s32 $0x13, v4;
	[tilespmem:$0x1FC80] =	vst v0;
	v0 =	vunpack.c.l.s4.s8 v10  }
0x3a: {  	v3 =	vimm.s32 $0x25036147;
	s25 =	simm.s32 $0x13600;
	v63 =	vadd.s32 $0x14, v4;
	s7 =	sadd.s32 s3, s0;
	s9 =	sadd.s32 s4, s0;
	v1 =	vunpack.c.l.s4.s8 v11;
	[tilespmem:$0x1FDE0] =	vst v62  }
.Ltmp0:
0x3b: {  	s3 =	sadd.s32 $0x16E4000, s0;
	s4 =	sadd.s32 $0xF42E00, s0;
	v14 =	vunpack.c.l.s4.s8 v3;
	v52 =	vadd.s32 $0x10, v4;
	[tilespmem:$0x1FE00] =	vst v63;
	v0 =	vunpack.c.0.s8.s32 v0;
	(pc) =	sbr.rel .LBB2_1-.Ltmp0, $4  }
0x3c: {  	s0 =	sadd.s32 s8, s0;
	[dreg:$0x4] =	wrdreg s5;
	s7 =	sadd.s32 $0xAA00, s7;
	[tilespmem:$0x1FDB0] =	vst v52;
	v1 =	vunpack.c.0.s8.s32 v1  }
0x3d: {  	s26 =	sadd.s32 $0xA00, s9;
	s0 =	sadd.s32 $0xFA00, s0;
	[dreg:$0x3] =	wrdreg s7;
	[tilespmem:$0x1FCC0] =	vst v0;
	v0 =	vunpack.c.0.s8.s32 v14  }
0x3e: {  	s9 =	smax.u32 s1, $0x1;
	s1 =	simm.s32 $0x0;
	[dreg:$0x5] =	wrdreg s26;
	[tilespmem:$0x1FCE0] =	vst v1  }
0x3f: {  	[dreg:$0x6] =	wrdreg s0;
	s26 =	simm.s32 $0x6600;
	s0 =	simm.s32 $0xE600;
	[tilespmem:$0x1FD20] =	vst v0  }
.LBB2_8:
0x40: {  	s1 =	sadd.s32 $0x1, s1  }
0x41: {  	p0 =	sne.s32 s1, s9  }
.Ltmp1:
0x42: {  	s5 =	rddreg [dreg:$0x6];
	(pc) =	sbr.rel @!p0 .LBB2_9-.Ltmp1, $4  }
0x43: {  	[hbm4b:s5+s2] =	stream.linear.scatter [tilespmem:s25], [sflag:$0x4], $0x2A00, $0x38;
	[tilespmem:$0x16000] =	vst v63  }
0x44: {  	_ =	swait.ge [sflag:s30], $0x2A00  }
0x45: {  	[sflag:s30] =	ssyncset.done $0x0;
	v30 =	vld [tilespmem:$0x1FE10]  }
0x46: {  	v28 =	vlaneseq.u32;
	v31 =	vld [tilespmem:$0x1FF60];
	[sflag:s30] =	ssyncadd.s32 $0xFFFFD600  }
.LBB2_1:
0x47: {  	s5 =	rddreg [dreg:$0x3]  }
0x48: {  	[tilespmem:s2], [sflag:$0x1] =	stream.linear.gather [hbm4b:s5+s2], $0x1400, $0x38;
	[tilespmem:$0x16000] =	vst v63  }
0x49: {  	s16 =	rddreg [dreg:$0x4];
	s6 =	simm.s32 $0x1400  }
0x4a: {  	[tilespmem:s6], [sflag:$0x1] =	stream.linear.gather [hbm4b:s16+s2], $0x200, $0x38;
	[tilespmem:$0x16000] =	vst v63  }
0x4b: {  	s21 =	rddreg [dreg:$0x5];
	s7 =	simm.s32 $0x1600  }
0x4c: {  	[tilespmem:s7], [sflag:$0x1] =	stream.linear.gather [hbm4b:s21+s2], $0x2800, $0x38;
	[tilespmem:$0x16000] =	vst v63  }
0x4d: {  	_ =	swait.ge [sflag:s12], $0x1400  }
0x4e: {  	[sflag:s12] =	ssyncset.done $0x0  }
0x4f: {  	[sflag:s12] =	ssyncadd.s32 $0xFFFFEC00  }
0x50: {  	_ =	swait.ge [sflag:s12], $0x200  }
0x51: {  	[sflag:s12] =	ssyncset.done $0x0  }
0x52: {  	[sflag:s12] =	ssyncadd.s32 $0xFFFFFE00  }
0x53: {  	_ =	swait.ge [sflag:s12], $0x2800  }
0x54: {  	[sflag:s12] =	ssyncset.done $0x0  }
0x55: {  	[sflag:s12] =	ssyncadd.s32 $0xFFFFD800  }
0x56: {  	[tilespmem:s14], [sflag:$0x2] =	stream.indirect.gather [hbm4b:s3+s13], $0x40, s2, s13, $0xb8;
	[tilespmem:$0x16000] =	vst v63  }
0x57: {  	s8 =	simm.s32 $0x5E00  }
0x58: {  	[tilespmem:s8], [sflag:$0x2] =	stream.indirect.gather [hbm4b:s3+s15], $0x40, s13, s15, $0xb8;
	[tilespmem:$0x16000] =	vst v63  }
0x59: {  	_ = 	snop  }
0x5a: {  	[tilespmem:s18], [sflag:$0x2] =	stream.indirect.gather [hbm4b:s4+s17], $0x40, s6, s17, $0xb8;
	[tilespmem:$0x16000] =	vst v63  }
0x5b: {  	_ = 	snop  }
0x5c: {  	[tilespmem:s19], [sflag:$0x2] =	stream.indirect.gather [hbm4b:s4+s13], $0x40, s7, s13, $0xb8;
	[tilespmem:$0x16000] =	vst v63  }
0x5d: {  	s10 =	simm.s32 $0x1680;
	s11 =	simm.s32 $0xB600  }
0x5e: {  	[tilespmem:s11], [sflag:$0x2] =	stream.indirect.gather [hbm4b:s4+s13], $0x40, s10, s13, $0xb8;
	[tilespmem:$0x16000] =	vst v63  }
0x5f: {  	s16 =	simm.s32 $0x1700;
	s21 =	simm.s32 $0xD600  }
0x60: {  	[tilespmem:s21], [sflag:$0x2] =	stream.indirect.gather [hbm4b:s4+s22], $0x40, s16, s22, $0xb8;
	[tilespmem:$0x16000] =	vst v63  }
0x61: {  	s7 =	simm.s32 $0xA0  }
0x62: {  	[tilespmem:s26], [sflag:$0x3] =	stream.indirect.gather [hbm4b:s3+s13], $0x40, s7, s13, $0xb8;
	[tilespmem:$0x16000] =	vst v63  }
0x63: {  	s8 =	simm.s32 $0x120  }
0x64: {  	[tilespmem:s29], [sflag:$0x3] =	stream.indirect.gather [hbm4b:s3+s15], $0x40, s8, s15, $0xb8;
	[tilespmem:$0x16000] =	vst v63  }
0x65: {  	s10 =	simm.s32 $0x1410  }
0x66: {  	[tilespmem:s31], [sflag:$0x3] =	stream.indirect.gather [hbm4b:s4+s17], $0x40, s10, s17, $0xb8;
	[tilespmem:$0x16000] =	vst v63  }
0x67: {  	s11 =	simm.s32 $0x1740  }
0x68: {  	[tilespmem:s0], [sflag:$0x3] =	stream.indirect.gather [hbm4b:s4+s13], $0x40, s11, s13, $0xb8;
	[tilespmem:$0x16000] =	vst v63  }
0x69: {  	s16 =	simm.s32 $0x17C0  }
0x6a: {  	[tilespmem:s20], [sflag:$0x3] =	stream.indirect.gather [hbm4b:s4+s13], $0x40, s16, s13, $0xb8;
	[tilespmem:$0x16000] =	vst v63  }
0x6b: {  	s21 =	simm.s32 $0x1840;
	s16 =	simm.s32 $0x0  }
0x6c: {  	[tilespmem:s23], [sflag:$0x3] =	stream.indirect.gather [hbm4b:s4+s22], $0x40, s21, s22, $0xb8;
	[tilespmem:$0x16000] =	vst v63  }
.LBB2_2:
0x6d: {  	_ =	swait.ge [sflag:s24], $0x2000  }
0x6e: {  	[sflag:s24] =	ssyncset.done $0x0  }
0x6f: {  	[sflag:s24] =	ssyncadd.s32 $0xFFFFE000  }
0x70: {  	_ =	swait.ge [sflag:s24], $0x800  }
0x71: {  	[sflag:s24] =	ssyncset.done $0x0  }
0x72: {  	[sflag:s24] =	ssyncadd.s32 $0xFFFFF800  }
0x73: {  	_ =	swait.ge [sflag:s24], $0x400  }
0x74: {  	[sflag:s24] =	ssyncset.done $0x0  }
0x75: {  	[sflag:s24] =	ssyncadd.s32 $0xFFFFFC00  }
0x76: {  	_ =	swait.ge [sflag:s24], $0x2000  }
0x77: {  	s5 =	simm.s32 $0x0;
	[sflag:s24] =	ssyncset.done $0x0  }
0x78: {  	v0 =	vadd.s32 s5, v28;
	[sflag:s24] =	ssyncadd.s32 $0xFFFFE000  }
0x79: {  	v0 =	vand.u32 $0x3F, v0;
	_ =	swait.ge [sflag:s24], $0x2000  }
0x7a: {  	v1 =	vor.u32 v29, v0;
	[sflag:s24] =	ssyncset.done $0x0  }
0x7b: {  	v2 =	vor.u32 v31, v0;
	[sflag:s24] =	ssyncadd.s32 $0xFFFFE000  }
0x7c: {  	v3 =	vor.u32 v18, v0;
	_ =	swait.ge [sflag:s24], $0x1000  }
0x7d: {  	v4 =	vor.u32 v30, v0;
	[sflag:s24] =	ssyncset.done $0x0  }
0x7e: {  	v52 =	vmov v5;
	v5 =	vor.u32 v22, v0;
	[sflag:s24] =	ssyncadd.s32 $0xFFFFF000  }
0x7f: {  	v6 =	vor.u32 v19, v0;
	v1 =	vld.idx.msk [tilespmem:v1+s14+$0x0], $0xffff  }
0x80: {  	v7 =	vor.u32 v61, v0;
	v2 =	vld.idx.msk [tilespmem:v2+s14+$0x0], $0xffff  }
0x81: {  	v8 =	vor.u32 v24, v0;
	v3 =	vld.idx.msk [tilespmem:v3+s14+$0x0], $0xffff  }
0x82: {  	v10 =	vor.u32 v25, v0;
	v4 =	vld.idx.msk [tilespmem:v4+s14+$0x0], $0xffff  }
0x83: {  	v12 =	vor.u32 v26, v0;
	v5 =	vld.idx.msk [tilespmem:v5+s14+$0x0], $0xffff  }
0x84: {  	v13 =	vor.u32 v49, v0;
	v6 =	vld.idx.msk [tilespmem:v6+s14+$0x0], $0xffff  }
0x85: {  	v15 =	vor.u32 v45, v0;
	v7 =	vld.idx.msk [tilespmem:v7+s14+$0x0], $0xffff  }
0x86: {  	s11 =	simm.s32 $0x1;
	v32 =	vor.u32 v52, v0;
	v8 =	vld.idx.msk [tilespmem:v8+s14+$0x0], $0xffff  }
0x87: {  	v34 =	vadd.s32 s11, v28;
	v9 =	vor.u32 v20, v0;
	v10 =	vld.idx.msk [tilespmem:v10+s14+$0x0], $0xffff  }
0x88: {  	v54 =	vand.u32 $0x3F, v34;
	v33 =	vor.u32 v41, v0;
	v12 =	vld.idx.msk [tilespmem:v12+s18+$0x0], $0xffff  }
0x89: {  	v38 =	vor.u32 v30, v54;
	v13 =	vld.idx.msk [tilespmem:v13+s19+$0x0], $0xffff;
	v1 =	vadd.f32 v4, v1  }
0x8a: {  	v11 =	vor.u32 v60, v0;
	v15 =	vld.idx.msk [tilespmem:v15+s19+$0x0], $0xffff  }
0x8b: {  	v42 =	vor.u32 v20, v54;
	v32 =	vld.idx.msk [tilespmem:v32+s19+$0x0], $0xffff;
	v1 =	vadd.f32 v2, v1  }
0x8c: {  	v36 =	vor.u32 v56, v0;
	v4 =	vld.idx.msk [tilespmem:v9+s14+$0x0], $0xffff  }
0x8d: {  	v33 =	vld.idx.msk [tilespmem:v33+s19+$0x0], $0xffff;
	v9 =	vor.u32 v59, v0;
	v1 =	vadd.f32 v3, v1  }
0x8e: {  	v14 =	vor.u32 v23, v0;
	v38 =	vld.idx.msk [tilespmem:v38+s14+$0x0], $0xffff  }
0x8f: {  	v2 =	vld.idx.msk [tilespmem:v11+s19+$0x0], $0xffff;
	v11 =	vor.u32 v55, v0;
	v1 =	vadd.f32 v6, v1  }
0x90: {  	v16 =	vor.u32 v46, v0;
	v42 =	vld.idx.msk [tilespmem:v42+s14+$0x0], $0xffff  }
0x91: {  	[tilespmem:$0x1FC00] =	vst v13;
	v13 =	vmov v41;
	v41 =	vld.idx.msk [tilespmem:v36+s19+$0x0], $0xffff;
	v3 =	vor.u32 v27, v0;
	v1 =	vadd.f32 v4, v1  }
0x92: {  	v17 =	vor.u32 v57, v0;
	v9 =	vld.idx.msk [tilespmem:v9+s19+$0x0], $0xffff  }
0x93: {  	v6 =	vld.idx.msk [tilespmem:v14+s19+$0x0], $0xffff;
	v14 =	vor.u32 v51, v0;
	v1 =	vadd.f32 v5, v1  }
0x94: {  	v4 =	vld.idx.msk [tilespmem:v11+s19+$0x0], $0xffff;
	v11 =	vor.u32 v48, v0  }
0x95: {  	v5 =	vld.idx.msk [tilespmem:v16+s19+$0x0], $0xffff;
	v16 =	vor.u32 v47, v0;
	v1 =	vadd.f32 v7, v1  }
0x96: {  	v62 =	vmov v53;
	v35 =	vor.u32 v50, v0;
	v3 =	vld.idx.msk [tilespmem:v3+s19+$0x0], $0xffff  }
0x97: {  	v34 =	vor.u32 v53, v0;
	v7 =	vld.idx.msk [tilespmem:v17+s19+$0x0], $0xffff;
	v17 =	vor.u32 v29, v54;
	v1 =	vadd.f32 v8, v1  }
0x98: {  	v37 =	vor.u32 v44, v0;
	v39 =	vor.u32 v18, v54;
	v14 =	vld.idx.msk [tilespmem:v14+s19+$0x0], $0xffff;
	v8 =	vor.u32 v31, v54  }
0x99: {  	v40 =	vor.u32 v19, v54;
	v53 =	vor.u32 v48, v54;
	v11 =	vld.idx.msk [tilespmem:v11+s19+$0x0], $0xffff;
	v1 =	vadd.f32 v10, v1  }
0x9a: {  	v18 =	vor.u32 v45, v54;
	v19 =	vmov v51;
	v45 =	vor.u32 v23, v54;
	v16 =	vld.idx.msk [tilespmem:v16+s19+$0x0], $0xffff  }
0x9b: {  	v10 =	vld.idx.msk [tilespmem:v35+s19+$0x0], $0xffff;
	v35 =	vor.u32 v21, v0;
	v0 =	vor.u32 v43, v0;
	v32 =	vmul.f32 v32, v1  }
0x9c: {  	v63 =	vimm.f32 $0.0e+00;
	v20 =	vmovc v46;
	[tilespmem:$0x1FC10] =	vst v18;
	v17 =	vld.idx.msk [tilespmem:v17+s14+$0x0], $0xffff;
	v51 =	vmul.f32 v4, v1;
	v4 =	vmul.f32 v33, v1  }
0x9d: {  	v21 =	vmul.f32 v3, v1;
	v3 =	vor.u32 v22, v54;
	v9 =	vmul.f32 v9, v1;
	v8 =	vld.idx.msk [tilespmem:v8+s14+$0x0], $0xffff  }
0x9e: {  	v2 =	vmul.f32 v2, v1;
	v15 =	vmul.f32 v15, v1;
	v46 =	vadd.f32 v4, v63;
	v4 =	vld.idx.msk [tilespmem:v39+s14+$0x0], $0xffff  }
0x9f: {  	v18 =	vmov v50;
	v33 =	vor.u32 v61, v54;
	v36 =	vadd.f32 v32, v63;
	[tilespmem:$0x1FC30] =	vst v9;
	v32 =	vld.idx.msk [tilespmem:v40+s14+$0x0], $0xffff  }
0xa0: {  	v14 =	vmul.f32 v14, v1;
	v22 =	vmov v47;
	v58 =	vmul.f32 v7, v1;
	[tilespmem:$0x1FC20] =	vst v15;
	v0 =	vld.idx.msk [tilespmem:v0+s19+$0x0], $0xffff  }
0xa1: {  	v15 =	vor.u32 v24, v54;
	v9 =	vmul.f32 v10, v1;
	v10 =	vld.idx.msk [tilespmem:v37+s19+$0x0], $0xffff;
	v7 =	vadd.f32 v38, v17  }
0xa2: {  	v56 =	vmul.f32 v16, v1;
	v47 =	vadd.f32 v14, v63;
	v48 =	vadd.f32 v2, v63;
	v16 =	vld.idx.msk [tilespmem:v35+s19+$0x0], $0xffff  }
0xa3: {  	v14 =	vor.u32 v25, v54;
	v50 =	vadd.f32 v9, v63;
	v9 =	vld.idx.msk [tilespmem:v34+s19+$0x0], $0xffff;
	v2 =	vadd.f32 v8, v7  }
0xa4: {  	v23 =	vor.u32 v55, v54;
	v6 =	vmul.f32 v6, v1;
	v39 =	vor.u32 v26, v54;
	v61 =	vld.idx.msk [tilespmem:v3+s14+$0x0], $0xffff  }
0xa5: {  	v17 =	vor.u32 v60, v54;
	v8 =	vmul.f32 v0, v1;
	v0 =	vadd.f32 v4, v2;
	v2 =	vld [tilespmem:$0x1FC00]  }
0xa6: {  	v55 =	vor.u32 v62, v54;
	v11 =	vmul.f32 v11, v1;
	v24 =	vld.idx.msk [tilespmem:v33+s14+$0x0], $0xffff;
	v7 =	vor.u32 v49, v54  }
0xa7: {  	v41 =	vmul.f32 v41, v1;
	v12 =	vmul.f32 v12, v1;
	v38 =	vadd.f32 v6, v63;
	v6 =	vld.idx.msk [tilespmem:v15+s14+$0x0], $0xffff  }
0xa8: {  	v43 =	vadd.f32 v11, v63;
	v34 =	vmul.f32 v5, v1;
	v5 =	vld.idx.msk [tilespmem:v14+s14+$0x0], $0xffff;
	v0 =	vadd.f32 v32, v0  }
0xa9: {  	v11 =	vor.u32 v57, v54;
	v3 =	vmul.f32 v10, v1;
	v10 =	vor.u32 v52, v54;
	v52 =	vld.idx.msk [tilespmem:v39+s18+$0x0], $0xffff  }
0xaa: {  	v57 =	vld.idx.msk [tilespmem:v17+s19+$0x0], $0xffff;
	v60 =	vmul.f32 v9, v1;
	v9 =	vmul.f32 v2, v1;
	v2 =	vadd.f32 v42, v0  }
0xab: {  	v25 =	vor.u32 v27, v54;
	v35 =	vor.u32 v59, v54;
	v4 =	vor.u32 v44, v54;
	v62 =	vld.idx.msk [tilespmem:v7+s19+$0x0], $0xffff  }
0xac: {  	v44 =	vadd.f32 v12, v63;
	v12 =	vmul.f32 v16, v1;
	v1 =	vadd.f32 v61, v2;
	v2 =	vld [tilespmem:$0x1FC10]  }
0xad: {  	v7 =	vld [tilespmem:$0x1FC20]  }
0xae: {  	v13 =	vor.u32 v13, v54;
	v26 =	vor.u32 v20, v54;
	v17 =	vld [tilespmem:$0x1FC30]  }
0xaf: {  	s21 =	simm.s32 $0x2;
	v51 =	vadd.f32 v51, v63;
	v37 =	vimm.f32 $0.0e+00;
	v59 =	vimm.f32 $0.0e+00;
	v39 =	vld.idx.msk [tilespmem:v45+s19+$0x0], $0xffff  }
0xb0: {  	v15 =	vor.u32 v19, v54;
	v45 =	vadd.f32 v8, v63;
	v8 =	vadd.s32 s21, v28;
	v0 =	vld.idx.msk [tilespmem:v35+s19+$0x0], $0xffff  }
0xb1: {  	v33 =	vimm.f32 $0.0e+00;
	v49 =	vadd.f32 v21, v63;
	v61 =	vand.u32 $0x3F, v8;
	v8 =	vld.idx.msk [tilespmem:v25+s19+$0x0], $0xffff  }
0xb2: {  	v40 =	vadd.f32 v34, v63;
	v14 =	vor.u32 v18, v54;
	v32 =	vadd.f32 v7, v63;
	v7 =	vld.idx.msk [tilespmem:v23+s19+$0x0], $0xffff  }
0xb3: {  	v16 =	vor.u32 v22, v54;
	v42 =	vadd.f32 v17, v63;
	v17 =	vadd.f32 v24, v1;
	v1 =	vld.idx.msk [tilespmem:v26+s19+$0x0], $0xffff  }
0xb4: {  	s10 =	simm.s32 $0x3;
	v34 =	vadd.f32 v60, v63;
	v60 =	vimm.f32 $0.0e+00;
	v35 =	vimm.f32 $0.0e+00;
	v2 =	vld.idx.msk [tilespmem:v2+s19+$0x0], $0xffff  }
.LBB2_3:
0xb5: {  	v15 =	vld.idx.msk [tilespmem:v15+s19+$0x0], $0xffff  }
0xb6: {  	v11 =	vld.idx.msk [tilespmem:v11+s19+$0x0], $0xffff  }
0xb7: {  	v35 =	vadd.f32 v3, v35;
	v3 =	vld.idx.msk [tilespmem:v10+s19+$0x0], $0xffff  }
0xb8: {  	v33 =	vadd.f32 v9, v33;
	v9 =	vld [tilespmem:$0x1FEF0]  }
0xb9: {  	v10 =	vld.idx.msk [tilespmem:v53+s19+$0x0], $0xffff  }
0xba: {  	v13 =	vld.idx.msk [tilespmem:v13+s19+$0x0], $0xffff  }
0xbb: {  	v20 =	vld [tilespmem:$0x1FE80]  }
0xbc: {  	v14 =	vld.idx.msk [tilespmem:v14+s19+$0x0], $0xffff  }
0xbd: {  	v21 =	vld [tilespmem:$0x1FF10]  }
0xbe: {  	v60 =	vadd.f32 v56, v60;
	v56 =	vld [tilespmem:$0x1FED0]  }
0xbf: {  	v18 =	vor.u32 v29, v61;
	v24 =	vld [tilespmem:$0x1FF00]  }
0xc0: {  	v25 =	vld [tilespmem:$0x1FE70]  }
0xc1: {  	v19 =	vor.u32 v30, v61;
	v22 =	vld [tilespmem:$0x1FFB0];
	v6 =	vadd.f32 v6, v17  }
0xc2: {  	v59 =	vadd.f32 v58, v59;
	v4 =	vld.idx.msk [tilespmem:v4+s19+$0x0], $0xffff;
	v17 =	vor.u32 v31, v61  }
0xc3: {  	v37 =	vadd.f32 v12, v37;
	v12 =	vld [tilespmem:$0x1FEB0];
	v58 =	vor.u32 v20, v61;
	v20 =	vadd.f32 v5, v6  }
0xc4: {  	v18 =	vld.idx.msk [tilespmem:v18+s14+$0x0], $0xffff  }
0xc5: {  	v5 =	vld [tilespmem:$0x1FE60];
	v3 =	vmul.f32 v3, v20  }
0xc6: {  	v63 =	vadd.f32 v41, v63;
	v41 =	vor.u32 v56, v54;
	v19 =	vld.idx.msk [tilespmem:v19+s14+$0x0], $0xffff  }
0xc7: {  	v26 =	vor.u32 v22, v61;
	v6 =	vld.idx.msk [tilespmem:v17+s14+$0x0], $0xffff;
	v36 =	vadd.f32 v3, v36;
	v3 =	vmul.f32 v13, v20  }
0xc8: {  	v12 =	vor.u32 v12, v54;
	v17 =	vld [tilespmem:$0x1FE90];
	v22 =	vmul.f32 v0, v20;
	v0 =	vmul.f32 v14, v20  }
0xc9: {  	v46 =	vadd.f32 v3, v46;
	v3 =	vld [tilespmem:$0x1FFC0]  }
0xca: {  	v50 =	vadd.f32 v0, v50;
	v0 =	vld.idx.msk [tilespmem:v55+s19+$0x0], $0xffff  }
0xcb: {  	v23 =	vmul.f32 v2, v20;
	v2 =	vld [tilespmem:$0x1FFD0];
	v5 =	vor.u32 v5, v54  }
0xcc: {  	v15 =	vmul.f32 v15, v20;
	v14 =	vld.idx.msk [tilespmem:v41+s19+$0x0], $0xffff  }
0xcd: {  	v12 =	vld.idx.msk [tilespmem:v12+s19+$0x0], $0xffff  }
0xce: {  	v9 =	vor.u32 v9, v61;
	v47 =	vadd.f32 v15, v47;
	v15 =	vor.u32 v3, v61;
	v3 =	vld [tilespmem:$0x1FF30]  }
0xcf: {  	v53 =	vor.u32 v21, v61;
	v21 =	vor.u32 v25, v61;
	v25 =	vmul.f32 v0, v20;
	v0 =	vld [tilespmem:$0x1FFA0]  }
0xd0: {  	v54 =	vor.u32 v24, v61;
	v17 =	vor.u32 v17, v61;
	v24 =	vld.idx.msk [tilespmem:v5+s19+$0x0], $0xffff  }
0xd1: {  	v5 =	vld [tilespmem:$0x1FF90]  }
0xd2: {  	v13 =	vmul.f32 v57, v20;
	v41 =	vmul.f32 v12, v20;
	v12 =	vld.idx.msk [tilespmem:v58+s14+$0x0], $0xffff  }
0xd3: {  	v2 =	vor.u32 v2, v61;
	v58 =	vmul.f32 v11, v20;
	v11 =	vor.u32 v3, v61;
	v3 =	vld [tilespmem:$0x1FF20]  }
0xd4: {  	v10 =	vmul.f32 v10, v20;
	v9 =	vld.idx.msk [tilespmem:v9+s14+$0x0], $0xffff  }
0xd5: {  	v48 =	vadd.f32 v13, v48;
	v13 =	vld.idx.msk [tilespmem:v17+s14+$0x0], $0xffff  }
0xd6: {  	v43 =	vadd.f32 v10, v43;
	v10 =	vadd.f32 v19, v18;
	v17 =	vor.u32 v5, v61;
	v5 =	vld.idx.msk [tilespmem:v15+s14+$0x0], $0xffff  }
0xd7: {  	v15 =	vor.u32 v0, v61;
	v0 =	vld [tilespmem:$0x1FF50]  }
0xd8: {  	v19 =	vor.u32 v3, v61;
	v3 =	vmul.f32 v4, v20;
	v4 =	vadd.f32 v6, v10;
	v6 =	vld.idx.msk [tilespmem:v2+s14+$0x0], $0xffff  }
0xd9: {  	v2 =	vld [tilespmem:$0x1FF80];
	_ =	sdelay $0x2  }
0xda: {  	v18 =	vld.idx.msk [tilespmem:v26+s14+$0x0], $0xffff  }
0xdb: {  	v26 =	vor.u32 v0, v61;
	v0 =	vadd.f32 v9, v4;
	v4 =	vld [tilespmem:$0x1FF40]  }
0xdc: {  	v2 =	vor.u32 v2, v61;
	_ =	sdelay $0x1  }
0xdd: {  	v16 =	vld.idx.msk [tilespmem:v16+s19+$0x0], $0xffff;
	_ =	sdelay $0x1  }
0xde: {  	v27 =	vor.u32 v4, v61;
	v4 =	vld [tilespmem:$0x1FF70]  }
0xdf: {  	v9 =	vmul.f32 v62, v20;
	v62 =	vld.idx.msk [tilespmem:v2+s19+$0x0], $0xffff  }
0xe0: {  	v2 =	vld [tilespmem:$0x1FEA0]  }
0xe1: {  	v56 =	vmul.f32 v16, v20;
	v16 =	vld.idx.msk [tilespmem:v21+s14+$0x0], $0xffff  }
0xe2: {  	v57 =	vld.idx.msk [tilespmem:v11+s19+$0x0], $0xffff  }
0xe3: {  	v21 =	vmul.f32 v52, v20;
	v52 =	vld.idx.msk [tilespmem:v19+s18+$0x0], $0xffff  }
0xe4: {  	v11 =	vor.u32 v4, v61;
	v4 =	vld [tilespmem:$0x1FE20]  }
0xe5: {  	v19 =	vor.u32 v2, v61;
	v2 =	vld [tilespmem:$0x1FE40];
	_ =	sdelay $0x2  }
0xe6: {  	v55 =	vmul.f32 v39, v20  }
0xe7: {  	v8 =	vmul.f32 v8, v20;
	v7 =	vmul.f32 v7, v20  }
0xe8: {  	v38 =	vadd.f32 v55, v38;
	v55 =	vor.u32 v4, v61;
	v4 =	vor.u32 v2, v61;
	v2 =	vld [tilespmem:$0x1FE50]  }
0xe9: {  	v1 =	vmul.f32 v1, v20;
	v51 =	vadd.f32 v7, v51;
	v7 =	vld [tilespmem:$0x1FEE0]  }
0xea: {  	v49 =	vadd.f32 v8, v49;
	v8 =	vld [tilespmem:$0x1FEC0]  }
0xeb: {  	v40 =	vadd.f32 v1, v40;
	v1 =	vadd.f32 v12, v0;
	v0 =	vld [tilespmem:$0x1FFE0]  }
0xec: {  	v39 =	vld.idx.msk [tilespmem:v15+s19+$0x0], $0xffff  }
0xed: {  	v1 =	vadd.f32 v13, v1;
	v15 =	vor.u32 v2, v61;
	v2 =	vld [tilespmem:$0x1FE30]  }
0xee: {  	p0 =	sne.s32 s10, $0x3F  }
.Ltmp2:
0xef: {  	v14 =	vmul.f32 v14, v20;
	v1 =	vadd.f32 v16, v1;
	v16 =	vor.u32 v7, v61;
	v7 =	vld.idx.msk [tilespmem:v26+s19+$0x0], $0xffff;
	(pc) =	sbr.rel @p0 .LBB2_3-.Ltmp2, $4  }
0xf0: {  	v32 =	vadd.f32 v23, v32;
	v42 =	vadd.f32 v22, v42;
	v10 =	vor.u32 v0, v61;
	v0 =	vld.idx.msk [tilespmem:v17+s19+$0x0], $0xffff  }
0xf1: {  	s11 =	smov.u32 s10;
	v44 =	vadd.f32 v21, v44;
	v45 =	vadd.f32 v14, v45;
	v14 =	vor.u32 v8, v61;
	v8 =	vld.idx.msk [tilespmem:v27+s19+$0x0], $0xffff  }
0xf2: {  	v34 =	vadd.f32 v25, v34;
	v17 =	vadd.s32 s11, v28;
	v13 =	vor.u32 v2, v61;
	v2 =	vld.idx.msk [tilespmem:v54+s19+$0x0], $0xffff  }
0xf3: {  	s10 =	sadd.s32 $0x1, s10;
	v12 =	vmul.f32 v24, v20;
	v54 =	vmovc v61;
	v61 =	vand.u32 $0x3F, v17;
	v17 =	vadd.f32 v18, v1;
	v1 =	vld.idx.msk [tilespmem:v19+s19+$0x0], $0xffff  }
0xf4: {  	_ =	sdelay $0x3  }
0xf5: {  	v15 =	vld.idx.msk [tilespmem:v15+s19+$0x0], $0xffff  }
0xf6: {  	v11 =	vld.idx.msk [tilespmem:v11+s19+$0x0], $0xffff  }
0xf7: {  	v16 =	vld.idx.msk [tilespmem:v16+s19+$0x0], $0xffff  }
0xf8: {  	v10 =	vld.idx.msk [tilespmem:v10+s19+$0x0], $0xffff  }
0xf9: {  	v20 =	vld.idx.msk [tilespmem:v53+s19+$0x0], $0xffff  }
0xfa: {  	v23 =	vld [tilespmem:$0x1FEB0]  }
0xfb: {  	v13 =	vld.idx.msk [tilespmem:v13+s19+$0x0], $0xffff  }
0xfc: {  	v14 =	vld.idx.msk [tilespmem:v14+s19+$0x0], $0xffff  }
0xfd: {  	v25 =	vld [tilespmem:$0x1FED0]  }
0xfe: {  	v26 =	vld [tilespmem:$0x1FE80]  }
0xff: {  	v18 =	vor.u32 v29, v61;
	v27 =	vld [tilespmem:$0x1FE70]  }
0x100: {  	v19 =	vor.u32 v31, v61;
	v53 =	vld [tilespmem:$0x1FE60]  }
0x101: {  	v22 =	vor.u32 v30, v61;
	v63 =	vadd.f32 v41, v63;
	v41 =	vld [tilespmem:$0x1FFB0]  }
0x102: {  	v4 =	vld.idx.msk [tilespmem:v4+s19+$0x0], $0xffff;
	v6 =	vadd.f32 v6, v17  }
0x103: {  	v17 =	vld [tilespmem:$0x1FEF0]  }
0x104: {  	v5 =	vadd.f32 v5, v6;
	v6 =	vld.idx.msk [tilespmem:v18+s14+$0x0], $0xffff  }
0x105: {  	v19 =	vld.idx.msk [tilespmem:v19+s14+$0x0], $0xffff  }
0x106: {  	v9 =	vadd.f32 v9, v33;
	v21 =	vor.u32 v23, v54;
	v22 =	vld.idx.msk [tilespmem:v22+s14+$0x0], $0xffff  }
0x107: {  	v18 =	vadd.f32 v56, v60;
	v24 =	vor.u32 v25, v54;
	v33 =	vor.u32 v53, v54;
	v54 =	vld [tilespmem:$0x1FF10]  }
0x108: {  	v56 =	vadd.f32 v12, v37;
	v12 =	vadd.f32 v58, v59;
	v13 =	vmul.f32 v13, v5;
	v58 =	vld [tilespmem:$0x1FF30]  }
0x109: {  	v14 =	vmul.f32 v14, v5;
	v59 =	vld [tilespmem:$0x1FF20]  }
0x10a: {  	v27 =	vor.u32 v27, v61;
	v2 =	vmul.f32 v2, v5;
	v13 =	vadd.f32 v13, v46;
	v46 =	vld [tilespmem:$0x1FE90]  }
0x10b: {  	v26 =	vor.u32 v26, v61;
	v14 =	vadd.f32 v14, v50;
	v50 =	vld [tilespmem:$0x1FFD0]  }
0x10c: {  	v3 =	vadd.f32 v3, v35;
	v35 =	vor.u32 v41, v61;
	v32 =	vadd.f32 v2, v32;
	v2 =	vld [tilespmem:$0x1FEE0]  }
0x10d: {  	v21 =	vld.idx.msk [tilespmem:v21+s19+$0x0], $0xffff  }
0x10e: {  	v24 =	vld.idx.msk [tilespmem:v24+s19+$0x0], $0xffff  }
0x10f: {  	v27 =	vld.idx.msk [tilespmem:v27+s14+$0x0], $0xffff  }
0x110: {  	v17 =	vor.u32 v17, v61;
	v26 =	vld.idx.msk [tilespmem:v26+s14+$0x0], $0xffff  }
0x111: {  	v6 =	vadd.f32 v22, v6;
	v22 =	vld.idx.msk [tilespmem:v35+s14+$0x0], $0xffff  }
0x112: {  	v16 =	vmul.f32 v16, v5;
	v33 =	vld.idx.msk [tilespmem:v33+s19+$0x0], $0xffff  }
0x113: {  	v35 =	vor.u32 v58, v61;
	v58 =	vld [tilespmem:$0x1FF40]  }
0x114: {  	v16 =	vadd.f32 v16, v18;
	v18 =	vor.u32 v25, v61;
	v60 =	vor.u32 v59, v61;
	v59 =	vld [tilespmem:$0x1FEA0]  }
0x115: {  	v17 =	vld.idx.msk [tilespmem:v17+s14+$0x0], $0xffff  }
0x116: {  	v37 =	vor.u32 v46, v61;
	v46 =	vld.idx.msk [tilespmem:v55+s19+$0x0], $0xffff  }
0x117: {  	v55 =	vmul.f32 v57, v5;
	v57 =	vld [tilespmem:$0x1FFC0]  }
0x118: {  	v15 =	vmul.f32 v15, v5;
	v41 =	vor.u32 v50, v61;
	v50 =	vld [tilespmem:$0x1FF90]  }
0x119: {  	v18 =	vld.idx.msk [tilespmem:v18+s19+$0x0], $0xffff  }
0x11a: {  	v15 =	vadd.f32 v15, v47;
	v47 =	vor.u32 v54, v61;
	v54 =	vadd.f32 v55, v48;
	v55 =	vld [tilespmem:$0x1FFA0]  }
0x11b: {  	v8 =	vmul.f32 v8, v5;
	v35 =	vld.idx.msk [tilespmem:v35+s19+$0x0], $0xffff  }
0x11c: {  	v10 =	vmul.f32 v10, v5;
	v20 =	vmul.f32 v20, v5;
	v6 =	vadd.f32 v19, v6;
	v48 =	vld.idx.msk [tilespmem:v60+s18+$0x0], $0xffff  }
0x11d: {  	v8 =	vadd.f32 v8, v49;
	v2 =	vor.u32 v2, v61;
	v49 =	vor.u32 v58, v61;
	v58 =	vld [tilespmem:$0x1FFE0]  }
0x11e: {  	v7 =	vmul.f32 v7, v5;
	v0 =	vmul.f32 v0, v5;
	v6 =	vadd.f32 v17, v6;
	v17 =	vld [tilespmem:$0x1FF50]  }
0x11f: {  	v39 =	vmul.f32 v39, v5;
	v60 =	vmul.f32 v52, v5;
	v19 =	vld.idx.msk [tilespmem:v41+s14+$0x0], $0xffff  }
0x120: {  	v1 =	vmul.f32 v1, v5;
	v11 =	vmul.f32 v11, v5;
	v37 =	vld.idx.msk [tilespmem:v37+s14+$0x0], $0xffff  }
0x121: {  	v4 =	vmul.f32 v4, v5;
	v21 =	vmul.f32 v21, v5;
	v44 =	vadd.f32 v60, v44;
	v60 =	vld [tilespmem:$0x1FEC0]  }
0x122: {  	v24 =	vmul.f32 v24, v5;
	v52 =	vmul.f32 v62, v5;
	v62 =	vor.u32 v53, v61;
	v2 =	vld.idx.msk [tilespmem:v2+s19+$0x0], $0xffff  }
0x123: {  	v20 =	vadd.f32 v20, v43;
	v46 =	vmul.f32 v46, v5;
	v5 =	vmul.f32 v33, v5;
	v33 =	vld [tilespmem:$0x1FC90]  }
0x124: {  	v43 =	vor.u32 v57, v61;
	v6 =	vadd.f32 v26, v6;
	v26 =	vor.u32 v59, v61;
	v59 =	vld [tilespmem:$0x1FE30]  }
0x125: {  	v38 =	vadd.f32 v39, v38;
	v41 =	vor.u32 v50, v61;
	v39 =	vor.u32 v55, v61;
	v55 =	vld [tilespmem:$0x1FE50]  }
0x126: {  	v7 =	vadd.f32 v7, v51;
	v51 =	vor.u32 v58, v61;
	v58 =	vld [tilespmem:$0x1FF80]  }
0x127: {  	v24 =	vadd.f32 v24, v45;
	v45 =	vmov v25;
	v25 =	vld.idx.msk [tilespmem:v62+s19+$0x0], $0xffff  }
0x128: {  	v62 =	vld [tilespmem:$0x1FC70]  }
0x129: {  	v43 =	vld.idx.msk [tilespmem:v43+s14+$0x0], $0xffff  }
0x12a: {  	v1 =	vadd.f32 v1, v40;
	v40 =	vld.idx.msk [tilespmem:v41+s19+$0x0], $0xffff  }
0x12b: {  	v10 =	vadd.f32 v10, v36;
	v36 =	vor.u32 v60, v61;
	v60 =	vld [tilespmem:$0x1FF70]  }
0x12c: {  	v26 =	vld.idx.msk [tilespmem:v26+s19+$0x0], $0xffff  }
0x12d: {  	v17 =	vor.u32 v17, v61;
	v50 =	vor.u32 v59, v61;
	v59 =	vld [tilespmem:$0x1FE20]  }
0x12e: {  	v6 =	vadd.f32 v37, v6;
	v37 =	vld.idx.msk [tilespmem:v39+s19+$0x0], $0xffff  }
0x12f: {  	v41 =	vor.u32 v55, v61;
	v55 =	vld [tilespmem:$0x1FF00]  }
0x130: {  	v6 =	vadd.f32 v27, v6;
	v27 =	vld.idx.msk [tilespmem:v49+s19+$0x0], $0xffff  }
0x131: {  	v42 =	vadd.f32 v0, v42;
	v0 =	vld.idx.msk [tilespmem:v51+s19+$0x0], $0xffff  }
0x132: {  	v17 =	vld.idx.msk [tilespmem:v17+s19+$0x0], $0xffff;
	v6 =	vadd.f32 v22, v6  }
0x133: {  	v22 =	vor.u32 v60, v61;
	v60 =	vld [tilespmem:$0x1FE40]  }
0x134: {  	v36 =	vld.idx.msk [tilespmem:v36+s19+$0x0], $0xffff;
	v6 =	vadd.f32 v19, v6  }
0x135: {  	v3 =	vadd.f32 v4, v3;
	v19 =	vld.idx.msk [tilespmem:v47+s19+$0x0], $0xffff  }
0x136: {  	v34 =	vadd.f32 v46, v34;
	v47 =	vor.u32 v23, v61;
	v50 =	vld.idx.msk [tilespmem:v50+s19+$0x0], $0xffff;
	v6 =	vadd.f32 v43, v6  }
0x137: {  	v4 =	vadd.f32 v5, v56;
	v5 =	vadd.f32 v11, v12;
	v51 =	vor.u32 v59, v61;
	v41 =	vld.idx.msk [tilespmem:v41+s19+$0x0], $0xffff  }
0x138: {  	v49 =	vor.u32 v58, v61;
	v39 =	vor.u32 v55, v61;
	v22 =	vld.idx.msk [tilespmem:v22+s19+$0x0], $0xffff;
	v0 =	vmul.f32 v0, v6  }
0x139: {  	v46 =	vor.u32 v60, v61;
	v12 =	vmul.f32 v27, v6;
	v17 =	vmul.f32 v17, v6;
	v61 =	vld [tilespmem:$0x1FC50]  }
0x13a: {  	v23 =	vmul.f32 v36, v6;
	v43 =	vmul.f32 v37, v6;
	v37 =	vld [tilespmem:$0x1FC40]  }
0x13b: {  	v21 =	vadd.f32 v21, v63;
	v40 =	vmul.f32 v40, v6;
	v11 =	vld.idx.msk [tilespmem:v47+s19+$0x0], $0xffff;
	v27 =	vmul.f32 v50, v6  }
0x13c: {  	v9 =	vadd.f32 v52, v9;
	v2 =	vmul.f32 v2, v6;
	v18 =	vmul.f32 v18, v6;
	v36 =	vld.idx.msk [tilespmem:v51+s19+$0x0], $0xffff  }
0x13d: {  	v19 =	vmul.f32 v19, v6;
	v50 =	vmul.f32 v48, v6;
	v13 =	vadd.f32 v27, v13;
	v27 =	vld.idx.msk [tilespmem:v49+s19+$0x0], $0xffff  }
0x13e: {  	v47 =	vmovc v53;
	v53 =	vmul.f32 v25, v6;
	v48 =	vld [tilespmem:$0x1FD00];
	v10 =	vadd.f32 v0, v10;
	v14 =	vadd.f32 v23, v14  }
0x13f: {  	v0 =	vmul.f32 v35, v6;
	v23 =	vadd.f32 v43, v38;
	v51 =	vld.idx.msk [tilespmem:v39+s19+$0x0], $0xffff;
	v8 =	vadd.f32 v12, v8  }
0x140: {  	s21 =	sshll.u32 s16, $0x5;
	v41 =	vmul.f32 v41, v6;
	v7 =	vadd.f32 v17, v7;
	v18 =	vadd.f32 v18, v24;
	v38 =	vld [tilespmem:$0x1FC60]  }
0x141: {  	v17 =	vmov s21;
	v56 =	vadd.f32 v40, v42;
	v2 =	vadd.f32 v2, v16;
	v39 =	vld [tilespmem:$0x1FC80]  }
0x142: {  	v40 =	vld [tilespmem:$0x1FCA0];
	v19 =	vadd.f32 v19, v20;
	v52 =	vadd.f32 v50, v44;
	v12 =	vmul.f32 v27, v6  }
0x143: {  	v17 =	vmul.u32 $0x15, v17;
	v10 =	vmul.f32 $-1.000000010e-01, v10;
	v18 =	vmul.f32 $-1.000000010e-01, v18;
	v63 =	vld.idx.msk [tilespmem:v46+s19+$0x0], $0xffff  }
0x144: {  	v22 =	vmul.f32 v22, v6;
	v46 =	vmul.f32 v26, v6;
	v9 =	vadd.f32 v12, v9;
	v12 =	vld [tilespmem:$0x1FDF0]  }
0x145: {  	v4 =	vadd.f32 v53, v4;
	v44 =	vld [tilespmem:$0x1FCF0];
	v16 =	vbroadcast v17, $0x0;
	v17 =	vmul.f32 $1.000000010e-01, v52  }
0x146: {  	v50 =	vld [tilespmem:$0x1FD20];
	v15 =	vadd.f32 v41, v15;
	v11 =	vmul.f32 v11, v6;
	v35 =	vmul.f32 v36, v6  }
0x147: {  	v41 =	vld [tilespmem:$0x1FCC0];
	v1 =	vadd.f32 v46, v1;
	v20 =	vadd.s32 v61, v16;
	v24 =	vadd.s32 v33, v16  }
0x148: {  	v27 =	vadd.f32 v35, v34;
	v11 =	vadd.f32 v11, v21;
	v20 =	vand.u32 $0xFFFFFFF8, v20;
	v34 =	vld [tilespmem:$0x1FCB0]  }
0x149: {  	v21 =	vadd.s32 v62, v16;
	v24 =	vand.u32 $0xFFFFFFF8, v24;
	v35 =	vld [tilespmem:$0x1FCD0];
	v12 =	vadd.s32 v12, v16  }
0x14a: {  	v46 =	vld [tilespmem:$0x1FD10];
	v33 =	vadd.s32 v44, v16;
	v49 =	vmul.f32 v63, v6;
	v12 =	vand.u32 $0xFFFFFFF8, v12  }
0x14b: {  	v36 =	vld [tilespmem:$0x1FCE0];
	v20 =	vor.u32 v38, v20;
	v21 =	vand.u32 $0xFFFFFFF8, v21;
	v12 =	vor.u32 v37, v12  }
0x14c: {  	v24 =	vor.u32 v40, v24;
	v33 =	vand.u32 $0xFFFFFFF8, v33;
	v3 =	vadd.f32 v49, v3;
	v49 =	vld [tilespmem:$0x1FD30]  }
0x14d: {  	v6 =	vmul.f32 v51, v6;
	v21 =	vor.u32 v39, v21;
	v51 =	vld [tilespmem:$0x1FD40];
	v25 =	vadd.s32 v34, v16  }
0x14e: {  	v63 =	vmul.f32 $-1.000000010e-01, v56;
	v26 =	vadd.s32 v35, v16;
	v25 =	vand.u32 $0xFFFFFFF8, v25  }
0x14f: {  	v34 =	vadd.s32 v46, v16;
	v26 =	vand.u32 $0xFFFFFFF8, v26;
	v25 =	vor.u32 v41, v25  }
0x150: {  	v33 =	vor.u32 v48, v33;
	v34 =	vand.u32 $0xFFFFFFF8, v34;
	v26 =	vor.u32 v36, v26;
	[tilespmem:v12+s25+$0x0] =	vst.idx.msk $0xffff, v17  }
0x151: {  	v4 =	vmul.f32 $-1.000000010e-01, v4;
	v34 =	vor.u32 v50, v34;
	v35 =	vadd.s32 v49, v16;
	[tilespmem:v20+s25+$0x0] =	vst.idx.msk $0xffff, v10  }
0x152: {  	v35 =	vand.u32 $0xFFFFFFF8, v35;
	v12 =	vmul.f32 $-1.000000010e-01, v23;
	v23 =	vadd.s32 v51, v16;
	[tilespmem:v21+s25+$0x0] =	vst.idx.msk $0xffff, v63  }
0x153: {  	v19 =	vmul.f32 $-1.000000010e-01, v19;
	v52 =	vld [tilespmem:$0x1FD50];
	v17 =	vor.u32 v37, v35;
	v10 =	vand.u32 $0xFFFFFFF8, v23;
	[tilespmem:v24+s25+$0x0] =	vst.idx.msk $0xffff, v4  }
0x154: {  	v9 =	vmul.f32 $-1.000000010e-01, v9;
	v10 =	vor.u32 v38, v10;
	[tilespmem:v25+s25+$0x0] =	vst.idx.msk $0xffff, v18  }
0x155: {  	v1 =	vmul.f32 $-1.000000010e-01, v1;
	[tilespmem:v26+s25+$0x0] =	vst.idx.msk $0xffff, v19  }
0x156: {  	[tilespmem:v33+s25+$0x0] =	vst.idx.msk $0xffff, v9  }
0x157: {  	v53 =	vld [tilespmem:$0x1FD60];
	v2 =	vmul.f32 $-1.000000010e-01, v2;
	[tilespmem:v34+s25+$0x0] =	vst.idx.msk $0xffff, v1  }
0x158: {  	v20 =	vadd.s32 v52, v16;
	[tilespmem:v17+s25+$0x0] =	vst.idx.msk $0xffff, v12;
	v17 =	vld [tilespmem:$0x1FDA0]  }
0x159: {  	v20 =	vand.u32 $0xFFFFFFF8, v20;
	[tilespmem:v10+s25+$0x0] =	vst.idx.msk $0xffff, v2;
	v10 =	vld [tilespmem:$0x1FDB0]  }
0x15a: {  	v61 =	vld [tilespmem:$0x1FD70];
	v4 =	vmul.f32 $-1.000000010e-01, v14;
	v14 =	vor.u32 v39, v20  }
0x15b: {  	v62 =	vld [tilespmem:$0x1FD80]  }
0x15c: {  	v5 =	vadd.f32 v22, v5;
	v21 =	vadd.s32 v53, v16  }
0x15d: {  	v56 =	vand.u32 $0xFFFFFFF8, v21;
	v17 =	vadd.s32 v17, v16  }
0x15e: {  	v2 =	vmul.f32 $-1.000000010e-01, v5;
	v5 =	vand.u32 $0xFFFFFFF8, v17;
	v10 =	vadd.s32 v10, v16  }
0x15f: {  	v20 =	vadd.s32 v61, v16;
	[tilespmem:v14+s25+$0x0] =	vst.idx.msk $0xffff, v4;
	v4 =	vor.u32 v50, v5;
	v5 =	vand.u32 $0xFFFFFFF8, v10;
	v10 =	vld [tilespmem:$0x1FDC0]  }
0x160: {  	v18 =	vor.u32 v40, v56;
	v19 =	vand.u32 $0xFFFFFFF8, v20;
	v20 =	vadd.s32 v62, v16;
	v14 =	vld [tilespmem:$0x1FDD0]  }
0x161: {  	v63 =	vld [tilespmem:$0x1FD90];
	v9 =	vor.u32 v41, v19;
	v19 =	vand.u32 $0xFFFFFFF8, v20  }
0x162: {  	v1 =	vmul.f32 $-1.000000010e-01, v3;
	v3 =	vor.u32 v36, v19  }
0x163: {  	v15 =	vmul.f32 $-1.000000010e-01, v15  }
0x164: {  	v13 =	vmul.f32 $-1.000000010e-01, v13;
	v10 =	vadd.s32 v10, v16  }
0x165: {  	[tilespmem:v18+s25+$0x0] =	vst.idx.msk $0xffff, v15;
	v14 =	vadd.s32 v14, v16;
	v10 =	vand.u32 $0xFFFFFFF8, v10  }
0x166: {  	v20 =	vadd.s32 v63, v16;
	[tilespmem:v9+s25+$0x0] =	vst.idx.msk $0xffff, v13;
	v13 =	vld [tilespmem:$0x1FDE0];
	v9 =	vor.u32 v38, v10;
	v10 =	vand.u32 $0xFFFFFFF8, v14  }
0x167: {  	v19 =	vand.u32 $0xFFFFFFF8, v20;
	[tilespmem:v3+s25+$0x0] =	vst.idx.msk $0xffff, v1;
	v1 =	vor.u32 v39, v10;
	v10 =	vld [tilespmem:$0x1FE00]  }
0x168: {  	v12 =	vor.u32 v48, v19;
	_ =	sdelay $0x1  }
0x169: {  	v5 =	vor.u32 v37, v5  }
0x16a: {  	v7 =	vmul.f32 $-1.000000010e-01, v7;
	v13 =	vadd.s32 v13, v16  }
0x16b: {  	v3 =	vand.u32 $0xFFFFFFF8, v13;
	v10 =	vadd.s32 v10, v16  }
0x16c: {  	[tilespmem:v12+s25+$0x0] =	vst.idx.msk $0xffff, v7;
	v7 =	vmul.f32 $-1.000000010e-01, v27;
	v3 =	vor.u32 v40, v3;
	v10 =	vand.u32 $0xFFFFFFF8, v10  }
0x16d: {  	v6 =	vadd.f32 v6, v32;
	[tilespmem:v4+s25+$0x0] =	vst.idx.msk $0xffff, v2;
	v2 =	vmul.f32 $-1.000000010e-01, v11;
	v4 =	vor.u32 v41, v10  }
0x16e: {  	s10 =	sshll.u32 s16, $0x1;
	p0 =	seq.s32 s16, $0xF;
	v0 =	vadd.f32 v0, v54;
	[tilespmem:v5+s25+$0x0] =	vst.idx.msk $0xffff, v7;
	v5 =	vmul.f32 $-1.000000010e-01, v8  }
0x16f: {  	s5 =	sadd.s32 @!p0 $0x2, s10;
	[tilespmem:v9+s25+$0x0] =	vst.idx.msk $0xffff, v2;
	v2 =	vmul.f32 $-1.000000010e-01, v6  }
0x170: {  	s11 =	smul.u32 @!p0 $0x280, s5;
	v0 =	vmul.f32 $-1.000000010e-01, v0;
	[tilespmem:v1+s25+$0x0] =	vst.idx.msk $0xffff, v5  }
0x171: {  	[tilespmem:v3+s25+$0x0] =	vst.idx.msk $0xffff, v2  }
0x172: {  	s6 =	simm.s32 @!p0 $0x80;
	s7 =	simm.s32 @!p0 $0x3E00;
	s11 =	sshra.s32 @!p0 s11, $0x2;
	[tilespmem:v4+s25+$0x0] =	vst.idx.msk $0xffff, v0  }
0x173: {  	[tilespmem:s7], [sflag:$0x2] =	stream.indirect.gather @!p0 [hbm4b:s3+s6], $0x40, s11, s6, $0xb8;
	[tilespmem:$0x16000] =	vst v63  }
0x174: {  	s8 =	simm.s32 @!p0 $0x5E00;
	s7 =	sadd.s32 @!p0 $0x80, s11;
	s11 =	simm.s32 @!p0 $0x20  }
0x175: {  	[tilespmem:s8], [sflag:$0x2] =	stream.indirect.gather @!p0 [hbm4b:s3+s11], $0x40, s7, s11, $0xb8;
	[tilespmem:$0x16000] =	vst v63  }
0x176: {  	s7 =	sshll.u32 @!p0 s5, $0x4;
	s5 =	smul.u32 @!p0 $0x500, s5  }
0x177: {  	s8 =	simm.s32 @!p0 $0x10;
	s7 =	sand.u32 @!p0 $0x3FFFFFF0, s7  }
0x178: {  	s11 =	simm.s32 @!p0 $0x8E00;
	s7 =	sadd.s32 @!p0 $0x1400, s7;
	s5 =	sshra.s32 @!p0 s5, $0x2  }
0x179: {  	[tilespmem:s11], [sflag:$0x2] =	stream.indirect.gather @!p0 [hbm4b:s4+s8], $0x40, s7, s8, $0xb8;
	[tilespmem:$0x16000] =	vst v63  }
0x17a: {  	s7 =	sadd.s32 @!p0 $0x1600, s5;
	s8 =	simm.s32 @!p0 $0x9600  }
0x17b: {  	[tilespmem:s8], [sflag:$0x2] =	stream.indirect.gather @!p0 [hbm4b:s4+s6], $0x40, s7, s6, $0xb8;
	[tilespmem:$0x16000] =	vst v63  }
0x17c: {  	s7 =	sadd.s32 @!p0 $0x1680, s5;
	s8 =	simm.s32 @!p0 $0xB600  }
0x17d: {  	[tilespmem:s8], [sflag:$0x2] =	stream.indirect.gather @!p0 [hbm4b:s4+s6], $0x40, s7, s6, $0xb8;
	[tilespmem:$0x16000] =	vst v63  }
0x17e: {  	s5 =	sadd.s32 @!p0 $0x1700, s5;
	s6 =	simm.s32 @!p0 $0x40;
	s7 =	simm.s32 @!p0 $0xD600  }
0x17f: {  	[tilespmem:s7], [sflag:$0x2] =	stream.indirect.gather @!p0 [hbm4b:s4+s6], $0x40, s5, s6, $0xb8;
	[tilespmem:$0x16000] =	vst v63  }
0x180: {  	_ =	swait.ge [sflag:s28], $0x2000  }
0x181: {  	[sflag:s28] =	ssyncset.done $0x0  }
0x182: {  	[sflag:s28] =	ssyncadd.s32 $0xFFFFE000  }
0x183: {  	_ =	swait.ge [sflag:s28], $0x800  }
0x184: {  	[sflag:s28] =	ssyncset.done $0x0  }
0x185: {  	[sflag:s28] =	ssyncadd.s32 $0xFFFFF800  }
0x186: {  	_ =	swait.ge [sflag:s28], $0x400  }
0x187: {  	[sflag:s28] =	ssyncset.done $0x0  }
0x188: {  	[sflag:s28] =	ssyncadd.s32 $0xFFFFFC00  }
0x189: {  	_ =	swait.ge [sflag:s28], $0x2000  }
0x18a: {  	[sflag:s28] =	ssyncset.done $0x0  }
0x18b: {  	[sflag:s28] =	ssyncadd.s32 $0xFFFFE000  }
0x18c: {  	_ =	swait.ge [sflag:s28], $0x2000  }
0x18d: {  	[sflag:s28] =	ssyncset.done $0x0  }
0x18e: {  	[sflag:s28] =	ssyncadd.s32 $0xFFFFE000  }
0x18f: {  	_ =	swait.ge [sflag:s28], $0x1000  }
0x190: {  	v25 =	vld [tilespmem:$0x1FEF0]  }
0x191: {  	v34 =	vld [tilespmem:$0x1FE70]  }
0x192: {  	v26 =	vld [tilespmem:$0x1FE80]  }
0x193: {  	v37 =	vld [tilespmem:$0x1FFB0]  }
0x194: {  	v43 =	vld [tilespmem:$0x1FFD0]  }
0x195: {  	v32 =	vld [tilespmem:$0x1FE90]  }
0x196: {  	v49 =	vld [tilespmem:$0x1FF30]  }
0x197: {  	v48 =	vld [tilespmem:$0x1FF20]  }
0x198: {  	v33 =	vld [tilespmem:$0x1FF90]  }
0x199: {  	v39 =	vld [tilespmem:$0x1FFA0]  }
0x19a: {  	v50 =	vld [tilespmem:$0x1FF50]  }
0x19b: {  	v46 =	vld [tilespmem:$0x1FF40]  }
0x19c: {  	s7 =	simm.s32 $0x0;
	v40 =	vld [tilespmem:$0x1FEA0]  }
0x19d: {  	v0 =	vadd.s32 s7, v28;
	v38 =	vld [tilespmem:$0x1FE50]  }
0x19e: {  	v0 =	vand.u32 $0x3F, v0;
	v53 =	vld [tilespmem:$0x1FFE0]  }
0x19f: {  	v1 =	vor.u32 v29, v0;
	v35 =	vld [tilespmem:$0x1FF10]  }
0x1a0: {  	v2 =	vor.u32 v31, v0;
	v41 =	vld [tilespmem:$0x1FE30]  }
0x1a1: {  	v4 =	vor.u32 v30, v0;
	v61 =	vld [tilespmem:$0x1FEE0]  }
0x1a2: {  	v10 =	vor.u32 v57, v0;
	[sflag:s28] =	ssyncset.done $0x0;
	v42 =	vld [tilespmem:$0x1FEC0]  }
0x1a3: {  	v13 =	vor.u32 v58, v0;
	v56 =	vld [tilespmem:$0x1FEB0];
	[sflag:s28] =	ssyncadd.s32 $0xFFFFF000  }
0x1a4: {  	v1 =	vld.idx.msk [tilespmem:v1+s26+$0x0], $0xffff  }
0x1a5: {  	v15 =	vor.u32 v55, v0;
	v2 =	vld.idx.msk [tilespmem:v2+s26+$0x0], $0xffff  }
0x1a6: {  	v4 =	vld.idx.msk [tilespmem:v4+s26+$0x0], $0xffff;
	v3 =	vor.u32 v25, v0  }
0x1a7: {  	v10 =	vld.idx.msk [tilespmem:v10+s26+$0x0], $0xffff;
	v5 =	vor.u32 v34, v0  }
0x1a8: {  	v36 =	vld.idx.msk [tilespmem:v13+s0+$0x0], $0xffff;
	v6 =	vor.u32 v26, v0  }
0x1a9: {  	v13 =	vld [tilespmem:$0x1FF70];
	v7 =	vor.u32 v37, v0  }
0x1aa: {  	v15 =	vld.idx.msk [tilespmem:v15+s0+$0x0], $0xffff;
	v8 =	vor.u32 v43, v0  }
0x1ab: {  	v9 =	vor.u32 v32, v0;
	v3 =	vld.idx.msk [tilespmem:v3+s26+$0x0], $0xffff  }
0x1ac: {  	v11 =	vor.u32 v49, v0;
	v5 =	vld.idx.msk [tilespmem:v5+s26+$0x0], $0xffff  }
0x1ad: {  	v12 =	vor.u32 v48, v0;
	v6 =	vld.idx.msk [tilespmem:v6+s26+$0x0], $0xffff  }
0x1ae: {  	s8 =	simm.s32 $0x1;
	v18 =	vor.u32 v53, v0;
	v1 =	vadd.f32 v4, v1;
	v7 =	vld.idx.msk [tilespmem:v7+s26+$0x0], $0xffff  }
0x1af: {  	v24 =	vadd.s32 s8, v28;
	v19 =	vor.u32 v41, v0;
	v8 =	vld.idx.msk [tilespmem:v8+s26+$0x0], $0xffff  }
0x1b0: {  	v54 =	vand.u32 $0x3F, v24;
	v24 =	vor.u32 v56, v0;
	v1 =	vadd.f32 v2, v1;
	v4 =	vld.idx.msk [tilespmem:v9+s26+$0x0], $0xffff  }
0x1b1: {  	v23 =	vor.u32 v37, v54;
	v2 =	vld.idx.msk [tilespmem:v11+s0+$0x0], $0xffff  }
0x1b2: {  	v11 =	vor.u32 v50, v0;
	v12 =	vld.idx.msk [tilespmem:v12+s31+$0x0], $0xffff;
	v1 =	vadd.f32 v3, v1  }
0x1b3: {  	v9 =	vor.u32 v33, v0;
	v18 =	vld.idx.msk [tilespmem:v18+s0+$0x0], $0xffff  }
0x1b4: {  	v14 =	vor.u32 v39, v0;
	v19 =	vld.idx.msk [tilespmem:v19+s0+$0x0], $0xffff;
	v1 =	vadd.f32 v6, v1  }
0x1b5: {  	v24 =	vld.idx.msk [tilespmem:v24+s0+$0x0], $0xffff;
	v3 =	vor.u32 v46, v0  }
0x1b6: {  	v16 =	vor.u32 v40, v0;
	v23 =	vld.idx.msk [tilespmem:v23+s26+$0x0], $0xffff;
	v1 =	vadd.f32 v4, v1  }
0x1b7: {  	v4 =	vld.idx.msk [tilespmem:v11+s0+$0x0], $0xffff;
	v11 =	vor.u32 v35, v0  }
0x1b8: {  	v17 =	vor.u32 v13, v0;
	v9 =	vld.idx.msk [tilespmem:v9+s0+$0x0], $0xffff;
	v1 =	vadd.f32 v5, v1  }
0x1b9: {  	v6 =	vld.idx.msk [tilespmem:v14+s0+$0x0], $0xffff;
	v14 =	vor.u32 v38, v0  }
0x1ba: {  	v62 =	vimm.f32 $0.0e+00;
	v21 =	vor.u32 v32, v54;
	v3 =	vld.idx.msk [tilespmem:v3+s0+$0x0], $0xffff;
	v1 =	vadd.f32 v7, v1  }
0x1bb: {  	v52 =	vor.u32 v30, v54;
	v20 =	vor.u32 v59, v0;
	v5 =	vld.idx.msk [tilespmem:v16+s0+$0x0], $0xffff;
	v16 =	vor.u32 v61, v0  }
0x1bc: {  	v51 =	vor.u32 v60, v0;
	v44 =	vor.u32 v42, v0;
	v11 =	vld.idx.msk [tilespmem:v11+s0+$0x0], $0xffff;
	v1 =	vadd.f32 v8, v1  }
0x1bd: {  	v25 =	vor.u32 v25, v54;
	v26 =	vor.u32 v26, v54;
	v7 =	vld.idx.msk [tilespmem:v17+s0+$0x0], $0xffff;
	v17 =	vor.u32 v29, v54  }
0x1be: {  	v63 =	vor.u32 v35, v54;
	v22 =	vor.u32 v43, v54;
	v14 =	vld.idx.msk [tilespmem:v14+s0+$0x0], $0xffff;
	v27 =	vadd.f32 v10, v1  }
0x1bf: {  	v21 =	vld.idx.msk [tilespmem:v21+s26+$0x0], $0xffff;
	v35 =	vor.u32 v55, v54;
	v55 =	vor.u32 v59, v54;
	v8 =	vor.u32 v31, v54  }
0x1c0: {  	v59 =	vimm.f32 $0.0e+00;
	v16 =	vld.idx.msk [tilespmem:v16+s0+$0x0], $0xffff;
	v18 =	vmul.f32 v18, v27;
	v32 =	vmul.f32 v3, v27  }
0x1c1: {  	v1 =	vld.idx.msk [tilespmem:v44+s0+$0x0], $0xffff;
	v10 =	vor.u32 v47, v0;
	v11 =	vmul.f32 v11, v27;
	v4 =	vmul.f32 v4, v27  }
0x1c2: {  	v0 =	vor.u32 v45, v0;
	v17 =	vld.idx.msk [tilespmem:v17+s26+$0x0], $0xffff;
	v2 =	vmul.f32 v2, v27;
	v37 =	vmul.f32 v9, v27  }
0x1c3: {  	v3 =	vor.u32 v34, v54;
	v9 =	vld.idx.msk [tilespmem:v51+s0+$0x0], $0xffff;
	v14 =	vmul.f32 v14, v27;
	v15 =	vmul.f32 v15, v27  }
0x1c4: {  	v6 =	vmul.f32 v6, v27;
	v12 =	vmul.f32 v12, v27;
	v8 =	vld.idx.msk [tilespmem:v8+s26+$0x0], $0xffff;
	v34 =	vadd.f32 v18, v62  }
0x1c5: {  	v18 =	vmul.f32 v19, v27;
	v19 =	vld.idx.msk [tilespmem:v52+s26+$0x0], $0xffff;
	v56 =	vmul.f32 v16, v27;
	v45 =	vadd.f32 v14, v62  }
0x1c6: {  	v14 =	vld.idx.msk [tilespmem:v20+s0+$0x0], $0xffff;
	v16 =	vor.u32 v57, v54;
	v47 =	vadd.f32 v11, v62;
	v57 =	vmul.f32 v7, v27  }
0x1c7: {  	v11 =	vor.u32 v49, v54;
	v52 =	vadd.f32 v2, v62;
	v1 =	vmul.f32 v1, v27;
	v0 =	vld.idx.msk [tilespmem:v0+s0+$0x0], $0xffff  }
0x1c8: {  	v43 =	vadd.f32 v6, v62;
	v6 =	vor.u32 v33, v54;
	v44 =	vadd.f32 v18, v62;
	v18 =	vld.idx.msk [tilespmem:v25+s26+$0x0], $0xffff  }
0x1c9: {  	v25 =	vld.idx.msk [tilespmem:v10+s0+$0x0], $0xffff;
	v10 =	vmul.f32 v36, v27;
	v51 =	vadd.f32 v1, v62;
	v1 =	vmul.f32 v24, v27  }
0x1ca: {  	v20 =	vld.idx.msk [tilespmem:v3+s26+$0x0], $0xffff;
	v24 =	vor.u32 v48, v54;
	v3 =	vmul.f32 v9, v27;
	v7 =	vadd.f32 v19, v17  }
0x1cb: {  	v48 =	vadd.f32 v32, v62;
	v9 =	vor.u32 v13, v54;
	v13 =	vor.u32 v41, v54;
	v17 =	vld.idx.msk [tilespmem:v26+s26+$0x0], $0xffff  }
0x1cc: {  	v41 =	vld.idx.msk [tilespmem:v35+s0+$0x0], $0xffff;
	v26 =	vmul.f32 v14, v27;
	v14 =	vor.u32 v39, v54;
	v2 =	vadd.f32 v8, v7  }
0x1cd: {  	v35 =	vimm.f32 $0.0e+00;
	v19 =	vmul.f32 v5, v27;
	v5 =	vld.idx.msk [tilespmem:v16+s26+$0x0], $0xffff;
	v8 =	vor.u32 v58, v54  }
0x1ce: {  	v39 =	vor.u32 v50, v54;
	v33 =	vld.idx.msk [tilespmem:v11+s0+$0x0], $0xffff;
	v58 =	vmul.f32 v0, v27;
	v0 =	vadd.f32 v18, v2  }
0x1cf: {  	v11 =	vor.u32 v53, v54;
	v50 =	vadd.f32 v4, v62;
	v16 =	vor.u32 v38, v54;
	v7 =	vld.idx.msk [tilespmem:v22+s26+$0x0], $0xffff  }
0x1d0: {  	v38 =	vadd.f32 v15, v62;
	v53 =	vld.idx.msk [tilespmem:v24+s31+$0x0], $0xffff;
	v18 =	vor.u32 v46, v54;
	v0 =	vadd.f32 v17, v0  }
0x1d1: {  	v49 =	vadd.f32 v19, v62;
	v19 =	vor.u32 v40, v54;
	v2 =	vor.u32 v60, v54;
	v60 =	vld.idx.msk [tilespmem:v14+s0+$0x0], $0xffff  }
0x1d2: {  	v15 =	vor.u32 v42, v54;
	v40 =	vadd.f32 v37, v62;
	v32 =	vld.idx.msk [tilespmem:v8+s0+$0x0], $0xffff;
	v4 =	vadd.f32 v21, v0  }
0x1d3: {  	s11 =	simm.s32 $0x2;
	v42 =	vadd.f32 v26, v62;
	v37 =	vimm.f32 $0.0e+00;
	v46 =	vadd.f32 v12, v62;
	v0 =	vld.idx.msk [tilespmem:v6+s0+$0x0], $0xffff  }
0x1d4: {  	v12 =	vmul.f32 v25, v27;
	v8 =	vadd.s32 s11, v28;
	v6 =	vld.idx.msk [tilespmem:v39+s0+$0x0], $0xffff;
	v4 =	vadd.f32 v20, v4  }
0x1d5: {  	v36 =	vadd.f32 v58, v62;
	v14 =	vor.u32 v61, v54;
	v61 =	vand.u32 $0x3F, v8;
	v8 =	vld.idx.msk [tilespmem:v18+s0+$0x0], $0xffff  }
0x1d6: {  	v58 =	vimm.f32 $0.0e+00;
	s11 =	simm.s32 $0x3;
	v39 =	vimm.f32 $0.0e+00;
	v17 =	vadd.f32 v23, v4;
	v4 =	vld.idx.msk [tilespmem:v19+s0+$0x0], $0xffff  }
.LBB2_5:
0x1d7: {  	_ = 	snop  }
0x1d8: {  	v62 =	vadd.f32 v1, v62;
	v1 =	vadd.f32 v7, v17;
	_ =	sdelay $0x1  }
0x1d9: {  	v20 =	vadd.f32 v5, v1;
	v1 =	vld [tilespmem:$0x1FE60];
	_ =	sdelay $0x4  }
0x1da: {  	v5 =	vor.u32 v1, v54;
	v1 =	vld [tilespmem:$0x1FE90];
	_ =	sdelay $0x1  }
0x1db: {  	v16 =	vld.idx.msk [tilespmem:v16+s0+$0x0], $0xffff  }
0x1dc: {  	v39 =	vadd.f32 v3, v39;
	v3 =	vld.idx.msk [tilespmem:v11+s0+$0x0], $0xffff  }
0x1dd: {  	v11 =	vld.idx.msk [tilespmem:v63+s0+$0x0], $0xffff  }
0x1de: {  	v21 =	vor.u32 v1, v61;
	v1 =	vld [tilespmem:$0x1FF10]  }
0x1df: {  	v18 =	vor.u32 v29, v61;
	v13 =	vld.idx.msk [tilespmem:v13+s0+$0x0], $0xffff  }
0x1e0: {  	v19 =	vor.u32 v30, v61;
	v24 =	vld [tilespmem:$0x1FFB0]  }
0x1e1: {  	v37 =	vadd.f32 v12, v37;
	v12 =	vld [tilespmem:$0x1FEB0]  }
0x1e2: {  	v7 =	vld.idx.msk [tilespmem:v9+s0+$0x0], $0xffff  }
0x1e3: {  	v63 =	vor.u32 v1, v61;
	v1 =	vld [tilespmem:$0x1FED0]  }
0x1e4: {  	v18 =	vld.idx.msk [tilespmem:v18+s26+$0x0], $0xffff  }
0x1e5: {  	v3 =	vmul.f32 v3, v20;
	v19 =	vld.idx.msk [tilespmem:v19+s26+$0x0], $0xffff;
	v24 =	vor.u32 v24, v61  }
0x1e6: {  	v35 =	vadd.f32 v10, v35;
	v10 =	vld [tilespmem:$0x1FEF0];
	v12 =	vor.u32 v12, v54  }
0x1e7: {  	v15 =	vld.idx.msk [tilespmem:v15+s0+$0x0], $0xffff;
	v34 =	vadd.f32 v3, v34;
	v3 =	vmul.f32 v13, v20  }
0x1e8: {  	v17 =	vld [tilespmem:$0x1FE80];
	v1 =	vor.u32 v1, v54  }
0x1e9: {  	v44 =	vadd.f32 v3, v44;
	v3 =	vld [tilespmem:$0x1FFD0]  }
0x1ea: {  	v58 =	vadd.f32 v57, v58;
	v57 =	vmul.f32 v7, v20;
	v7 =	vadd.f32 v19, v18;
	v18 =	vld.idx.msk [tilespmem:v24+s26+$0x0], $0xffff  }
0x1eb: {  	v12 =	vld.idx.msk [tilespmem:v12+s0+$0x0], $0xffff  }
0x1ec: {  	v24 =	vld.idx.msk [tilespmem:v5+s0+$0x0], $0xffff  }
0x1ed: {  	v25 =	vmul.f32 v0, v20;
	v0 =	vmul.f32 v15, v20;
	v17 =	vor.u32 v17, v61;
	v15 =	vld.idx.msk [tilespmem:v1+s0+$0x0], $0xffff  }
0x1ee: {  	v1 =	vmul.f32 v16, v20;
	v16 =	vor.u32 v3, v61;
	v3 =	vld [tilespmem:$0x1FFC0]  }
0x1ef: {  	v5 =	vld [tilespmem:$0x1FF80]  }
0x1f0: {  	v51 =	vadd.f32 v0, v51;
	v0 =	vld.idx.msk [tilespmem:v55+s0+$0x0], $0xffff  }
0x1f1: {  	v2 =	vld.idx.msk [tilespmem:v2+s0+$0x0], $0xffff;
	v9 =	vor.u32 v31, v61;
	v10 =	vor.u32 v10, v61  }
0x1f2: {  	v13 =	vmul.f32 v33, v20;
	v45 =	vadd.f32 v1, v45;
	v1 =	vmul.f32 v12, v20;
	v12 =	vld.idx.msk [tilespmem:v17+s26+$0x0], $0xffff  }
0x1f3: {  	v17 =	vor.u32 v3, v61;
	v3 =	vld [tilespmem:$0x1FF30]  }
0x1f4: {  	v52 =	vadd.f32 v13, v52;
	v13 =	vor.u32 v5, v61;
	v5 =	vld [tilespmem:$0x1FF90]  }
0x1f5: {  	v27 =	vmul.f32 v0, v20;
	v0 =	vld [tilespmem:$0x1FFA0]  }
0x1f6: {  	v11 =	vmul.f32 v11, v20;
	v9 =	vld.idx.msk [tilespmem:v9+s26+$0x0], $0xffff  }
0x1f7: {  	v10 =	vld.idx.msk [tilespmem:v10+s26+$0x0], $0xffff  }
0x1f8: {  	v47 =	vadd.f32 v11, v47;
	v11 =	vor.u32 v3, v61;
	v3 =	vld [tilespmem:$0x1FF20]  }
0x1f9: {  	v26 =	vmul.f32 v41, v20;
	v41 =	vmul.f32 v60, v20;
	v60 =	vor.u32 v5, v61;
	v5 =	vld.idx.msk [tilespmem:v17+s26+$0x0], $0xffff  }
0x1fa: {  	v17 =	vor.u32 v0, v61;
	v0 =	vld [tilespmem:$0x1FF50]  }
0x1fb: {  	v23 =	vld [tilespmem:$0x1FE70];
	_ =	sdelay $0x1  }
0x1fc: {  	v19 =	vor.u32 v3, v61;
	v3 =	vmul.f32 v2, v20;
	v2 =	vadd.f32 v9, v7;
	_ =	sdelay $0x1  }
0x1fd: {  	v54 =	vor.u32 v0, v61;
	v0 =	vadd.f32 v10, v2;
	v2 =	vld [tilespmem:$0x1FF40]  }
0x1fe: {  	v14 =	vld.idx.msk [tilespmem:v14+s0+$0x0], $0xffff;
	v23 =	vor.u32 v23, v61  }
0x1ff: {  	v6 =	vmul.f32 v6, v20  }
0x200: {  	v22 =	vld [tilespmem:$0x1FF00]  }
0x201: {  	v50 =	vadd.f32 v6, v50;
	v6 =	vld [tilespmem:$0x1FE50]  }
0x202: {  	v28 =	vor.u32 v2, v61;
	v2 =	vld [tilespmem:$0x1FF70]  }
0x203: {  	v59 =	vadd.f32 v56, v59;
	v56 =	vmul.f32 v14, v20;
	v14 =	vld.idx.msk [tilespmem:v23+s26+$0x0], $0xffff  }
0x204: {  	v7 =	vld.idx.msk [tilespmem:v16+s26+$0x0], $0xffff  }
0x205: {  	v16 =	vld.idx.msk [tilespmem:v21+s26+$0x0], $0xffff  }
0x206: {  	v4 =	vmul.f32 v4, v20;
	v33 =	vld.idx.msk [tilespmem:v11+s0+$0x0], $0xffff  }
0x207: {  	v9 =	vor.u32 v2, v61;
	v2 =	vld [tilespmem:$0x1FE20]  }
0x208: {  	v49 =	vadd.f32 v4, v49;
	v4 =	vadd.f32 v12, v0;
	v0 =	vld [tilespmem:$0x1FFE0]  }
0x209: {  	v10 =	vmul.f32 v32, v20;
	v32 =	vld.idx.msk [tilespmem:v13+s0+$0x0], $0xffff  }
0x20a: {  	v43 =	vadd.f32 v41, v43;
	v41 =	vmul.f32 v53, v20;
	v53 =	vld.idx.msk [tilespmem:v19+s31+$0x0], $0xffff  }
0x20b: {  	v4 =	vadd.f32 v16, v4;
	v16 =	vor.u32 v6, v61;
	v6 =	vld [tilespmem:$0x1FE30]  }
0x20c: {  	v8 =	vmul.f32 v8, v20;
	v55 =	vor.u32 v2, v61;
	v2 =	vld [tilespmem:$0x1FEA0]  }
0x20d: {  	v11 =	vor.u32 v0, v61;
	v0 =	vld.idx.msk [tilespmem:v60+s0+$0x0], $0xffff  }
0x20e: {  	s5 =	smov.u32 s11;
	v22 =	vor.u32 v22, v61;
	v48 =	vadd.f32 v8, v48;
	v8 =	vlaneseq.u32;
	v60 =	vld.idx.msk [tilespmem:v17+s0+$0x0], $0xffff  }
0x20f: {  	v17 =	vadd.s32 s5, v8;
	v8 =	vld [tilespmem:$0x1FEC0]  }
0x210: {  	v13 =	vor.u32 v6, v61;
	v6 =	vld [tilespmem:$0x1FEE0]  }
0x211: {  	p1 =	sne.s32 s11, $0x3F;
	v19 =	vor.u32 v2, v61;
	v2 =	vld [tilespmem:$0x1FE40]  }
.Ltmp3:
0x212: {  	v38 =	vadd.f32 v26, v38;
	v15 =	vmul.f32 v15, v20;
	(pc) =	sbr.rel @p1 .LBB2_5-.Ltmp3, $4  }
0x213: {  	v40 =	vadd.f32 v25, v40;
	v46 =	vadd.f32 v41, v46;
	v41 =	vld.idx.msk [tilespmem:v22+s0+$0x0], $0xffff  }
0x214: {  	v36 =	vadd.f32 v15, v36;
	v4 =	vadd.f32 v14, v4;
	v15 =	vor.u32 v8, v61;
	v8 =	vld.idx.msk [tilespmem:v28+s0+$0x0], $0xffff  }
0x215: {  	v42 =	vadd.f32 v27, v42;
	v12 =	vmul.f32 v24, v20;
	v14 =	vor.u32 v6, v61;
	v6 =	vld.idx.msk [tilespmem:v54+s0+$0x0], $0xffff  }
0x216: {  	s11 =	sadd.s32 $0x1, s11;
	v54 =	vmovc v61;
	v2 =	vor.u32 v2, v61;
	v61 =	vand.u32 $0x3F, v17;
	v17 =	vadd.f32 v18, v4;
	v4 =	vld.idx.msk [tilespmem:v19+s0+$0x0], $0xffff  }
0x217: {  	_ =	sdelay $0x3  }
0x218: {  	v16 =	vld.idx.msk [tilespmem:v16+s0+$0x0], $0xffff  }
0x219: {  	v11 =	vld.idx.msk [tilespmem:v11+s0+$0x0], $0xffff  }
0x21a: {  	v13 =	vld.idx.msk [tilespmem:v13+s0+$0x0], $0xffff  }
0x21b: {  	v15 =	vld.idx.msk [tilespmem:v15+s0+$0x0], $0xffff  }
0x21c: {  	v21 =	vld.idx.msk [tilespmem:v63+s0+$0x0], $0xffff  }
0x21d: {  	v20 =	vadd.f32 v56, v59;
	v56 =	vld [tilespmem:$0x1FEB0]  }
0x21e: {  	v22 =	vadd.f32 v3, v39;
	v3 =	vld [tilespmem:$0x1FEF0]  }
0x21f: {  	v14 =	vld.idx.msk [tilespmem:v14+s0+$0x0], $0xffff  }
0x220: {  	v63 =	vld [tilespmem:$0x1FED0]  }
0x221: {  	v23 =	vld [tilespmem:$0x1FE80]  }
0x222: {  	v2 =	vld.idx.msk [tilespmem:v2+s0+$0x0], $0xffff  }
0x223: {  	v59 =	vld [tilespmem:$0x1FFC0]  }
0x224: {  	v19 =	vor.u32 v30, v61;
	v30 =	vld [tilespmem:$0x1FF90]  }
0x225: {  	v7 =	vadd.f32 v7, v17;
	v17 =	vadd.f32 v1, v62;
	v1 =	vld.idx.msk [tilespmem:v9+s0+$0x0], $0xffff  }
0x226: {  	v9 =	vor.u32 v31, v61;
	v31 =	vld [tilespmem:$0x1FE40]  }
0x227: {  	v18 =	vor.u32 v29, v61;
	v29 =	vadd.f32 v57, v58;
	v58 =	vld [tilespmem:$0x1FF20]  }
0x228: {  	v5 =	vadd.f32 v5, v7;
	v57 =	vld [tilespmem:$0x1FF80]  }
0x229: {  	v19 =	vld.idx.msk [tilespmem:v19+s26+$0x0], $0xffff  }
0x22a: {  	v27 =	vmul.f32 v33, v5;
	v33 =	vld.idx.msk [tilespmem:v55+s0+$0x0], $0xffff  }
0x22b: {  	v15 =	vmul.f32 v15, v5;
	v21 =	vmul.f32 v21, v5;
	v9 =	vld.idx.msk [tilespmem:v9+s26+$0x0], $0xffff  }
0x22c: {  	v25 =	vor.u32 v23, v61;
	v8 =	vmul.f32 v8, v5;
	v23 =	vadd.f32 v27, v52;
	v52 =	vld [tilespmem:$0x1FE60]  }
0x22d: {  	v4 =	vmul.f32 v4, v5;
	v21 =	vadd.f32 v21, v47;
	v47 =	vld [tilespmem:$0x1FF30]  }
0x22e: {  	v11 =	vmul.f32 v11, v5;
	v15 =	vadd.f32 v15, v51;
	v51 =	vadd.f32 v8, v48;
	v48 =	vld [tilespmem:$0x1FFE0]  }
0x22f: {  	v4 =	vadd.f32 v4, v49;
	v49 =	vld [tilespmem:$0x1FF10]  }
0x230: {  	v16 =	vmul.f32 v16, v5;
	v6 =	vmul.f32 v6, v5;
	v11 =	vadd.f32 v11, v34;
	v34 =	vld [tilespmem:$0x1FE30]  }
0x231: {  	v3 =	vor.u32 v3, v61;
	v13 =	vmul.f32 v13, v5;
	v18 =	vld.idx.msk [tilespmem:v18+s26+$0x0], $0xffff  }
0x232: {  	v16 =	vadd.f32 v16, v45;
	v45 =	vmul.f32 v1, v5;
	v1 =	vadd.f32 v6, v50;
	v50 =	vld [tilespmem:$0x1FEC0]  }
0x233: {  	v13 =	vadd.f32 v13, v44;
	v44 =	vmul.f32 v53, v5;
	[tilespmem:$0x1FBF0] =	vst v23;
	v23 =	vld [tilespmem:$0x1FFB0]  }
0x234: {  	[tilespmem:$0x1FBE0] =	vst v51;
	v51 =	vld [tilespmem:$0x1FE50]  }
0x235: {  	v7 =	vor.u32 v56, v54;
	v44 =	vadd.f32 v44, v46;
	v46 =	vld [tilespmem:$0x1FEA0]  }
0x236: {  	v24 =	vor.u32 v63, v54;
	v18 =	vadd.f32 v19, v18;
	v19 =	vld [tilespmem:$0x1FE90]  }
0x237: {  	v26 =	vld.idx.msk [tilespmem:v3+s26+$0x0], $0xffff  }
0x238: {  	v62 =	vor.u32 v59, v61;
	v3 =	vld [tilespmem:$0x1FE70]  }
0x239: {  	v45 =	vadd.f32 v45, v29;
	v29 =	vld [tilespmem:$0x1FDF0]  }
0x23a: {  	v7 =	vld.idx.msk [tilespmem:v7+s0+$0x0], $0xffff  }
0x23b: {  	v24 =	vld.idx.msk [tilespmem:v24+s0+$0x0], $0xffff;
	v19 =	vor.u32 v19, v61  }
0x23c: {  	v28 =	vor.u32 v52, v54;
	v54 =	vmul.f32 v60, v5;
	v60 =	vld [tilespmem:$0x1FFD0]  }
0x23d: {  	v10 =	vadd.f32 v10, v35;
	v35 =	vld.idx.msk [tilespmem:v62+s26+$0x0], $0xffff;
	v3 =	vor.u32 v3, v61  }
0x23e: {  	v8 =	vor.u32 v58, v61;
	v55 =	vadd.f32 v9, v18;
	v18 =	vld.idx.msk [tilespmem:v25+s26+$0x0], $0xffff  }
0x23f: {  	v62 =	vld [tilespmem:$0x1FF40];
	v33 =	vmul.f32 v33, v5;
	v27 =	vor.u32 v23, v61  }
0x240: {  	v12 =	vadd.f32 v12, v37;
	v37 =	vmul.f32 v0, v5;
	v19 =	vld.idx.msk [tilespmem:v19+s26+$0x0], $0xffff  }
0x241: {  	v0 =	vadd.f32 v33, v42;
	v33 =	vld [tilespmem:$0x1FF70];
	v9 =	vor.u32 v60, v61;
	v26 =	vadd.f32 v26, v55  }
0x242: {  	v39 =	vld.idx.msk [tilespmem:v3+s26+$0x0], $0xffff  }
0x243: {  	v8 =	vld.idx.msk [tilespmem:v8+s31+$0x0], $0xffff;
	v18 =	vadd.f32 v18, v26  }
0x244: {  	v27 =	vld.idx.msk [tilespmem:v27+s26+$0x0], $0xffff  }
0x245: {  	v14 =	vmul.f32 v14, v5;
	v23 =	vld [tilespmem:$0x1FFA0];
	v18 =	vadd.f32 v19, v18;
	v19 =	vor.u32 v48, v61  }
0x246: {  	v6 =	vor.u32 v62, v61;
	v25 =	vmul.f32 v41, v5;
	v41 =	vor.u32 v47, v61;
	v9 =	vld.idx.msk [tilespmem:v9+s26+$0x0], $0xffff  }
0x247: {  	v28 =	vld.idx.msk [tilespmem:v28+s0+$0x0], $0xffff;
	v60 =	vmul.f32 v24, v5;
	v18 =	vadd.f32 v39, v18;
	v39 =	vor.u32 v34, v61  }
0x248: {  	v47 =	vmul.f32 v2, v5;
	v55 =	vld [tilespmem:$0x1FF50];
	v2 =	vadd.f32 v25, v38;
	v25 =	vadd.f32 v37, v40  }
0x249: {  	v40 =	vor.u32 v52, v61;
	v36 =	vadd.f32 v60, v36;
	v60 =	vld [tilespmem:$0x1FF00];
	v18 =	vadd.f32 v27, v18  }
0x24a: {  	v32 =	vmul.f32 v32, v5;
	v14 =	vadd.f32 v14, v20;
	v53 =	vor.u32 v63, v61;
	v19 =	vld.idx.msk [tilespmem:v19+s0+$0x0], $0xffff  }
0x24b: {  	v3 =	vadd.f32 v54, v43;
	v54 =	vor.u32 v49, v61;
	v6 =	vld.idx.msk [tilespmem:v6+s0+$0x0], $0xffff;
	v9 =	vadd.f32 v9, v18  }
0x24c: {  	v7 =	vmul.f32 v7, v5;
	v5 =	vmul.f32 v28, v5;
	v28 =	vor.u32 v50, v61;
	v20 =	vld.idx.msk [tilespmem:v39+s0+$0x0], $0xffff  }
0x24d: {  	v41 =	vld.idx.msk [tilespmem:v41+s0+$0x0], $0xffff;
	v9 =	vadd.f32 v35, v9  }
0x24e: {  	v22 =	vadd.f32 v47, v22;
	v40 =	vld.idx.msk [tilespmem:v40+s0+$0x0], $0xffff  }
0x24f: {  	v47 =	vor.u32 v31, v61;
	v5 =	vadd.f32 v5, v12;
	v12 =	vld.idx.msk [tilespmem:v53+s0+$0x0], $0xffff;
	v19 =	vmul.f32 v19, v9  }
0x250: {  	v43 =	vor.u32 v57, v61;
	v38 =	vld.idx.msk [tilespmem:v54+s0+$0x0], $0xffff  }
0x251: {  	v28 =	vld.idx.msk [tilespmem:v28+s0+$0x0], $0xffff;
	v18 =	vor.u32 v51, v61;
	v11 =	vadd.f32 v19, v11;
	v19 =	vmul.f32 v20, v9  }
0x252: {  	s5 =	sor.u32 $0x10, s21;
	v54 =	vld [tilespmem:$0x1FEE0];
	v39 =	vor.u32 v56, v61  }
0x253: {  	v53 =	vld [tilespmem:$0x1FE20];
	v13 =	vadd.f32 v19, v13;
	v19 =	vmov s5  }
0x254: {  	v10 =	vadd.f32 v32, v10;
	v42 =	vld.idx.msk [tilespmem:v47+s0+$0x0], $0xffff;
	v27 =	vor.u32 v30, v61;
	v19 =	vmul.u32 $0x15, v19  }
0x255: {  	v7 =	vadd.f32 v7, v17;
	v32 =	vor.u32 v23, v61;
	v26 =	vor.u32 v55, v61;
	v24 =	vld.idx.msk [tilespmem:v43+s0+$0x0], $0xffff  }
0x256: {  	v43 =	vor.u32 v60, v61;
	v28 =	vmul.f32 v28, v9;
	v18 =	vld.idx.msk [tilespmem:v18+s0+$0x0], $0xffff;
	v19 =	vbroadcast v19, $0x0  }
0x257: {  	v17 =	vor.u32 v54, v61;
	v35 =	vor.u32 v33, v61;
	v20 =	vor.u32 v46, v61;
	v39 =	vld.idx.msk [tilespmem:v39+s0+$0x0], $0xffff  }
0x258: {  	v15 =	vadd.f32 v28, v15;
	v28 =	vor.u32 v53, v61;
	v61 =	vadd.s32 v29, v19;
	v29 =	vld [tilespmem:$0x1FC50]  }
0x259: {  	v27 =	vld.idx.msk [tilespmem:v27+s0+$0x0], $0xffff  }
0x25a: {  	v32 =	vld.idx.msk [tilespmem:v32+s0+$0x0], $0xffff  }
0x25b: {  	v26 =	vld.idx.msk [tilespmem:v26+s0+$0x0], $0xffff;
	v18 =	vmul.f32 v18, v9  }
0x25c: {  	v37 =	vld.idx.msk [tilespmem:v43+s0+$0x0], $0xffff  }
0x25d: {  	v16 =	vadd.f32 v18, v16;
	v18 =	vmul.f32 v39, v9;
	v39 =	vadd.s32 v29, v19;
	v29 =	vld [tilespmem:$0x1FC70]  }
0x25e: {  	v17 =	vld.idx.msk [tilespmem:v17+s0+$0x0], $0xffff;
	v8 =	vmul.f32 v8, v9;
	v27 =	vmul.f32 v27, v9  }
0x25f: {  	v35 =	vld.idx.msk [tilespmem:v35+s0+$0x0], $0xffff  }
0x260: {  	v8 =	vadd.f32 v8, v44;
	v25 =	vadd.f32 v27, v25;
	v27 =	vld [tilespmem:$0x1FC90]  }
0x261: {  	v20 =	vld.idx.msk [tilespmem:v20+s0+$0x0], $0xffff  }
0x262: {  	v8 =	vmul.f32 $1.000000010e-01, v8;
	v43 =	vadd.s32 v29, v19;
	v29 =	vld [tilespmem:$0x1FCB0]  }
0x263: {  	v28 =	vld.idx.msk [tilespmem:v28+s0+$0x0], $0xffff  }
0x264: {  	[tilespmem:v61+s25+$0x0] =	vst.idx.msk $0xffff, v8;
	v61 =	vmul.f32 $-1.000000010e-01, v25;
	v25 =	vld [tilespmem:$0x1FCD0]  }
0x265: {  	v40 =	vmul.f32 v40, v9  }
0x266: {  	v12 =	vmul.f32 v12, v9;
	v27 =	vadd.s32 v27, v19  }
0x267: {  	v5 =	vadd.f32 v40, v5;
	v11 =	vmul.f32 $-1.000000010e-01, v11;
	v44 =	vadd.s32 v29, v19  }
0x268: {  	v38 =	vmul.f32 v38, v9;
	v47 =	vadd.f32 v12, v36  }
0x269: {  	v5 =	vmul.f32 $-1.000000010e-01, v5;
	v36 =	vmul.f32 v20, v9;
	v20 =	vld [tilespmem:$0x1FCF0];
	v25 =	vadd.s32 v25, v19;
	[tilespmem:v39+s25+$0x0] =	vst.idx.msk $0xffff, v11  }
0x26a: {  	v21 =	vadd.f32 v38, v21;
	v38 =	vld [tilespmem:$0x1FD10];
	v8 =	vmul.f32 $-1.000000010e-01, v47;
	[tilespmem:v43+s25+$0x0] =	vst.idx.msk $0xffff, v61  }
0x26b: {  	v39 =	vld [tilespmem:$0x1FD30];
	[tilespmem:v27+s25+$0x0] =	vst.idx.msk $0xffff, v5  }
0x26c: {  	v17 =	vmul.f32 v17, v9;
	v5 =	vmul.f32 $-1.000000010e-01, v21;
	[tilespmem:v44+s25+$0x0] =	vst.idx.msk $0xffff, v8;
	v44 =	vld [tilespmem:$0x1FD40]  }
0x26d: {  	v32 =	vmul.f32 v32, v9;
	v24 =	vmul.f32 v24, v9;
	v47 =	vld [tilespmem:$0x1FD50]  }
0x26e: {  	v20 =	vadd.s32 v20, v19;
	[tilespmem:v25+s25+$0x0] =	vst.idx.msk $0xffff, v5;
	v5 =	vadd.f32 v17, v14;
	v17 =	vld [tilespmem:$0x1FD60]  }
0x26f: {  	v10 =	vadd.f32 v24, v10;
	v3 =	vadd.f32 v32, v3;
	v32 =	vld [tilespmem:$0x1FD70];
	v12 =	vadd.s32 v38, v19  }
0x270: {  	v4 =	vadd.f32 v36, v4;
	v36 =	vld [tilespmem:$0x1FD80];
	v11 =	vadd.s32 v39, v19  }
0x271: {  	v26 =	vmul.f32 v26, v9;
	v38 =	vld [tilespmem:$0x1FD90];
	v43 =	vmul.f32 $-1.000000010e-01, v10;
	v10 =	vadd.s32 v44, v19  }
0x272: {  	v40 =	vld [tilespmem:$0x1FDA0];
	v4 =	vmul.f32 $-1.000000010e-01, v4;
	v14 =	vadd.s32 v47, v19  }
0x273: {  	v1 =	vadd.f32 v26, v1;
	v3 =	vmul.f32 $-1.000000010e-01, v3;
	[tilespmem:v20+s25+$0x0] =	vst.idx.msk $0xffff, v43;
	v17 =	vadd.s32 v17, v19  }
0x274: {  	[tilespmem:v12+s25+$0x0] =	vst.idx.msk $0xffff, v4;
	v4 =	vmul.f32 v42, v9;
	v5 =	vmul.f32 $-1.000000010e-01, v5;
	v12 =	vadd.s32 v32, v19  }
0x275: {  	v61 =	vmul.f32 v35, v9;
	v35 =	vmul.f32 $-1.000000010e-01, v15;
	[tilespmem:v11+s25+$0x0] =	vst.idx.msk $0xffff, v3;
	v11 =	vadd.s32 v36, v19  }
0x276: {  	v4 =	vadd.f32 v4, v22;
	[tilespmem:v10+s25+$0x0] =	vst.idx.msk $0xffff, v5;
	v5 =	vmul.f32 $-1.000000010e-01, v16;
	v10 =	vadd.s32 v38, v19  }
0x277: {  	v39 =	vmul.f32 $-1.000000010e-01, v13;
	v13 =	vadd.s32 v40, v19;
	v43 =	vld [tilespmem:$0x1FDC0];
	v3 =	vmul.f32 v28, v9;
	[tilespmem:v14+s25+$0x0] =	vst.idx.msk $0xffff, v35  }
0x278: {  	v42 =	vld [tilespmem:$0x1FDB0];
	v4 =	vmul.f32 $-1.000000010e-01, v4;
	[tilespmem:v17+s25+$0x0] =	vst.idx.msk $0xffff, v5;
	v5 =	vadd.f32 v61, v45  }
0x279: {  	v1 =	vmul.f32 $-1.000000010e-01, v1;
	v44 =	vld [tilespmem:$0x1FBE0];
	v3 =	vadd.f32 v3, v0;
	[tilespmem:v12+s25+$0x0] =	vst.idx.msk $0xffff, v39  }
0x27a: {  	[tilespmem:v11+s25+$0x0] =	vst.idx.msk $0xffff, v4;
	v4 =	vadd.f32 v18, v7;
	v5 =	vmul.f32 $-1.000000010e-01, v5;
	v7 =	vld [tilespmem:$0x1FDD0]  }
0x27b: {  	v45 =	vmul.f32 $-1.000000010e-01, v3;
	v3 =	vld [tilespmem:$0x1FDE0];
	[tilespmem:v10+s25+$0x0] =	vst.idx.msk $0xffff, v1  }
0x27c: {  	[tilespmem:v13+s25+$0x0] =	vst.idx.msk $0xffff, v5;
	v5 =	vld [tilespmem:$0x1FE00]  }
0x27d: {  	v6 =	vmul.f32 v6, v9;
	v47 =	vld [tilespmem:$0x1FBF0];
	v8 =	vadd.s32 v42, v19  }
0x27e: {  	v41 =	vmul.f32 v41, v9;
	v37 =	vmul.f32 v37, v9;
	v9 =	vadd.s32 v43, v19  }
0x27f: {  	v24 =	vld [tilespmem:$0x1FFD0];
	v7 =	vadd.s32 v7, v19  }
0x280: {  	v29 =	vld [tilespmem:$0x1FFF0];
	v0 =	vadd.f32 v6, v44;
	v3 =	vadd.s32 v3, v19  }
0x281: {  	v2 =	vadd.f32 v37, v2;
	v20 =	vld [tilespmem:$0x1FE90];
	v4 =	vmul.f32 $-1.000000010e-01, v4;
	v5 =	vadd.s32 v5, v19  }
.Ltmp4:
0x282: {  	v22 =	vld [tilespmem:$0x1FE70];
	v0 =	vmul.f32 $-1.000000010e-01, v0;
	v1 =	vadd.f32 v41, v47;
	[tilespmem:v8+s25+$0x0] =	vst.idx.msk $0xffff, v45;
	(pc) =	sbr.rel @p0 .LBB2_8-.Ltmp4, $4  }
0x283: {  	v2 =	vmul.f32 $-1.000000010e-01, v2;
	v18 =	vld [tilespmem:$0x1FEF0];
	[tilespmem:v9+s25+$0x0] =	vst.idx.msk $0xffff, v4  }
0x284: {  	v26 =	vmovc v58;
	v21 =	vmovc v52;
	v27 =	vmov v62;
	v61 =	vmul.f32 $-1.000000010e-01, v1;
	v45 =	vmov v60;
	v60 =	vld [tilespmem:$0x1FF30];
	[tilespmem:v7+s25+$0x0] =	vst.idx.msk $0xffff, v0  }
0x285: {  	v25 =	vmovc v59;
	v59 =	vmovc v30;
	v43 =	vmov v63;
	v44 =	vmov v31;
	v47 =	vmov v54;
	v19 =	vld [tilespmem:$0x1FE80];
	[tilespmem:v3+s25+$0x0] =	vst.idx.msk $0xffff, v2  }
0x286: {  	v41 =	vmovc v34;
	[tilespmem:v5+s25+$0x0] =	vst.idx.msk $0xffff, v61;
	v5 =	vmovc v48;
	v61 =	vld [tilespmem:$0x1FFB0];
	v48 =	vmov v49;
	v49 =	vmov v57;
	v57 =	vmov v33  }
0x287: {  	s5 =	sadd.s32 $0x3, s10  }
0x288: {  	s6 =	smul.u32 $0x280, s5;
	_ =	sdelay $0x1  }
0x289: {  	s6 =	sshra.s32 s6, $0x2  }
0x28a: {  	[tilespmem:s26], [sflag:$0x3] =	stream.indirect.gather [hbm4b:s3+s13], $0x40, s6, s13, $0xb8;
	[tilespmem:$0x16000] =	vst v63  }
0x28b: {  	s10 =	sshll.u32 s5, $0x4;
	s5 =	smul.u32 $0x500, s5;
	s6 =	sadd.s32 $0x80, s6  }
0x28c: {  	[tilespmem:s29], [sflag:$0x3] =	stream.indirect.gather [hbm4b:s3+s15], $0x40, s6, s15, $0xb8;
	[tilespmem:$0x16000] =	vst v63  }
0x28d: {  	s6 =	sand.u32 $0x3FFFFFF0, s10  }
0x28e: {  	s5 =	sshra.s32 s5, $0x2;
	s6 =	sadd.s32 $0x1400, s6  }
0x28f: {  	[tilespmem:s31], [sflag:$0x3] =	stream.indirect.gather [hbm4b:s4+s17], $0x40, s6, s17, $0xb8;
	[tilespmem:$0x16000] =	vst v63  }
0x290: {  	s11 =	sadd.s32 $0x1600, s5  }
0x291: {  	[tilespmem:s0], [sflag:$0x3] =	stream.indirect.gather [hbm4b:s4+s13], $0x40, s11, s13, $0xb8;
	[tilespmem:$0x16000] =	vst v63  }
.Ltmp5:
0x292: {  	_ = 	snop;
	(pc) =	sbr.rel .LBB2_2-.Ltmp5, $4  }
0x293: {  	s21 =	sadd.s32 $0x1680, s5  }
0x294: {  	[tilespmem:s20], [sflag:$0x3] =	stream.indirect.gather [hbm4b:s4+s13], $0x40, s21, s13, $0xb8;
	[tilespmem:$0x16000] =	vst v63  }
0x295: {  	s16 =	sadd.s32 $0x1, s16;
	v30 =	vld [tilespmem:$0x1FE10];
	s5 =	sadd.s32 $0x1700, s5  }
0x296: {  	v28 =	vlaneseq.u32;
	v31 =	vld [tilespmem:$0x1FF60];
	[tilespmem:s23], [sflag:$0x3] =	stream.indirect.gather [hbm4b:s4+s22], $0x40, s5, s22, $0xb8  }
.LBB2_9:
0x297: {  	_ =	sfence.sel $0x180000  }
0x298: {  	[bflag:$0x0] =	sbarrier.arrive $0xFFFF  }
0x299: {  	_ =	strace $0x90000047  }
0x29a: {  	s0 =	stileid.u32;
	[bflag:$0x2] =	sbarrier.arrive $0xFFFF  }
0x29b: {  	p0 =	sne.s32 s0, $0x0;
	s0 =	rddreg [dreg:$0x2]  }
0x29c: {  	s0 =	sadd.s32 @!p0 $0x100000, s0  }
0x29d: {  	[sflag:s0] =	ssyncadd.tile.s32 @!p0 $0x1;
	_ =	shalt  }
.Lfunc_end2:
_tile_overlayer_lowered:
.L_overlay_start_2:
0x29e: {  	(tag) =	ssettag $0x2  }
0x29f: {  	s0 =	rddreg [dreg:$0x0];
	s2 =	stileid.u32  }
0x2a0: {  	s1 =	rddreg [dreg:$0x1];
	p0 =	sne.s32 s2, $0x0  }
0x2a1: {  	s3 =	rddreg [dreg:$0x2];
	[bflag:$0x3] =	sbarrier.arrive $0xFFFF;
	s2 =	simm.s32 @!p0 $0x1C04  }
0x2a2: {  	[timem:s3], [sflag:s2] =	dma.local @!p0 [hbm:s0], s1  }
0x2a3: {  	s0 =	simm.s32 @!p0 $0x4  }
0x2a4: {  	_ =	swait.ge @!p0 [sflag:s0], s1  }
0x2a5: {  	s1 =	ssub.s32 @!p0 $0x0, s1;
	[sflag:s0] =	ssyncset.done @!p0 $0x0  }
0x2a6: {  	[sflag:s0] =	ssyncadd.s32 @!p0 s1  }
0x2a7: {  	[bflag:$0x3] =	sbarrier.arrive $0xFFFF  }
0x2a8: {  	_ =	shalt  }

</sc_bundles>
